<compile_context>
chip_gen: v7x
topology: tpu7x:2x2x1
jax: 0.10.2.dev20260603
libtpu: 0.0.44.dev20260713+nightly
codegen_flags: <defaults>
</compile_context>

<pallas_src>
import functools

import jax
import jax.numpy as jnp
from jax import lax
from jax.experimental import pallas as pl
from jax.experimental.pallas import tpu as pltpu
from jax.experimental.pallas import tpu_sc as plsc

N = 10000
D = 128
TYPE_NUM = 8000
NC = 2
NS = 16
NW = NC * NS
CHUNK = 128
NCH = 80
EPW = NCH * CHUNK
E_PAD = EPW * NW
PAD_DST = N
RPS = 632
ACC_ROWS = RPS * NS
HIST_W = 16
SEC = 5
CPS = NCH // SEC
BR = 1000

_mesh = plsc.VectorSubcoreMesh(core_axis_name="c", subcore_axis_name="s")


SPIN = 400


def _sw_barrier(cnt_smem, slot):
    plsc.fetch_and_add(cnt_smem.at[slot], 1, subcore_id=0)
    cnt_smem[4 + slot] = 0

    @pl.loop(0, SPIN)
    def _(i):
        @pl.when(cnt_smem[4 + slot] == 0)
        def _():
            v = plsc.fetch_and_add(cnt_smem.at[slot], 0, subcore_id=0)

            @pl.when(v >= NS)
            def _():
                cnt_smem[4 + slot] = 1


def _barrier(cnt_smem, slot):
    plsc.subcore_barrier()
    _sw_barrier(cnt_smem, slot)


@functools.partial(
    pl.kernel,
    mesh=_mesh,
    out_type=jax.ShapeDtypeStruct((NC, ACC_ROWS, HIST_W), jnp.float32),
    scratch_types=[
        pltpu.VMEM((NCH, CHUNK), jnp.int32),
        pltpu.VMEM((CHUNK, HIST_W), jnp.float32),
        pltpu.VMEM_SHARED((ACC_ROWS, HIST_W), jnp.float32),
        pltpu.SMEM((8,), jnp.int32),
    ],
)
def _sc_hist(dst_hbm, zeros_hbm, ones_hbm, out_hbm, idx_v, ones_v, acc_s,
             cnt_smem):
    cid = lax.axis_index("c")
    sid = lax.axis_index("s")
    wid = cid * NS + sid
    my_rows = pl.ds(sid * RPS, RPS)

    @pl.when(sid == 0)
    def _():
        @pl.loop(0, 8)
        def _(i):
            cnt_smem[i] = 0

    pltpu.sync_copy(zeros_hbm.at[my_rows], acc_s.at[my_rows])
    pltpu.sync_copy(ones_hbm, ones_v)
    pltpu.sync_copy(dst_hbm.at[wid], idx_v)
    _barrier(cnt_smem, 0)

    @pl.loop(0, NCH)
    def _(j):
        pltpu.sync_copy(ones_v, acc_s.at[idx_v.at[j]], add=True)

    _barrier(cnt_smem, 1)
    pltpu.sync_copy(acc_s.at[my_rows], out_hbm.at[cid, my_rows])


@functools.partial(
    pl.kernel,
    mesh=_mesh,
    out_type=jax.ShapeDtypeStruct((NC, ACC_ROWS, D), jnp.float32),
    scratch_types=[
        pltpu.VMEM((CPS, CHUNK), jnp.int32),
        pltpu.VMEM((CPS, CHUNK), jnp.int32),
        pltpu.VMEM((CHUNK, D), jnp.float32),
        pltpu.VMEM((CHUNK, D), jnp.float32),
        pltpu.VMEM_SHARED((ACC_ROWS, D), jnp.float32),
        pltpu.SMEM((8,), jnp.int32),
        pltpu.SemaphoreType.DMA,
        pltpu.SemaphoreType.DMA,
    ],
)
def _sc_scatter(ys_hbm, src_hbm, dst_hbm, zeros_hbm, out_hbm,
                srcv, dstv, buf0, buf1, acc_s, cnt_smem, sem0, sem1):
    cid = lax.axis_index("c")
    sid = lax.axis_index("s")
    wid = cid * NS + sid
    my_rows = pl.ds(sid * RPS, RPS)

    @pl.when(sid == 0)
    def _():
        @pl.loop(0, 8)
        def _(i):
            cnt_smem[i] = 0

    pltpu.sync_copy(zeros_hbm.at[my_rows], acc_s.at[my_rows])
    _barrier(cnt_smem, 0)

    @pl.loop(0, SEC)
    def _(s):
        sec = pl.ds(s * CPS, CPS)
        pltpu.sync_copy(src_hbm.at[wid, sec], srcv)
        pltpu.sync_copy(dst_hbm.at[wid, sec], dstv)
        pltpu.async_copy(ys_hbm.at[srcv.at[0]], buf0, sem0)

        @pl.loop(0, CPS, step=2)
        def _(j):
            pltpu.async_copy(ys_hbm.at[srcv.at[j + 1]], buf1, sem1)
            pltpu.make_async_copy(ys_hbm.at[srcv.at[j]], buf0, sem0).wait()
            pltpu.sync_copy(buf0, acc_s.at[dstv.at[j]], add=True)

            @pl.when(j + 2 < CPS)
            def _():
                pltpu.async_copy(ys_hbm.at[srcv.at[j + 2]], buf0, sem0)

            pltpu.make_async_copy(ys_hbm.at[srcv.at[j + 1]], buf1, sem1).wait()
            pltpu.sync_copy(buf1, acc_s.at[dstv.at[j + 1]], add=True)

    _barrier(cnt_smem, 1)
    pltpu.sync_copy(acc_s.at[my_rows], out_hbm.at[cid, my_rows])


def _dinv(hist_ref):
    deg = hist_ref[0, :, 0:1] + hist_ref[1, :, 0:1] + 1.0
    return lax.rsqrt(deg)


def _gelu(t):
    return 0.5 * t * (1.0 + lax.erf(t * 0.7071067811865476))


def _tc_prep1_body(hist_ref, x_ref, w_ref, ys_ref):
    dinv = _dinv(hist_ref)
    y = jnp.dot(x_ref[...], w_ref[...], preferred_element_type=jnp.float32)
    ys_ref[...] = y * dinv


def _tc_mid_body(hist_ref, s_ref, ys_ref, b_ref, w_ref, out_ref):
    dinv = _dinv(hist_ref)
    t = dinv * (s_ref[0] + s_ref[1] + ys_ref[...]) + b_ref[...]
    x = _gelu(t)
    out_ref[...] = jnp.dot(x, w_ref[...], preferred_element_type=jnp.float32) * dinv


def _tc_fin_body(hist_ref, s_ref, ys_ref, b_ref, out_ref):
    dinv = _dinv(hist_ref)
    t = dinv * (s_ref[0] + s_ref[1] + ys_ref[...]) + b_ref[...]
    out_ref[...] = _gelu(t)


_hist_spec = pl.BlockSpec((NC, BR, HIST_W), lambda i: (0, i, 0))
_row_spec = pl.BlockSpec((BR, D), lambda i: (i, 0))
_s_spec = pl.BlockSpec((NC, BR, D), lambda i: (0, i, 0))
_w_spec = pl.BlockSpec((D, D), lambda i: (0, 0))
_b_spec = pl.BlockSpec((1, D), lambda i: (0, 0))
_out_sds = jax.ShapeDtypeStruct((N, D), jnp.float32)

_tc_prep1 = pl.pallas_call(
    _tc_prep1_body,
    grid=(N // BR,),
    in_specs=[_hist_spec, _row_spec, _w_spec],
    out_specs=_row_spec,
    out_shape=_out_sds,
)

_tc_mid = pl.pallas_call(
    _tc_mid_body,
    grid=(N // BR,),
    in_specs=[_hist_spec, _s_spec, _row_spec, _b_spec, _w_spec],
    out_specs=_row_spec,
    out_shape=_out_sds,
)

_tc_fin = pl.pallas_call(
    _tc_fin_body,
    grid=(N // BR,),
    in_specs=[_hist_spec, _s_spec, _row_spec, _b_spec],
    out_specs=_row_spec,
    out_shape=_out_sds,
)


def kernel(edge_index, emb, W1, b1, W2, b2):
    e = edge_index.shape[1]
    pad = E_PAD - e
    src = edge_index[0].astype(jnp.int32)
    dst = edge_index[1].astype(jnp.int32)
    srcp = jnp.concatenate([src, jnp.zeros((pad,), jnp.int32)]).reshape(NW, NCH, CHUNK)
    dstp = jnp.concatenate([dst, jnp.full((pad,), PAD_DST, jnp.int32)]).reshape(NW, NCH, CHUNK)
    zeros_h = jnp.zeros((ACC_ROWS, HIST_W), jnp.float32)
    ones_h = jnp.ones((CHUNK, HIST_W), jnp.float32)
    zeros_d = jnp.zeros((ACC_ROWS, D), jnp.float32)

    hist = _sc_hist(dstp, zeros_h, ones_h)
    ys1 = _tc_prep1(hist, emb, W1)
    s1 = _sc_scatter(ys1, srcp, dstp, zeros_d)
    ys2 = _tc_mid(hist, s1, ys1, b1.reshape(1, D), W2)
    s2 = _sc_scatter(ys2, srcp, dstp, zeros_d)
    x3 = _tc_fin(hist, s2, ys2, b2.reshape(1, D))
    return x3[:TYPE_NUM], x3[TYPE_NUM:]

# --- scband reference (transcript-rebuilt; emitter-appended) ---
"""Pipeline reference for scband-gnn-14113262535394 (READ-ONLY COPY).

The authoritative reference and input builder live on the scoring server;
editing this copy changes nothing except your own understanding.
"""

import jax, jax.numpy as jnp
import numpy as np

N_NODES = 10000
TYPE_NUM = 8000
REL_NUM = 2000
E = 320000
D = 128


def _glorot(key, shape):
    fan_in, fan_out = shape[0], shape[1]
    limit = float(np.sqrt(6.0 / (fan_in + fan_out)))
    return jax.random.uniform(key, shape, minval=-limit, maxval=limit, dtype=jnp.float32)


def setup_inputs(seed: int = 0) -> dict:
    key = jax.random.key(seed)
    k1, k2, k3, k4 = jax.random.split(key, 4)
    edge_index = jax.random.randint(k1, (2, E), 0, N_NODES)
    emb = _glorot(k2, (N_NODES, D))  # xavier_uniform node embedding
    W1 = _glorot(k3, (D, D))
    b1 = jnp.zeros((D,), dtype=jnp.float32)
    W2 = _glorot(k4, (D, D))
    b2 = jnp.zeros((D,), dtype=jnp.float32)
    return {"edge_index": edge_index, "emb": emb, "W1": W1, "b1": b1, "W2": W2, "b2": b2}


def _gcn_conv(X, W, b, src, dst, num_nodes):
    # PyG GCNConv: add self-loops, symmetric normalization, linear transform, scatter-add
    X = X @ W
    ones = jnp.ones(src.shape[0], dtype=X.dtype)
    deg = jax.ops.segment_sum(ones, dst, num_segments=num_nodes)
    dinv = jnp.where(deg > 0, deg ** -0.5, 0.0)
    norm = dinv[src] * dinv[dst]
    msgs = X[src] * norm[:, None]
    out = jax.ops.segment_sum(msgs, dst, num_segments=num_nodes)
    return out + b


def reference(edge_index, emb, W1, b1, W2, b2):
    loop = jnp.arange(N_NODES, dtype=edge_index.dtype)
    src = jnp.concatenate([edge_index[0], loop])
    dst = jnp.concatenate([edge_index[1], loop])
    X = emb
    X = jax.nn.gelu(_gcn_conv(X, W1, b1, src, dst, N_NODES), approximate=False)
    X = jax.nn.gelu(_gcn_conv(X, W2, b2, src, dst, N_NODES), approximate=False)
    Type, Rel = X[:TYPE_NUM], X[TYPE_NUM:]
    return (Type, Rel)

if __name__ == "__main__":
    import jax
    _d = setup_inputs()
    print(jax.jit(kernel)(*tuple(_d.values())))

</pallas_src>

<mosaic_0001>
#map = affine_map<(d0, d1) -> (0, 0)>
#map1 = affine_map<(d0, d1) -> (0, 0, 0)>
module attributes {stable_mosaic.version = 14 : i64} {
  func.func @_sc_scatter(%arg0: i32, %arg1: i32, %arg2: memref<10000x128xf32, #tpu.memory_space<hbm>>, %arg3: memref<32x80x128xi32, #tpu.memory_space<hbm>>, %arg4: memref<32x80x128xi32, #tpu.memory_space<hbm>>, %arg5: memref<10112x128xf32, #tpu.memory_space<hbm>>, %arg6: memref<2x10112x128xf32, #tpu.memory_space<hbm>>, %arg7: memref<16x128xi32, #tpu.memory_space<vmem>>, %arg8: memref<16x128xi32, #tpu.memory_space<vmem>>, %arg9: memref<128x128xf32, #tpu.memory_space<vmem>>, %arg10: memref<128x128xf32, #tpu.memory_space<vmem>>, %arg11: memref<10112x128xf32, #tpu.memory_space<vmem_shared>>, %arg12: memref<8xi32, #tpu.memory_space<smem>>, %arg13: memref<!tpu.dma_semaphore, #tpu.memory_space<semaphore_mem>>, %arg14: memref<!tpu.dma_semaphore, #tpu.memory_space<semaphore_mem>>) attributes {dimension_semantics = [#tpu.dimension_semantics<core_parallel>, #tpu.dimension_semantics<subcore_parallel>], iteration_bounds = array<i64: 2, 16>, scalar_prefetch = 0 : i64, scratch_operands = 8 : i64, tpu.core_type = #tpu.core_type<sc_vector_subcore>, window_params = [{transform_indices = #map}, {transform_indices = #map1}, {transform_indices = #map1}, {transform_indices = #map}, {transform_indices = #map1}]} {
    %mul3A = arith.constant 16 : i32
    %mul3A_0 = arith.muli %arg0, %mul3A : i32
    %add3A = arith.addi %mul3A_0, %arg1 : i32
    %mul3A_1 = arith.constant 632 : i32
    %mul3A_2 = arith.muli %arg1, %mul3A_1 : i32
    %eq3A = arith.constant 0 : i32
    %eq3A_3 = arith.cmpi eq, %arg1, %eq3A : i32
    %convert_element_type3A = arith.extui %eq3A_3 : i1 to i32
    %cond3A = arith.constant 0 : i32
    %cond3A_4 = arith.cmpi ne, %convert_element_type3A, %cond3A : i32
    scf.if %cond3A_4 {
      %scan3A_34 = arith.constant 0 : i32
      %scan3A_35 = arith.constant 8 : i32
      %scan3A_36 = arith.addi %scan3A_34, %scan3A_35 : i32
      %scan3A_37 = arith.constant 1 : i32
      scf.for %scan3A_39 = %scan3A_34 to %scan3A_36 step %scan3A_37  : i32 {
        %mul3A_40 = arith.constant 1 : i32
        %mul3A_41 = arith.muli %scan3A_39, %mul3A_40 : i32
        %add3A_42 = arith.constant 0 : i32
        %add3A_43 = arith.addi %add3A_42, %mul3A_41 : i32
        %swap3A_44 = arith.constant 0 : i32
        %swap3A_45 = arith.index_cast %add3A_43 : i32 to index
        %swap3A_46 = memref.load %arg12[%swap3A_45] : memref<8xi32, #tpu.memory_space<smem>>
        memref.store %swap3A_44, %arg12[%swap3A_45] : memref<8xi32, #tpu.memory_space<smem>>
      }
      %scan3A_38 = arith.constant 8 : i32
    } else {
    }
    "tpu.region"() ({
      %run_scoped3A = tpu.sem_alloc : memref<!tpu.dma_semaphore, #tpu.memory_space<semaphore_mem>>
      %dma_start3A = arith.constant 0 : i32
      %dma_start3A_34 = tpu.memref_slice %arg11[%mul3A_2, %dma_start3A] : memref<10112x128xf32, #tpu.memory_space<vmem_shared>> -> memref<632x128xf32, #tpu.memory_space<vmem_shared>>
      %dma_start3A_35 = arith.constant 0 : i32
      %dma_start3A_36 = tpu.memref_slice %arg5[%mul3A_2, %dma_start3A_35] : memref<10112x128xf32, #tpu.memory_space<hbm>> -> memref<632x128xf32, #tpu.memory_space<hbm>>
      tpu.enqueue_dma source(%dma_start3A_36 : memref<632x128xf32, #tpu.memory_space<hbm>>) target(%dma_start3A_34 : memref<632x128xf32, #tpu.memory_space<vmem_shared>>) target_semaphore(%run_scoped3A : memref<!tpu.dma_semaphore, #tpu.memory_space<semaphore_mem>>)
      %dma_wait3A = arith.constant 0 : i32
      %dma_wait3A_37 = tpu.memref_slice %arg11[%mul3A_2, %dma_wait3A] : memref<10112x128xf32, #tpu.memory_space<vmem_shared>> -> memref<632x128xf32, #tpu.memory_space<vmem_shared>>
      %dma_wait3A_38 = arith.constant 0 : i32
      %dma_wait3A_39 = tpu.memref_slice %arg5[%mul3A_2, %dma_wait3A_38] : memref<10112x128xf32, #tpu.memory_space<hbm>> -> memref<632x128xf32, #tpu.memory_space<hbm>>
      tpu.wait_dma2 semaphore(%run_scoped3A : memref<!tpu.dma_semaphore, #tpu.memory_space<semaphore_mem>>) src(%dma_wait3A_39 : memref<632x128xf32, #tpu.memory_space<hbm>>) dst(%dma_wait3A_37 : memref<632x128xf32, #tpu.memory_space<vmem_shared>>)
      tpu.yield
    }) : () -> ()
    %barrier3A = arith.constant 0 : index
    tpu.barrier barrier_id(%barrier3A)
    %sc_fetch_and_add3A = arith.constant 1 : i32
    %sc_fetch_and_add3A_5 = arith.constant 0 : i32
    %sc_fetch_and_add3A_6 = arith.constant 0 : i32
    %sc_fetch_and_add3A_7 = tpu.fetch_and_add_sync %arg12[%sc_fetch_and_add3A_5], %sc_fetch_and_add3A, %sc_fetch_and_add3A_6 : memref<8xi32, #tpu.memory_space<smem>>, i32 -> i32
    %swap3A = arith.constant 0 : i32
    %swap3A_8 = arith.constant 4 : i32
    %swap3A_9 = arith.index_cast %swap3A_8 : i32 to index
    %swap3A_10 = memref.load %arg12[%swap3A_9] : memref<8xi32, #tpu.memory_space<smem>>
    memref.store %swap3A, %arg12[%swap3A_9] : memref<8xi32, #tpu.memory_space<smem>>
    %scan3A = arith.constant 0 : i32
    %scan3A_11 = arith.constant 400 : i32
    %scan3A_12 = arith.addi %scan3A, %scan3A_11 : i32
    %scan3A_13 = arith.constant 1 : i32
    scf.for %scan3A_34 = %scan3A to %scan3A_12 step %scan3A_13  : i32 {
      %mul3A_35 = arith.constant 1 : i32
      %mul3A_36 = arith.muli %scan3A_34, %mul3A_35 : i32
      %add3A_37 = arith.constant 0 : i32
      %add3A_38 = arith.addi %add3A_37, %mul3A_36 : i32
      %get3A = arith.constant 4 : i32
      %get3A_39 = arith.index_cast %get3A : i32 to index
      %get3A_40 = memref.load %arg12[%get3A_39] : memref<8xi32, #tpu.memory_space<smem>>
      %eq3A_41 = arith.constant 0 : i32
      %eq3A_42 = arith.cmpi eq, %get3A_40, %eq3A_41 : i32
      %convert_element_type3A_43 = arith.extui %eq3A_42 : i1 to i32
      %cond3A_44 = arith.constant 0 : i32
      %cond3A_45 = arith.cmpi ne, %convert_element_type3A_43, %cond3A_44 : i32
      scf.if %cond3A_45 {
        %sc_fetch_and_add3A_46 = arith.constant 0 : i32
        %sc_fetch_and_add3A_47 = arith.constant 0 : i32
        %sc_fetch_and_add3A_48 = arith.constant 0 : i32
        %sc_fetch_and_add3A_49 = tpu.fetch_and_add_sync %arg12[%sc_fetch_and_add3A_47], %sc_fetch_and_add3A_46, %sc_fetch_and_add3A_48 : memref<8xi32, #tpu.memory_space<smem>>, i32 -> i32
        %ge3A = arith.constant 16 : i32
        %ge3A_50 = arith.cmpi sge, %sc_fetch_and_add3A_49, %ge3A : i32
        %convert_element_type3A_51 = arith.extui %ge3A_50 : i1 to i32
        %cond3A_52 = arith.constant 0 : i32
        %cond3A_53 = arith.cmpi ne, %convert_element_type3A_51, %cond3A_52 : i32
        scf.if %cond3A_53 {
          %swap3A_54 = arith.constant 1 : i32
          %swap3A_55 = arith.constant 4 : i32
          %swap3A_56 = arith.index_cast %swap3A_55 : i32 to index
          %swap3A_57 = memref.load %arg12[%swap3A_56] : memref<8xi32, #tpu.memory_space<smem>>
          memref.store %swap3A_54, %arg12[%swap3A_56] : memref<8xi32, #tpu.memory_space<smem>>
        } else {
        }
      } else {
      }
    }
    %scan3A_14 = arith.constant 400 : i32
    %scan3A_15 = arith.constant 0 : i32
    %scan3A_16 = arith.constant 5 : i32
    %scan3A_17 = arith.addi %scan3A_15, %scan3A_16 : i32
    %scan3A_18 = arith.constant 1 : i32
    scf.for %scan3A_34 = %scan3A_15 to %scan3A_17 step %scan3A_18  : i32 {
      %mul3A_35 = arith.constant 1 : i32
      %mul3A_36 = arith.muli %scan3A_34, %mul3A_35 : i32
      %add3A_37 = arith.constant 0 : i32
      %add3A_38 = arith.addi %add3A_37, %mul3A_36 : i32
      %mul3A_39 = arith.constant 16 : i32
      %mul3A_40 = arith.muli %add3A_38, %mul3A_39 : i32
      "tpu.region"() ({
        %run_scoped3A = tpu.sem_alloc : memref<!tpu.dma_semaphore, #tpu.memory_space<semaphore_mem>>
        %dma_start3A_52 = arith.constant 0 : i32
        %dma_start3A_53 = tpu.memref_slice %arg3[%add3A, %mul3A_40, %dma_start3A_52] : memref<32x80x128xi32, #tpu.memory_space<hbm>> -> memref<1x16x128xi32, #tpu.memory_space<hbm>>
        %dma_start3A_54 = tpu.memref_squeeze %dma_start3A_53 : memref<1x16x128xi32, #tpu.memory_space<hbm>> -> memref<16x128xi32, #tpu.memory_space<hbm>>
        %dma_start3A_55 = arith.constant 0 : i32
        %dma_start3A_56 = tpu.memref_slice %arg3[%add3A, %mul3A_40, %dma_start3A_55] : memref<32x80x128xi32, #tpu.memory_space<hbm>> -> memref<1x16x128xi32, #tpu.memory_space<hbm>>
        %dma_start3A_57 = tpu.memref_squeeze %dma_start3A_56 : memref<1x16x128xi32, #tpu.memory_space<hbm>> -> memref<16x128xi32, #tpu.memory_space<hbm>>
        tpu.enqueue_dma source(%dma_start3A_57 : memref<16x128xi32, #tpu.memory_space<hbm>>) target(%arg7 : memref<16x128xi32, #tpu.memory_space<vmem>>) target_semaphore(%run_scoped3A : memref<!tpu.dma_semaphore, #tpu.memory_space<semaphore_mem>>)
        %dma_wait3A = arith.constant 0 : i32
        %dma_wait3A_58 = tpu.memref_slice %arg3[%add3A, %mul3A_40, %dma_wait3A] : memref<32x80x128xi32, #tpu.memory_space<hbm>> -> memref<1x16x128xi32, #tpu.memory_space<hbm>>
        %dma_wait3A_59 = tpu.memref_squeeze %dma_wait3A_58 : memref<1x16x128xi32, #tpu.memory_space<hbm>> -> memref<16x128xi32, #tpu.memory_space<hbm>>
        %dma_wait3A_60 = arith.constant 0 : i32
        %dma_wait3A_61 = tpu.memref_slice %arg3[%add3A, %mul3A_40, %dma_wait3A_60] : memref<32x80x128xi32, #tpu.memory_space<hbm>> -> memref<1x16x128xi32, #tpu.memory_space<hbm>>
        %dma_wait3A_62 = tpu.memref_squeeze %dma_wait3A_61 : memref<1x16x128xi32, #tpu.memory_space<hbm>> -> memref<16x128xi32, #tpu.memory_space<hbm>>
        tpu.wait_dma2 semaphore(%run_scoped3A : memref<!tpu.dma_semaphore, #tpu.memory_space<semaphore_mem>>) src(%dma_wait3A_62 : memref<16x128xi32, #tpu.memory_space<hbm>>) dst(%arg7 : memref<16x128xi32, #tpu.memory_space<vmem>>)
        tpu.yield
      }) : () -> ()
      "tpu.region"() ({
        %run_scoped3A = tpu.sem_alloc : memref<!tpu.dma_semaphore, #tpu.memory_space<semaphore_mem>>
        %dma_start3A_52 = arith.constant 0 : i32
        %dma_start3A_53 = tpu.memref_slice %arg4[%add3A, %mul3A_40, %dma_start3A_52] : memref<32x80x128xi32, #tpu.memory_space<hbm>> -> memref<1x16x128xi32, #tpu.memory_space<hbm>>
        %dma_start3A_54 = tpu.memref_squeeze %dma_start3A_53 : memref<1x16x128xi32, #tpu.memory_space<hbm>> -> memref<16x128xi32, #tpu.memory_space<hbm>>
        %dma_start3A_55 = arith.constant 0 : i32
        %dma_start3A_56 = tpu.memref_slice %arg4[%add3A, %mul3A_40, %dma_start3A_55] : memref<32x80x128xi32, #tpu.memory_space<hbm>> -> memref<1x16x128xi32, #tpu.memory_space<hbm>>
        %dma_start3A_57 = tpu.memref_squeeze %dma_start3A_56 : memref<1x16x128xi32, #tpu.memory_space<hbm>> -> memref<16x128xi32, #tpu.memory_space<hbm>>
        tpu.enqueue_dma source(%dma_start3A_57 : memref<16x128xi32, #tpu.memory_space<hbm>>) target(%arg8 : memref<16x128xi32, #tpu.memory_space<vmem>>) target_semaphore(%run_scoped3A : memref<!tpu.dma_semaphore, #tpu.memory_space<semaphore_mem>>)
        %dma_wait3A = arith.constant 0 : i32
        %dma_wait3A_58 = tpu.memref_slice %arg4[%add3A, %mul3A_40, %dma_wait3A] : memref<32x80x128xi32, #tpu.memory_space<hbm>> -> memref<1x16x128xi32, #tpu.memory_space<hbm>>
        %dma_wait3A_59 = tpu.memref_squeeze %dma_wait3A_58 : memref<1x16x128xi32, #tpu.memory_space<hbm>> -> memref<16x128xi32, #tpu.memory_space<hbm>>
        %dma_wait3A_60 = arith.constant 0 : i32
        %dma_wait3A_61 = tpu.memref_slice %arg4[%add3A, %mul3A_40, %dma_wait3A_60] : memref<32x80x128xi32, #tpu.memory_space<hbm>> -> memref<1x16x128xi32, #tpu.memory_space<hbm>>
        %dma_wait3A_62 = tpu.memref_squeeze %dma_wait3A_61 : memref<1x16x128xi32, #tpu.memory_space<hbm>> -> memref<16x128xi32, #tpu.memory_space<hbm>>
        tpu.wait_dma2 semaphore(%run_scoped3A : memref<!tpu.dma_semaphore, #tpu.memory_space<semaphore_mem>>) src(%dma_wait3A_62 : memref<16x128xi32, #tpu.memory_space<hbm>>) dst(%arg8 : memref<16x128xi32, #tpu.memory_space<vmem>>)
        tpu.yield
      }) : () -> ()
      %dma_start3A = arith.constant 0 : i32
      %dma_start3A_41 = arith.constant 0 : i32
      %dma_start3A_42 = tpu.memref_slice %arg7[%dma_start3A, %dma_start3A_41] : memref<16x128xi32, #tpu.memory_space<vmem>> -> memref<1x128xi32, #tpu.memory_space<vmem>>
      %dma_start3A_43 = tpu.memref_squeeze %dma_start3A_42 : memref<1x128xi32, #tpu.memory_space<vmem>> -> memref<128xi32, #tpu.memory_space<vmem>>
      %dma_start3A_44 = arith.constant 0 : i32
      %dma_start3A_45 = arith.constant 0 : i32
      %dma_start3A_46 = tpu.memref_slice %arg2[%dma_start3A_44, %dma_start3A_45] : memref<10000x128xf32, #tpu.memory_space<hbm>> -> memref<10000x128xf32, #tpu.memory_space<hbm>>
      tpu.enqueue_indirect_dma source(%dma_start3A_46 : memref<10000x128xf32, #tpu.memory_space<hbm>>) target(%arg9 : memref<128x128xf32, #tpu.memory_space<vmem>>) offsets(%dma_start3A_43 : memref<128xi32, #tpu.memory_space<vmem>>) semaphore(%arg13 : memref<!tpu.dma_semaphore, #tpu.memory_space<semaphore_mem>>)
      %scan3A_47 = arith.constant 0 : i32
      %scan3A_48 = arith.constant 8 : i32
      %scan3A_49 = arith.addi %scan3A_47, %scan3A_48 : i32
      %scan3A_50 = arith.constant 1 : i32
      scf.for %scan3A_52 = %scan3A_47 to %scan3A_49 step %scan3A_50  : i32 {
        %mul3A_53 = arith.constant 2 : i32
        %mul3A_54 = arith.muli %scan3A_52, %mul3A_53 : i32
        %add3A_55 = arith.constant 0 : i32
        %add3A_56 = arith.addi %add3A_55, %mul3A_54 : i32
        %add3A_57 = arith.constant 1 : i32
        %add3A_58 = arith.addi %add3A_56, %add3A_57 : i32
        %dma_start3A_59 = arith.constant 0 : i32
        %dma_start3A_60 = tpu.memref_slice %arg7[%add3A_58, %dma_start3A_59] : memref<16x128xi32, #tpu.memory_space<vmem>> -> memref<1x128xi32, #tpu.memory_space<vmem>>
        %dma_start3A_61 = tpu.memref_squeeze %dma_start3A_60 : memref<1x128xi32, #tpu.memory_space<vmem>> -> memref<128xi32, #tpu.memory_space<vmem>>
        %dma_start3A_62 = arith.constant 0 : i32
        %dma_start3A_63 = arith.constant 0 : i32
        %dma_start3A_64 = tpu.memref_slice %arg2[%dma_start3A_62, %dma_start3A_63] : memref<10000x128xf32, #tpu.memory_space<hbm>> -> memref<10000x128xf32, #tpu.memory_space<hbm>>
        tpu.enqueue_indirect_dma source(%dma_start3A_64 : memref<10000x128xf32, #tpu.memory_space<hbm>>) target(%arg10 : memref<128x128xf32, #tpu.memory_space<vmem>>) offsets(%dma_start3A_61 : memref<128xi32, #tpu.memory_space<vmem>>) semaphore(%arg14 : memref<!tpu.dma_semaphore, #tpu.memory_space<semaphore_mem>>)
        %dma_wait3A = arith.constant 0 : i32
        %dma_wait3A_65 = tpu.memref_slice %arg7[%add3A_56, %dma_wait3A] : memref<16x128xi32, #tpu.memory_space<vmem>> -> memref<1x128xi32, #tpu.memory_space<vmem>>
        %dma_wait3A_66 = tpu.memref_squeeze %dma_wait3A_65 : memref<1x128xi32, #tpu.memory_space<vmem>> -> memref<128xi32, #tpu.memory_space<vmem>>
        %dma_wait3A_67 = arith.constant 0 : i32
        %dma_wait3A_68 = arith.constant 0 : i32
        %dma_wait3A_69 = tpu.memref_slice %arg2[%dma_wait3A_67, %dma_wait3A_68] : memref<10000x128xf32, #tpu.memory_space<hbm>> -> memref<10000x128xf32, #tpu.memory_space<hbm>>
        tpu.wait_indirect_dma semaphore(%arg13 : memref<!tpu.dma_semaphore, #tpu.memory_space<semaphore_mem>>) src(%dma_wait3A_69 : memref<10000x128xf32, #tpu.memory_space<hbm>>) dst(%arg9 : memref<128x128xf32, #tpu.memory_space<vmem>>)
        "tpu.region"() ({
          %run_scoped3A = tpu.sem_alloc : memref<!tpu.dma_semaphore, #tpu.memory_space<semaphore_mem>>
          %dma_start3A_86 = arith.constant 0 : i32
          %dma_start3A_87 = tpu.memref_slice %arg8[%add3A_56, %dma_start3A_86] : memref<16x128xi32, #tpu.memory_space<vmem>> -> memref<1x128xi32, #tpu.memory_space<vmem>>
          %dma_start3A_88 = tpu.memref_squeeze %dma_start3A_87 : memref<1x128xi32, #tpu.memory_space<vmem>> -> memref<128xi32, #tpu.memory_space<vmem>>
          %dma_start3A_89 = arith.constant 0 : i32
          %dma_start3A_90 = arith.constant 0 : i32
          %dma_start3A_91 = tpu.memref_slice %arg11[%dma_start3A_89, %dma_start3A_90] : memref<10112x128xf32, #tpu.memory_space<vmem_shared>> -> memref<10112x128xf32, #tpu.memory_space<vmem_shared>>
          tpu.enqueue_indirect_dma source(%arg9 : memref<128x128xf32, #tpu.memory_space<vmem>>) target(%dma_start3A_91 : memref<10112x128xf32, #tpu.memory_space<vmem_shared>>) offsets(%dma_start3A_88 : memref<128xi32, #tpu.memory_space<vmem>>) semaphore(%run_scoped3A : memref<!tpu.dma_semaphore, #tpu.memory_space<semaphore_mem>>) {add = true}
          %dma_wait3A_92 = arith.constant 0 : i32
          %dma_wait3A_93 = tpu.memref_slice %arg8[%add3A_56, %dma_wait3A_92] : memref<16x128xi32, #tpu.memory_space<vmem>> -> memref<1x128xi32, #tpu.memory_space<vmem>>
          %dma_wait3A_94 = tpu.memref_squeeze %dma_wait3A_93 : memref<1x128xi32, #tpu.memory_space<vmem>> -> memref<128xi32, #tpu.memory_space<vmem>>
          %dma_wait3A_95 = arith.constant 0 : i32
          %dma_wait3A_96 = arith.constant 0 : i32
          %dma_wait3A_97 = tpu.memref_slice %arg11[%dma_wait3A_95, %dma_wait3A_96] : memref<10112x128xf32, #tpu.memory_space<vmem_shared>> -> memref<10112x128xf32, #tpu.memory_space<vmem_shared>>
          tpu.wait_indirect_dma semaphore(%run_scoped3A : memref<!tpu.dma_semaphore, #tpu.memory_space<semaphore_mem>>) src(%arg9 : memref<128x128xf32, #tpu.memory_space<vmem>>) dst(%dma_wait3A_97 : memref<10112x128xf32, #tpu.memory_space<vmem_shared>>)
          tpu.yield
        }) : () -> ()
        %add3A_70 = arith.constant 2 : i32
        %add3A_71 = arith.addi %add3A_56, %add3A_70 : i32
        %lt3A = arith.constant 16 : i32
        %lt3A_72 = arith.cmpi slt, %add3A_71, %lt3A : i32
        %convert_element_type3A_73 = arith.extui %lt3A_72 : i1 to i32
        %cond3A_74 = arith.constant 0 : i32
        %cond3A_75 = arith.cmpi ne, %convert_element_type3A_73, %cond3A_74 : i32
        scf.if %cond3A_75 {
          %add3A_86 = arith.constant 2 : i32
          %add3A_87 = arith.addi %add3A_56, %add3A_86 : i32
          %dma_start3A_88 = arith.constant 0 : i32
          %dma_start3A_89 = tpu.memref_slice %arg7[%add3A_87, %dma_start3A_88] : memref<16x128xi32, #tpu.memory_space<vmem>> -> memref<1x128xi32, #tpu.memory_space<vmem>>
          %dma_start3A_90 = tpu.memref_squeeze %dma_start3A_89 : memref<1x128xi32, #tpu.memory_space<vmem>> -> memref<128xi32, #tpu.memory_space<vmem>>
          %dma_start3A_91 = arith.constant 0 : i32
          %dma_start3A_92 = arith.constant 0 : i32
          %dma_start3A_93 = tpu.memref_slice %arg2[%dma_start3A_91, %dma_start3A_92] : memref<10000x128xf32, #tpu.memory_space<hbm>> -> memref<10000x128xf32, #tpu.memory_space<hbm>>
          tpu.enqueue_indirect_dma source(%dma_start3A_93 : memref<10000x128xf32, #tpu.memory_space<hbm>>) target(%arg9 : memref<128x128xf32, #tpu.memory_space<vmem>>) offsets(%dma_start3A_90 : memref<128xi32, #tpu.memory_space<vmem>>) semaphore(%arg13 : memref<!tpu.dma_semaphore, #tpu.memory_space<semaphore_mem>>)
        } else {
        }
        %add3A_76 = arith.constant 1 : i32
        %add3A_77 = arith.addi %add3A_56, %add3A_76 : i32
        %dma_wait3A_78 = arith.constant 0 : i32
        %dma_wait3A_79 = tpu.memref_slice %arg7[%add3A_77, %dma_wait3A_78] : memref<16x128xi32, #tpu.memory_space<vmem>> -> memref<1x128xi32, #tpu.memory_space<vmem>>
        %dma_wait3A_80 = tpu.memref_squeeze %dma_wait3A_79 : memref<1x128xi32, #tpu.memory_space<vmem>> -> memref<128xi32, #tpu.memory_space<vmem>>
        %dma_wait3A_81 = arith.constant 0 : i32
        %dma_wait3A_82 = arith.constant 0 : i32
        %dma_wait3A_83 = tpu.memref_slice %arg2[%dma_wait3A_81, %dma_wait3A_82] : memref<10000x128xf32, #tpu.memory_space<hbm>> -> memref<10000x128xf32, #tpu.memory_space<hbm>>
        tpu.wait_indirect_dma semaphore(%arg14 : memref<!tpu.dma_semaphore, #tpu.memory_space<semaphore_mem>>) src(%dma_wait3A_83 : memref<10000x128xf32, #tpu.memory_space<hbm>>) dst(%arg10 : memref<128x128xf32, #tpu.memory_space<vmem>>)
        %add3A_84 = arith.constant 1 : i32
        %add3A_85 = arith.addi %add3A_56, %add3A_84 : i32
        "tpu.region"() ({
          %run_scoped3A = tpu.sem_alloc : memref<!tpu.dma_semaphore, #tpu.memory_space<semaphore_mem>>
          %dma_start3A_86 = arith.constant 0 : i32
          %dma_start3A_87 = tpu.memref_slice %arg8[%add3A_85, %dma_start3A_86] : memref<16x128xi32, #tpu.memory_space<vmem>> -> memref<1x128xi32, #tpu.memory_space<vmem>>
          %dma_start3A_88 = tpu.memref_squeeze %dma_start3A_87 : memref<1x128xi32, #tpu.memory_space<vmem>> -> memref<128xi32, #tpu.memory_space<vmem>>
          %dma_start3A_89 = arith.constant 0 : i32
          %dma_start3A_90 = arith.constant 0 : i32
          %dma_start3A_91 = tpu.memref_slice %arg11[%dma_start3A_89, %dma_start3A_90] : memref<10112x128xf32, #tpu.memory_space<vmem_shared>> -> memref<10112x128xf32, #tpu.memory_space<vmem_shared>>
          tpu.enqueue_indirect_dma source(%arg10 : memref<128x128xf32, #tpu.memory_space<vmem>>) target(%dma_start3A_91 : memref<10112x128xf32, #tpu.memory_space<vmem_shared>>) offsets(%dma_start3A_88 : memref<128xi32, #tpu.memory_space<vmem>>) semaphore(%run_scoped3A : memref<!tpu.dma_semaphore, #tpu.memory_space<semaphore_mem>>) {add = true}
          %dma_wait3A_92 = arith.constant 0 : i32
          %dma_wait3A_93 = tpu.memref_slice %arg8[%add3A_85, %dma_wait3A_92] : memref<16x128xi32, #tpu.memory_space<vmem>> -> memref<1x128xi32, #tpu.memory_space<vmem>>
          %dma_wait3A_94 = tpu.memref_squeeze %dma_wait3A_93 : memref<1x128xi32, #tpu.memory_space<vmem>> -> memref<128xi32, #tpu.memory_space<vmem>>
          %dma_wait3A_95 = arith.constant 0 : i32
          %dma_wait3A_96 = arith.constant 0 : i32
          %dma_wait3A_97 = tpu.memref_slice %arg11[%dma_wait3A_95, %dma_wait3A_96] : memref<10112x128xf32, #tpu.memory_space<vmem_shared>> -> memref<10112x128xf32, #tpu.memory_space<vmem_shared>>
          tpu.wait_indirect_dma semaphore(%run_scoped3A : memref<!tpu.dma_semaphore, #tpu.memory_space<semaphore_mem>>) src(%arg10 : memref<128x128xf32, #tpu.memory_space<vmem>>) dst(%dma_wait3A_97 : memref<10112x128xf32, #tpu.memory_space<vmem_shared>>)
          tpu.yield
        }) : () -> ()
      }
      %scan3A_51 = arith.constant 8 : i32
    }
    %scan3A_19 = arith.constant 5 : i32
    %barrier3A_20 = arith.constant 0 : index
    tpu.barrier barrier_id(%barrier3A_20)
    %sc_fetch_and_add3A_21 = arith.constant 1 : i32
    %sc_fetch_and_add3A_22 = arith.constant 1 : i32
    %sc_fetch_and_add3A_23 = arith.constant 0 : i32
    %sc_fetch_and_add3A_24 = tpu.fetch_and_add_sync %arg12[%sc_fetch_and_add3A_22], %sc_fetch_and_add3A_21, %sc_fetch_and_add3A_23 : memref<8xi32, #tpu.memory_space<smem>>, i32 -> i32
    %swap3A_25 = arith.constant 0 : i32
    %swap3A_26 = arith.constant 5 : i32
    %swap3A_27 = arith.index_cast %swap3A_26 : i32 to index
    %swap3A_28 = memref.load %arg12[%swap3A_27] : memref<8xi32, #tpu.memory_space<smem>>
    memref.store %swap3A_25, %arg12[%swap3A_27] : memref<8xi32, #tpu.memory_space<smem>>
    %scan3A_29 = arith.constant 0 : i32
    %scan3A_30 = arith.constant 400 : i32
    %scan3A_31 = arith.addi %scan3A_29, %scan3A_30 : i32
    %scan3A_32 = arith.constant 1 : i32
    scf.for %scan3A_34 = %scan3A_29 to %scan3A_31 step %scan3A_32  : i32 {
      %mul3A_35 = arith.constant 1 : i32
      %mul3A_36 = arith.muli %scan3A_34, %mul3A_35 : i32
      %add3A_37 = arith.constant 0 : i32
      %add3A_38 = arith.addi %add3A_37, %mul3A_36 : i32
      %get3A = arith.constant 5 : i32
      %get3A_39 = arith.index_cast %get3A : i32 to index
      %get3A_40 = memref.load %arg12[%get3A_39] : memref<8xi32, #tpu.memory_space<smem>>
      %eq3A_41 = arith.constant 0 : i32
      %eq3A_42 = arith.cmpi eq, %get3A_40, %eq3A_41 : i32
      %convert_element_type3A_43 = arith.extui %eq3A_42 : i1 to i32
      %cond3A_44 = arith.constant 0 : i32
      %cond3A_45 = arith.cmpi ne, %convert_element_type3A_43, %cond3A_44 : i32
      scf.if %cond3A_45 {
        %sc_fetch_and_add3A_46 = arith.constant 0 : i32
        %sc_fetch_and_add3A_47 = arith.constant 1 : i32
        %sc_fetch_and_add3A_48 = arith.constant 0 : i32
        %sc_fetch_and_add3A_49 = tpu.fetch_and_add_sync %arg12[%sc_fetch_and_add3A_47], %sc_fetch_and_add3A_46, %sc_fetch_and_add3A_48 : memref<8xi32, #tpu.memory_space<smem>>, i32 -> i32
        %ge3A = arith.constant 16 : i32
        %ge3A_50 = arith.cmpi sge, %sc_fetch_and_add3A_49, %ge3A : i32
        %convert_element_type3A_51 = arith.extui %ge3A_50 : i1 to i32
        %cond3A_52 = arith.constant 0 : i32
        %cond3A_53 = arith.cmpi ne, %convert_element_type3A_51, %cond3A_52 : i32
        scf.if %cond3A_53 {
          %swap3A_54 = arith.constant 1 : i32
          %swap3A_55 = arith.constant 5 : i32
          %swap3A_56 = arith.index_cast %swap3A_55 : i32 to index
          %swap3A_57 = memref.load %arg12[%swap3A_56] : memref<8xi32, #tpu.memory_space<smem>>
          memref.store %swap3A_54, %arg12[%swap3A_56] : memref<8xi32, #tpu.memory_space<smem>>
        } else {
        }
      } else {
      }
    }
    %scan3A_33 = arith.constant 400 : i32
    "tpu.region"() ({
      %run_scoped3A = tpu.sem_alloc : memref<!tpu.dma_semaphore, #tpu.memory_space<semaphore_mem>>
      %dma_start3A = arith.constant 0 : i32
      %dma_start3A_34 = tpu.memref_slice %arg6[%arg0, %mul3A_2, %dma_start3A] : memref<2x10112x128xf32, #tpu.memory_space<hbm>> -> memref<1x632x128xf32, #tpu.memory_space<hbm>>
      %dma_start3A_35 = tpu.memref_squeeze %dma_start3A_34 : memref<1x632x128xf32, #tpu.memory_space<hbm>> -> memref<632x128xf32, #tpu.memory_space<hbm>>
      %dma_start3A_36 = arith.constant 0 : i32
      %dma_start3A_37 = tpu.memref_slice %arg11[%mul3A_2, %dma_start3A_36] : memref<10112x128xf32, #tpu.memory_space<vmem_shared>> -> memref<632x128xf32, #tpu.memory_space<vmem_shared>>
      tpu.enqueue_dma source(%dma_start3A_37 : memref<632x128xf32, #tpu.memory_space<vmem_shared>>) target(%dma_start3A_35 : memref<632x128xf32, #tpu.memory_space<hbm>>) target_semaphore(%run_scoped3A : memref<!tpu.dma_semaphore, #tpu.memory_space<semaphore_mem>>)
      %dma_wait3A = arith.constant 0 : i32
      %dma_wait3A_38 = tpu.memref_slice %arg6[%arg0, %mul3A_2, %dma_wait3A] : memref<2x10112x128xf32, #tpu.memory_space<hbm>> -> memref<1x632x128xf32, #tpu.memory_space<hbm>>
      %dma_wait3A_39 = tpu.memref_squeeze %dma_wait3A_38 : memref<1x632x128xf32, #tpu.memory_space<hbm>> -> memref<632x128xf32, #tpu.memory_space<hbm>>
      %dma_wait3A_40 = arith.constant 0 : i32
      %dma_wait3A_41 = tpu.memref_slice %arg11[%mul3A_2, %dma_wait3A_40] : memref<10112x128xf32, #tpu.memory_space<vmem_shared>> -> memref<632x128xf32, #tpu.memory_space<vmem_shared>>
      tpu.wait_dma2 semaphore(%run_scoped3A : memref<!tpu.dma_semaphore, #tpu.memory_space<semaphore_mem>>) src(%dma_wait3A_41 : memref<632x128xf32, #tpu.memory_space<vmem_shared>>) dst(%dma_wait3A_39 : memref<632x128xf32, #tpu.memory_space<hbm>>)
      tpu.yield
    }) : () -> ()
    return
  }
}

#map = affine_map<(d0, d1) -> (0, 0)>
#map1 = affine_map<(d0, d1) -> (0, 0, 0)>
module attributes {stable_mosaic.version = 14 : i64} {
  func.func @_sc_scatter(%arg0: i32, %arg1: i32, %arg2: memref<10000x128xf32, #tpu.memory_space<hbm>>, %arg3: memref<32x80x128xi32, #tpu.memory_space<hbm>>, %arg4: memref<32x80x128xi32, #tpu.memory_space<hbm>>, %arg5: memref<10112x128xf32, #tpu.memory_space<hbm>>, %arg6: memref<2x10112x128xf32, #tpu.memory_space<hbm>>, %arg7: memref<16x128xi32, #tpu.memory_space<vmem>>, %arg8: memref<16x128xi32, #tpu.memory_space<vmem>>, %arg9: memref<128x128xf32, #tpu.memory_space<vmem>>, %arg10: memref<128x128xf32, #tpu.memory_space<vmem>>, %arg11: memref<10112x128xf32, #tpu.memory_space<vmem_shared>>, %arg12: memref<8xi32, #tpu.memory_space<smem>>, %arg13: memref<!tpu.dma_semaphore, #tpu.memory_space<semaphore_mem>>, %arg14: memref<!tpu.dma_semaphore, #tpu.memory_space<semaphore_mem>>) attributes {dimension_semantics = [#tpu.dimension_semantics<core_parallel>, #tpu.dimension_semantics<subcore_parallel>], iteration_bounds = array<i64: 2, 16>, scalar_prefetch = 0 : i64, scratch_operands = 8 : i64, tpu.core_type = #tpu.core_type<sc_vector_subcore>, window_params = [{transform_indices = #map}, {transform_indices = #map1}, {transform_indices = #map1}, {transform_indices = #map}, {transform_indices = #map1}]} {
    %mul3A = arith.constant 16 : i32
    %mul3A_0 = arith.muli %arg0, %mul3A : i32
    %add3A = arith.addi %mul3A_0, %arg1 : i32
    %mul3A_1 = arith.constant 632 : i32
    %mul3A_2 = arith.muli %arg1, %mul3A_1 : i32
    %eq3A = arith.constant 0 : i32
    %eq3A_3 = arith.cmpi eq, %arg1, %eq3A : i32
    %convert_element_type3A = arith.extui %eq3A_3 : i1 to i32
    %cond3A = arith.constant 0 : i32
    %cond3A_4 = arith.cmpi ne, %convert_element_type3A, %cond3A : i32
    scf.if %cond3A_4 {
      %scan3A_34 = arith.constant 0 : i32
      %scan3A_35 = arith.constant 8 : i32
      %scan3A_36 = arith.addi %scan3A_34, %scan3A_35 : i32
      %scan3A_37 = arith.constant 1 : i32
      scf.for %scan3A_39 = %scan3A_34 to %scan3A_36 step %scan3A_37  : i32 {
        %mul3A_40 = arith.constant 1 : i32
        %mul3A_41 = arith.muli %scan3A_39, %mul3A_40 : i32
        %add3A_42 = arith.constant 0 : i32
        %add3A_43 = arith.addi %add3A_42, %mul3A_41 : i32
        %swap3A_44 = arith.constant 0 : i32
        %swap3A_45 = arith.index_cast %add3A_43 : i32 to index
        %swap3A_46 = memref.load %arg12[%swap3A_45] : memref<8xi32, #tpu.memory_space<smem>>
        memref.store %swap3A_44, %arg12[%swap3A_45] : memref<8xi32, #tpu.memory_space<smem>>
      }
      %scan3A_38 = arith.constant 8 : i32
    } else {
    }
    "tpu.region"() ({
      %run_scoped3A = tpu.sem_alloc : memref<!tpu.dma_semaphore, #tpu.memory_space<semaphore_mem>>
      %dma_start3A = arith.constant 0 : i32
      %dma_start3A_34 = tpu.memref_slice %arg11[%mul3A_2, %dma_start3A] : memref<10112x128xf32, #tpu.memory_space<vmem_shared>> -> memref<632x128xf32, #tpu.memory_space<vmem_shared>>
      %dma_start3A_35 = arith.constant 0 : i32
      %dma_start3A_36 = tpu.memref_slice %arg5[%mul3A_2, %dma_start3A_35] : memref<10112x128xf32, #tpu.memory_space<hbm>> -> memref<632x128xf32, #tpu.memory_space<hbm>>
      tpu.enqueue_dma source(%dma_start3A_36 : memref<632x128xf32, #tpu.memory_space<hbm>>) target(%dma_start3A_34 : memref<632x128xf32, #tpu.memory_space<vmem_shared>>) target_semaphore(%run_scoped3A : memref<!tpu.dma_semaphore, #tpu.memory_space<semaphore_mem>>)
      %dma_wait3A = arith.constant 0 : i32
      %dma_wait3A_37 = tpu.memref_slice %arg11[%mul3A_2, %dma_wait3A] : memref<10112x128xf32, #tpu.memory_space<vmem_shared>> -> memref<632x128xf32, #tpu.memory_space<vmem_shared>>
      %dma_wait3A_38 = arith.constant 0 : i32
      %dma_wait3A_39 = tpu.memref_slice %arg5[%mul3A_2, %dma_wait3A_38] : memref<10112x128xf32, #tpu.memory_space<hbm>> -> memref<632x128xf32, #tpu.memory_space<hbm>>
      tpu.wait_dma2 semaphore(%run_scoped3A : memref<!tpu.dma_semaphore, #tpu.memory_space<semaphore_mem>>) src(%dma_wait3A_39 : memref<632x128xf32, #tpu.memory_space<hbm>>) dst(%dma_wait3A_37 : memref<632x128xf32, #tpu.memory_space<vmem_shared>>)
      tpu.yield
    }) : () -> ()
    %barrier3A = arith.constant 0 : index
    tpu.barrier barrier_id(%barrier3A)
    %sc_fetch_and_add3A = arith.constant 1 : i32
    %sc_fetch_and_add3A_5 = arith.constant 0 : i32
    %sc_fetch_and_add3A_6 = arith.constant 0 : i32
    %sc_fetch_and_add3A_7 = tpu.fetch_and_add_sync %arg12[%sc_fetch_and_add3A_5], %sc_fetch_and_add3A, %sc_fetch_and_add3A_6 : memref<8xi32, #tpu.memory_space<smem>>, i32 -> i32
    %swap3A = arith.constant 0 : i32
    %swap3A_8 = arith.constant 4 : i32
    %swap3A_9 = arith.index_cast %swap3A_8 : i32 to index
    %swap3A_10 = memref.load %arg12[%swap3A_9] : memref<8xi32, #tpu.memory_space<smem>>
    memref.store %swap3A, %arg12[%swap3A_9] : memref<8xi32, #tpu.memory_space<smem>>
    %scan3A = arith.constant 0 : i32
    %scan3A_11 = arith.constant 400 : i32
    %scan3A_12 = arith.addi %scan3A, %scan3A_11 : i32
    %scan3A_13 = arith.constant 1 : i32
    scf.for %scan3A_34 = %scan3A to %scan3A_12 step %scan3A_13  : i32 {
      %mul3A_35 = arith.constant 1 : i32
      %mul3A_36 = arith.muli %scan3A_34, %mul3A_35 : i32
      %add3A_37 = arith.constant 0 : i32
      %add3A_38 = arith.addi %add3A_37, %mul3A_36 : i32
      %get3A = arith.constant 4 : i32
      %get3A_39 = arith.index_cast %get3A : i32 to index
      %get3A_40 = memref.load %arg12[%get3A_39] : memref<8xi32, #tpu.memory_space<smem>>
      %eq3A_41 = arith.constant 0 : i32
      %eq3A_42 = arith.cmpi eq, %get3A_40, %eq3A_41 : i32
      %convert_element_type3A_43 = arith.extui %eq3A_42 : i1 to i32
      %cond3A_44 = arith.constant 0 : i32
      %cond3A_45 = arith.cmpi ne, %convert_element_type3A_43, %cond3A_44 : i32
      scf.if %cond3A_45 {
        %sc_fetch_and_add3A_46 = arith.constant 0 : i32
        %sc_fetch_and_add3A_47 = arith.constant 0 : i32
        %sc_fetch_and_add3A_48 = arith.constant 0 : i32
        %sc_fetch_and_add3A_49 = tpu.fetch_and_add_sync %arg12[%sc_fetch_and_add3A_47], %sc_fetch_and_add3A_46, %sc_fetch_and_add3A_48 : memref<8xi32, #tpu.memory_space<smem>>, i32 -> i32
        %ge3A = arith.constant 16 : i32
        %ge3A_50 = arith.cmpi sge, %sc_fetch_and_add3A_49, %ge3A : i32
        %convert_element_type3A_51 = arith.extui %ge3A_50 : i1 to i32
        %cond3A_52 = arith.constant 0 : i32
        %cond3A_53 = arith.cmpi ne, %convert_element_type3A_51, %cond3A_52 : i32
        scf.if %cond3A_53 {
          %swap3A_54 = arith.constant 1 : i32
          %swap3A_55 = arith.constant 4 : i32
          %swap3A_56 = arith.index_cast %swap3A_55 : i32 to index
          %swap3A_57 = memref.load %arg12[%swap3A_56] : memref<8xi32, #tpu.memory_space<smem>>
          memref.store %swap3A_54, %arg12[%swap3A_56] : memref<8xi32, #tpu.memory_space<smem>>
        } else {
        }
      } else {
      }
    }
    %scan3A_14 = arith.constant 400 : i32
    %scan3A_15 = arith.constant 0 : i32
    %scan3A_16 = arith.constant 5 : i32
    %scan3A_17 = arith.addi %scan3A_15, %scan3A_16 : i32
    %scan3A_18 = arith.constant 1 : i32
    scf.for %scan3A_34 = %scan3A_15 to %scan3A_17 step %scan3A_18  : i32 {
      %mul3A_35 = arith.constant 1 : i32
      %mul3A_36 = arith.muli %scan3A_34, %mul3A_35 : i32
      %add3A_37 = arith.constant 0 : i32
      %add3A_38 = arith.addi %add3A_37, %mul3A_36 : i32
      %mul3A_39 = arith.constant 16 : i32
      %mul3A_40 = arith.muli %add3A_38, %mul3A_39 : i32
      "tpu.region"() ({
        %run_scoped3A = tpu.sem_alloc : memref<!tpu.dma_semaphore, #tpu.memory_space<semaphore_mem>>
        %dma_start3A_52 = arith.constant 0 : i32
        %dma_start3A_53 = tpu.memref_slice %arg3[%add3A, %mul3A_40, %dma_start3A_52] : memref<32x80x128xi32, #tpu.memory_space<hbm>> -> memref<1x16x128xi32, #tpu.memory_space<hbm>>
        %dma_start3A_54 = tpu.memref_squeeze %dma_start3A_53 : memref<1x16x128xi32, #tpu.memory_space<hbm>> -> memref<16x128xi32, #tpu.memory_space<hbm>>
        %dma_start3A_55 = arith.constant 0 : i32
        %dma_start3A_56 = tpu.memref_slice %arg3[%add3A, %mul3A_40, %dma_start3A_55] : memref<32x80x128xi32, #tpu.memory_space<hbm>> -> memref<1x16x128xi32, #tpu.memory_space<hbm>>
        %dma_start3A_57 = tpu.memref_squeeze %dma_start3A_56 : memref<1x16x128xi32, #tpu.memory_space<hbm>> -> memref<16x128xi32, #tpu.memory_space<hbm>>
        tpu.enqueue_dma source(%dma_start3A_57 : memref<16x128xi32, #tpu.memory_space<hbm>>) target(%arg7 : memref<16x128xi32, #tpu.memory_space<vmem>>) target_semaphore(%run_scoped3A : memref<!tpu.dma_semaphore, #tpu.memory_space<semaphore_mem>>)
        %dma_wait3A = arith.constant 0 : i32
        %dma_wait3A_58 = tpu.memref_slice %arg3[%add3A, %mul3A_40, %dma_wait3A] : memref<32x80x128xi32, #tpu.memory_space<hbm>> -> memref<1x16x128xi32, #tpu.memory_space<hbm>>
        %dma_wait3A_59 = tpu.memref_squeeze %dma_wait3A_58 : memref<1x16x128xi32, #tpu.memory_space<hbm>> -> memref<16x128xi32, #tpu.memory_space<hbm>>
        %dma_wait3A_60 = arith.constant 0 : i32
        %dma_wait3A_61 = tpu.memref_slice %arg3[%add3A, %mul3A_40, %dma_wait3A_60] : memref<32x80x128xi32, #tpu.memory_space<hbm>> -> memref<1x16x128xi32, #tpu.memory_space<hbm>>
        %dma_wait3A_62 = tpu.memref_squeeze %dma_wait3A_61 : memref<1x16x128xi32, #tpu.memory_space<hbm>> -> memref<16x128xi32, #tpu.memory_space<hbm>>
        tpu.wait_dma2 semaphore(%run_scoped3A : memref<!tpu.dma_semaphore, #tpu.memory_space<semaphore_mem>>) src(%dma_wait3A_62 : memref<16x128xi32, #tpu.memory_space<hbm>>) dst(%arg7 : memref<16x128xi32, #tpu.memory_space<vmem>>)
        tpu.yield
      }) : () -> ()
      "tpu.region"() ({
        %run_scoped3A = tpu.sem_alloc : memref<!tpu.dma_semaphore, #tpu.memory_space<semaphore_mem>>
        %dma_start3A_52 = arith.constant 0 : i32
        %dma_start3A_53 = tpu.memref_slice %arg4[%add3A, %mul3A_40, %dma_start3A_52] : memref<32x80x128xi32, #tpu.memory_space<hbm>> -> memref<1x16x128xi32, #tpu.memory_space<hbm>>
        %dma_start3A_54 = tpu.memref_squeeze %dma_start3A_53 : memref<1x16x128xi32, #tpu.memory_space<hbm>> -> memref<16x128xi32, #tpu.memory_space<hbm>>
        %dma_start3A_55 = arith.constant 0 : i32
        %dma_start3A_56 = tpu.memref_slice %arg4[%add3A, %mul3A_40, %dma_start3A_55] : memref<32x80x128xi32, #tpu.memory_space<hbm>> -> memref<1x16x128xi32, #tpu.memory_space<hbm>>
        %dma_start3A_57 = tpu.memref_squeeze %dma_start3A_56 : memref<1x16x128xi32, #tpu.memory_space<hbm>> -> memref<16x128xi32, #tpu.memory_space<hbm>>
        tpu.enqueue_dma source(%dma_start3A_57 : memref<16x128xi32, #tpu.memory_space<hbm>>) target(%arg8 : memref<16x128xi32, #tpu.memory_space<vmem>>) target_semaphore(%run_scoped3A : memref<!tpu.dma_semaphore, #tpu.memory_space<semaphore_mem>>)
        %dma_wait3A = arith.constant 0 : i32
        %dma_wait3A_58 = tpu.memref_slice %arg4[%add3A, %mul3A_40, %dma_wait3A] : memref<32x80x128xi32, #tpu.memory_space<hbm>> -> memref<1x16x128xi32, #tpu.memory_space<hbm>>
        %dma_wait3A_59 = tpu.memref_squeeze %dma_wait3A_58 : memref<1x16x128xi32, #tpu.memory_space<hbm>> -> memref<16x128xi32, #tpu.memory_space<hbm>>
        %dma_wait3A_60 = arith.constant 0 : i32
        %dma_wait3A_61 = tpu.memref_slice %arg4[%add3A, %mul3A_40, %dma_wait3A_60] : memref<32x80x128xi32, #tpu.memory_space<hbm>> -> memref<1x16x128xi32, #tpu.memory_space<hbm>>
        %dma_wait3A_62 = tpu.memref_squeeze %dma_wait3A_61 : memref<1x16x128xi32, #tpu.memory_space<hbm>> -> memref<16x128xi32, #tpu.memory_space<hbm>>
        tpu.wait_dma2 semaphore(%run_scoped3A : memref<!tpu.dma_semaphore, #tpu.memory_space<semaphore_mem>>) src(%dma_wait3A_62 : memref<16x128xi32, #tpu.memory_space<hbm>>) dst(%arg8 : memref<16x128xi32, #tpu.memory_space<vmem>>)
        tpu.yield
      }) : () -> ()
      %dma_start3A = arith.constant 0 : i32
      %dma_start3A_41 = arith.constant 0 : i32
      %dma_start3A_42 = tpu.memref_slice %arg7[%dma_start3A, %dma_start3A_41] : memref<16x128xi32, #tpu.memory_space<vmem>> -> memref<1x128xi32, #tpu.memory_space<vmem>>
      %dma_start3A_43 = tpu.memref_squeeze %dma_start3A_42 : memref<1x128xi32, #tpu.memory_space<vmem>> -> memref<128xi32, #tpu.memory_space<vmem>>
      %dma_start3A_44 = arith.constant 0 : i32
      %dma_start3A_45 = arith.constant 0 : i32
      %dma_start3A_46 = tpu.memref_slice %arg2[%dma_start3A_44, %dma_start3A_45] : memref<10000x128xf32, #tpu.memory_space<hbm>> -> memref<10000x128xf32, #tpu.memory_space<hbm>>
      tpu.enqueue_indirect_dma source(%dma_start3A_46 : memref<10000x128xf32, #tpu.memory_space<hbm>>) target(%arg9 : memref<128x128xf32, #tpu.memory_space<vmem>>) offsets(%dma_start3A_43 : memref<128xi32, #tpu.memory_space<vmem>>) semaphore(%arg13 : memref<!tpu.dma_semaphore, #tpu.memory_space<semaphore_mem>>)
      %scan3A_47 = arith.constant 0 : i32
      %scan3A_48 = arith.constant 8 : i32
      %scan3A_49 = arith.addi %scan3A_47, %scan3A_48 : i32
      %scan3A_50 = arith.constant 1 : i32
      scf.for %scan3A_52 = %scan3A_47 to %scan3A_49 step %scan3A_50  : i32 {
        %mul3A_53 = arith.constant 2 : i32
        %mul3A_54 = arith.muli %scan3A_52, %mul3A_53 : i32
        %add3A_55 = arith.constant 0 : i32
        %add3A_56 = arith.addi %add3A_55, %mul3A_54 : i32
        %add3A_57 = arith.constant 1 : i32
        %add3A_58 = arith.addi %add3A_56, %add3A_57 : i32
        %dma_start3A_59 = arith.constant 0 : i32
        %dma_start3A_60 = tpu.memref_slice %arg7[%add3A_58, %dma_start3A_59] : memref<16x128xi32, #tpu.memory_space<vmem>> -> memref<1x128xi32, #tpu.memory_space<vmem>>
        %dma_start3A_61 = tpu.memref_squeeze %dma_start3A_60 : memref<1x128xi32, #tpu.memory_space<vmem>> -> memref<128xi32, #tpu.memory_space<vmem>>
        %dma_start3A_62 = arith.constant 0 : i32
        %dma_start3A_63 = arith.constant 0 : i32
        %dma_start3A_64 = tpu.memref_slice %arg2[%dma_start3A_62, %dma_start3A_63] : memref<10000x128xf32, #tpu.memory_space<hbm>> -> memref<10000x128xf32, #tpu.memory_space<hbm>>
        tpu.enqueue_indirect_dma source(%dma_start3A_64 : memref<10000x128xf32, #tpu.memory_space<hbm>>) target(%arg10 : memref<128x128xf32, #tpu.memory_space<vmem>>) offsets(%dma_start3A_61 : memref<128xi32, #tpu.memory_space<vmem>>) semaphore(%arg14 : memref<!tpu.dma_semaphore, #tpu.memory_space<semaphore_mem>>)
        %dma_wait3A = arith.constant 0 : i32
        %dma_wait3A_65 = tpu.memref_slice %arg7[%add3A_56, %dma_wait3A] : memref<16x128xi32, #tpu.memory_space<vmem>> -> memref<1x128xi32, #tpu.memory_space<vmem>>
        %dma_wait3A_66 = tpu.memref_squeeze %dma_wait3A_65 : memref<1x128xi32, #tpu.memory_space<vmem>> -> memref<128xi32, #tpu.memory_space<vmem>>
        %dma_wait3A_67 = arith.constant 0 : i32
        %dma_wait3A_68 = arith.constant 0 : i32
        %dma_wait3A_69 = tpu.memref_slice %arg2[%dma_wait3A_67, %dma_wait3A_68] : memref<10000x128xf32, #tpu.memory_space<hbm>> -> memref<10000x128xf32, #tpu.memory_space<hbm>>
        tpu.wait_indirect_dma semaphore(%arg13 : memref<!tpu.dma_semaphore, #tpu.memory_space<semaphore_mem>>) src(%dma_wait3A_69 : memref<10000x128xf32, #tpu.memory_space<hbm>>) dst(%arg9 : memref<128x128xf32, #tpu.memory_space<vmem>>)
        "tpu.region"() ({
          %run_scoped3A = tpu.sem_alloc : memref<!tpu.dma_semaphore, #tpu.memory_space<semaphore_mem>>
          %dma_start3A_86 = arith.constant 0 : i32
          %dma_start3A_87 = tpu.memref_slice %arg8[%add3A_56, %dma_start3A_86] : memref<16x128xi32, #tpu.memory_space<vmem>> -> memref<1x128xi32, #tpu.memory_space<vmem>>
          %dma_start3A_88 = tpu.memref_squeeze %dma_start3A_87 : memref<1x128xi32, #tpu.memory_space<vmem>> -> memref<128xi32, #tpu.memory_space<vmem>>
          %dma_start3A_89 = arith.constant 0 : i32
          %dma_start3A_90 = arith.constant 0 : i32
          %dma_start3A_91 = tpu.memref_slice %arg11[%dma_start3A_89, %dma_start3A_90] : memref<10112x128xf32, #tpu.memory_space<vmem_shared>> -> memref<10112x128xf32, #tpu.memory_space<vmem_shared>>
          tpu.enqueue_indirect_dma source(%arg9 : memref<128x128xf32, #tpu.memory_space<vmem>>) target(%dma_start3A_91 : memref<10112x128xf32, #tpu.memory_space<vmem_shared>>) offsets(%dma_start3A_88 : memref<128xi32, #tpu.memory_space<vmem>>) semaphore(%run_scoped3A : memref<!tpu.dma_semaphore, #tpu.memory_space<semaphore_mem>>) {add = true}
          %dma_wait3A_92 = arith.constant 0 : i32
          %dma_wait3A_93 = tpu.memref_slice %arg8[%add3A_56, %dma_wait3A_92] : memref<16x128xi32, #tpu.memory_space<vmem>> -> memref<1x128xi32, #tpu.memory_space<vmem>>
          %dma_wait3A_94 = tpu.memref_squeeze %dma_wait3A_93 : memref<1x128xi32, #tpu.memory_space<vmem>> -> memref<128xi32, #tpu.memory_space<vmem>>
          %dma_wait3A_95 = arith.constant 0 : i32
          %dma_wait3A_96 = arith.constant 0 : i32
          %dma_wait3A_97 = tpu.memref_slice %arg11[%dma_wait3A_95, %dma_wait3A_96] : memref<10112x128xf32, #tpu.memory_space<vmem_shared>> -> memref<10112x128xf32, #tpu.memory_space<vmem_shared>>
          tpu.wait_indirect_dma semaphore(%run_scoped3A : memref<!tpu.dma_semaphore, #tpu.memory_space<semaphore_mem>>) src(%arg9 : memref<128x128xf32, #tpu.memory_space<vmem>>) dst(%dma_wait3A_97 : memref<10112x128xf32, #tpu.memory_space<vmem_shared>>)
          tpu.yield
        }) : () -> ()
        %add3A_70 = arith.constant 2 : i32
        %add3A_71 = arith.addi %add3A_56, %add3A_70 : i32
        %lt3A = arith.constant 16 : i32
        %lt3A_72 = arith.cmpi slt, %add3A_71, %lt3A : i32
        %convert_element_type3A_73 = arith.extui %lt3A_72 : i1 to i32
        %cond3A_74 = arith.constant 0 : i32
        %cond3A_75 = arith.cmpi ne, %convert_element_type3A_73, %cond3A_74 : i32
        scf.if %cond3A_75 {
          %add3A_86 = arith.constant 2 : i32
          %add3A_87 = arith.addi %add3A_56, %add3A_86 : i32
          %dma_start3A_88 = arith.constant 0 : i32
          %dma_start3A_89 = tpu.memref_slice %arg7[%add3A_87, %dma_start3A_88] : memref<16x128xi32, #tpu.memory_space<vmem>> -> memref<1x128xi32, #tpu.memory_space<vmem>>
          %dma_start3A_90 = tpu.memref_squeeze %dma_start3A_89 : memref<1x128xi32, #tpu.memory_space<vmem>> -> memref<128xi32, #tpu.memory_space<vmem>>
          %dma_start3A_91 = arith.constant 0 : i32
          %dma_start3A_92 = arith.constant 0 : i32
          %dma_start3A_93 = tpu.memref_slice %arg2[%dma_start3A_91, %dma_start3A_92] : memref<10000x128xf32, #tpu.memory_space<hbm>> -> memref<10000x128xf32, #tpu.memory_space<hbm>>
          tpu.enqueue_indirect_dma source(%dma_start3A_93 : memref<10000x128xf32, #tpu.memory_space<hbm>>) target(%arg9 : memref<128x128xf32, #tpu.memory_space<vmem>>) offsets(%dma_start3A_90 : memref<128xi32, #tpu.memory_space<vmem>>) semaphore(%arg13 : memref<!tpu.dma_semaphore, #tpu.memory_space<semaphore_mem>>)
        } else {
        }
        %add3A_76 = arith.constant 1 : i32
        %add3A_77 = arith.addi %add3A_56, %add3A_76 : i32
        %dma_wait3A_78 = arith.constant 0 : i32
        %dma_wait3A_79 = tpu.memref_slice %arg7[%add3A_77, %dma_wait3A_78] : memref<16x128xi32, #tpu.memory_space<vmem>> -> memref<1x128xi32, #tpu.memory_space<vmem>>
        %dma_wait3A_80 = tpu.memref_squeeze %dma_wait3A_79 : memref<1x128xi32, #tpu.memory_space<vmem>> -> memref<128xi32, #tpu.memory_space<vmem>>
        %dma_wait3A_81 = arith.constant 0 : i32
        %dma_wait3A_82 = arith.constant 0 : i32
        %dma_wait3A_83 = tpu.memref_slice %arg2[%dma_wait3A_81, %dma_wait3A_82] : memref<10000x128xf32, #tpu.memory_space<hbm>> -> memref<10000x128xf32, #tpu.memory_space<hbm>>
        tpu.wait_indirect_dma semaphore(%arg14 : memref<!tpu.dma_semaphore, #tpu.memory_space<semaphore_mem>>) src(%dma_wait3A_83 : memref<10000x128xf32, #tpu.memory_space<hbm>>) dst(%arg10 : memref<128x128xf32, #tpu.memory_space<vmem>>)
        %add3A_84 = arith.constant 1 : i32
        %add3A_85 = arith.addi %add3A_56, %add3A_84 : i32
        "tpu.region"() ({
          %run_scoped3A = tpu.sem_alloc : memref<!tpu.dma_semaphore, #tpu.memory_space<semaphore_mem>>
          %dma_start3A_86 = arith.constant 0 : i32
          %dma_start3A_87 = tpu.memref_slice %arg8[%add3A_85, %dma_start3A_86] : memref<16x128xi32, #tpu.memory_space<vmem>> -> memref<1x128xi32, #tpu.memory_space<vmem>>
          %dma_start3A_88 = tpu.memref_squeeze %dma_start3A_87 : memref<1x128xi32, #tpu.memory_space<vmem>> -> memref<128xi32, #tpu.memory_space<vmem>>
          %dma_start3A_89 = arith.constant 0 : i32
          %dma_start3A_90 = arith.constant 0 : i32
          %dma_start3A_91 = tpu.memref_slice %arg11[%dma_start3A_89, %dma_start3A_90] : memref<10112x128xf32, #tpu.memory_space<vmem_shared>> -> memref<10112x128xf32, #tpu.memory_space<vmem_shared>>
          tpu.enqueue_indirect_dma source(%arg10 : memref<128x128xf32, #tpu.memory_space<vmem>>) target(%dma_start3A_91 : memref<10112x128xf32, #tpu.memory_space<vmem_shared>>) offsets(%dma_start3A_88 : memref<128xi32, #tpu.memory_space<vmem>>) semaphore(%run_scoped3A : memref<!tpu.dma_semaphore, #tpu.memory_space<semaphore_mem>>) {add = true}
          %dma_wait3A_92 = arith.constant 0 : i32
          %dma_wait3A_93 = tpu.memref_slice %arg8[%add3A_85, %dma_wait3A_92] : memref<16x128xi32, #tpu.memory_space<vmem>> -> memref<1x128xi32, #tpu.memory_space<vmem>>
          %dma_wait3A_94 = tpu.memref_squeeze %dma_wait3A_93 : memref<1x128xi32, #tpu.memory_space<vmem>> -> memref<128xi32, #tpu.memory_space<vmem>>
          %dma_wait3A_95 = arith.constant 0 : i32
          %dma_wait3A_96 = arith.constant 0 : i32
          %dma_wait3A_97 = tpu.memref_slice %arg11[%dma_wait3A_95, %dma_wait3A_96] : memref<10112x128xf32, #tpu.memory_space<vmem_shared>> -> memref<10112x128xf32, #tpu.memory_space<vmem_shared>>
          tpu.wait_indirect_dma semaphore(%run_scoped3A : memref<!tpu.dma_semaphore, #tpu.memory_space<semaphore_mem>>) src(%arg10 : memref<128x128xf32, #tpu.memory_space<vmem>>) dst(%dma_wait3A_97 : memref<10112x128xf32, #tpu.memory_space<vmem_shared>>)
          tpu.yield
        }) : () -> ()
      }
      %scan3A_51 = arith.constant 8 : i32
    }
    %scan3A_19 = arith.constant 5 : i32
    %barrier3A_20 = arith.constant 0 : index
    tpu.barrier barrier_id(%barrier3A_20)
    %sc_fetch_and_add3A_21 = arith.constant 1 : i32
    %sc_fetch_and_add3A_22 = arith.constant 1 : i32
    %sc_fetch_and_add3A_23 = arith.constant 0 : i32
    %sc_fetch_and_add3A_24 = tpu.fetch_and_add_sync %arg12[%sc_fetch_and_add3A_22], %sc_fetch_and_add3A_21, %sc_fetch_and_add3A_23 : memref<8xi32, #tpu.memory_space<smem>>, i32 -> i32
    %swap3A_25 = arith.constant 0 : i32
    %swap3A_26 = arith.constant 5 : i32
    %swap3A_27 = arith.index_cast %swap3A_26 : i32 to index
    %swap3A_28 = memref.load %arg12[%swap3A_27] : memref<8xi32, #tpu.memory_space<smem>>
    memref.store %swap3A_25, %arg12[%swap3A_27] : memref<8xi32, #tpu.memory_space<smem>>
    %scan3A_29 = arith.constant 0 : i32
    %scan3A_30 = arith.constant 400 : i32
    %scan3A_31 = arith.addi %scan3A_29, %scan3A_30 : i32
    %scan3A_32 = arith.constant 1 : i32
    scf.for %scan3A_34 = %scan3A_29 to %scan3A_31 step %scan3A_32  : i32 {
      %mul3A_35 = arith.constant 1 : i32
      %mul3A_36 = arith.muli %scan3A_34, %mul3A_35 : i32
      %add3A_37 = arith.constant 0 : i32
      %add3A_38 = arith.addi %add3A_37, %mul3A_36 : i32
      %get3A = arith.constant 5 : i32
      %get3A_39 = arith.index_cast %get3A : i32 to index
      %get3A_40 = memref.load %arg12[%get3A_39] : memref<8xi32, #tpu.memory_space<smem>>
      %eq3A_41 = arith.constant 0 : i32
      %eq3A_42 = arith.cmpi eq, %get3A_40, %eq3A_41 : i32
      %convert_element_type3A_43 = arith.extui %eq3A_42 : i1 to i32
      %cond3A_44 = arith.constant 0 : i32
      %cond3A_45 = arith.cmpi ne, %convert_element_type3A_43, %cond3A_44 : i32
      scf.if %cond3A_45 {
        %sc_fetch_and_add3A_46 = arith.constant 0 : i32
        %sc_fetch_and_add3A_47 = arith.constant 1 : i32
        %sc_fetch_and_add3A_48 = arith.constant 0 : i32
        %sc_fetch_and_add3A_49 = tpu.fetch_and_add_sync %arg12[%sc_fetch_and_add3A_47], %sc_fetch_and_add3A_46, %sc_fetch_and_add3A_48 : memref<8xi32, #tpu.memory_space<smem>>, i32 -> i32
        %ge3A = arith.constant 16 : i32
        %ge3A_50 = arith.cmpi sge, %sc_fetch_and_add3A_49, %ge3A : i32
        %convert_element_type3A_51 = arith.extui %ge3A_50 : i1 to i32
        %cond3A_52 = arith.constant 0 : i32
        %cond3A_53 = arith.cmpi ne, %convert_element_type3A_51, %cond3A_52 : i32
        scf.if %cond3A_53 {
          %swap3A_54 = arith.constant 1 : i32
          %swap3A_55 = arith.constant 5 : i32
          %swap3A_56 = arith.index_cast %swap3A_55 : i32 to index
          %swap3A_57 = memref.load %arg12[%swap3A_56] : memref<8xi32, #tpu.memory_space<smem>>
          memref.store %swap3A_54, %arg12[%swap3A_56] : memref<8xi32, #tpu.memory_space<smem>>
        } else {
        }
      } else {
      }
    }
    %scan3A_33 = arith.constant 400 : i32
    "tpu.region"() ({
      %run_scoped3A = tpu.sem_alloc : memref<!tpu.dma_semaphore, #tpu.memory_space<semaphore_mem>>
      %dma_start3A = arith.constant 0 : i32
      %dma_start3A_34 = tpu.memref_slice %arg6[%arg0, %mul3A_2, %dma_start3A] : memref<2x10112x128xf32, #tpu.memory_space<hbm>> -> memref<1x632x128xf32, #tpu.memory_space<hbm>>
      %dma_start3A_35 = tpu.memref_squeeze %dma_start3A_34 : memref<1x632x128xf32, #tpu.memory_space<hbm>> -> memref<632x128xf32, #tpu.memory_space<hbm>>
      %dma_start3A_36 = arith.constant 0 : i32
      %dma_start3A_37 = tpu.memref_slice %arg11[%mul3A_2, %dma_start3A_36] : memref<10112x128xf32, #tpu.memory_space<vmem_shared>> -> memref<632x128xf32, #tpu.memory_space<vmem_shared>>
      tpu.enqueue_dma source(%dma_start3A_37 : memref<632x128xf32, #tpu.memory_space<vmem_shared>>) target(%dma_start3A_35 : memref<632x128xf32, #tpu.memory_space<hbm>>) target_semaphore(%run_scoped3A : memref<!tpu.dma_semaphore, #tpu.memory_space<semaphore_mem>>)
      %dma_wait3A = arith.constant 0 : i32
      %dma_wait3A_38 = tpu.memref_slice %arg6[%arg0, %mul3A_2, %dma_wait3A] : memref<2x10112x128xf32, #tpu.memory_space<hbm>> -> memref<1x632x128xf32, #tpu.memory_space<hbm>>
      %dma_wait3A_39 = tpu.memref_squeeze %dma_wait3A_38 : memref<1x632x128xf32, #tpu.memory_space<hbm>> -> memref<632x128xf32, #tpu.memory_space<hbm>>
      %dma_wait3A_40 = arith.constant 0 : i32
      %dma_wait3A_41 = tpu.memref_slice %arg11[%mul3A_2, %dma_wait3A_40] : memref<10112x128xf32, #tpu.memory_space<vmem_shared>> -> memref<632x128xf32, #tpu.memory_space<vmem_shared>>
      tpu.wait_dma2 semaphore(%run_scoped3A : memref<!tpu.dma_semaphore, #tpu.memory_space<semaphore_mem>>) src(%dma_wait3A_41 : memref<632x128xf32, #tpu.memory_space<vmem_shared>>) dst(%dma_wait3A_39 : memref<632x128xf32, #tpu.memory_space<hbm>>)
      tpu.yield
    }) : () -> ()
    return
  }
}

#map = affine_map<(d0, d1) -> (0, 0, 0)>
#map1 = affine_map<(d0, d1) -> (0, 0)>
module attributes {stable_mosaic.version = 14 : i64} {
  func.func @_sc_hist(%arg0: i32, %arg1: i32, %arg2: memref<32x80x128xi32, #tpu.memory_space<hbm>>, %arg3: memref<10112x16xf32, #tpu.memory_space<hbm>>, %arg4: memref<128x16xf32, #tpu.memory_space<hbm>>, %arg5: memref<2x10112x16xf32, #tpu.memory_space<hbm>>, %arg6: memref<80x128xi32, #tpu.memory_space<vmem>>, %arg7: memref<128x16xf32, #tpu.memory_space<vmem>>, %arg8: memref<10112x16xf32, #tpu.memory_space<vmem_shared>>, %arg9: memref<8xi32, #tpu.memory_space<smem>>) attributes {dimension_semantics = [#tpu.dimension_semantics<core_parallel>, #tpu.dimension_semantics<subcore_parallel>], iteration_bounds = array<i64: 2, 16>, scalar_prefetch = 0 : i64, scratch_operands = 4 : i64, tpu.core_type = #tpu.core_type<sc_vector_subcore>, window_params = [{transform_indices = #map}, {transform_indices = #map1}, {transform_indices = #map1}, {transform_indices = #map}]} {
    %mul3A = arith.constant 16 : i32
    %mul3A_0 = arith.muli %arg0, %mul3A : i32
    %add3A = arith.addi %mul3A_0, %arg1 : i32
    %mul3A_1 = arith.constant 632 : i32
    %mul3A_2 = arith.muli %arg1, %mul3A_1 : i32
    %eq3A = arith.constant 0 : i32
    %eq3A_3 = arith.cmpi eq, %arg1, %eq3A : i32
    %convert_element_type3A = arith.extui %eq3A_3 : i1 to i32
    %cond3A = arith.constant 0 : i32
    %cond3A_4 = arith.cmpi ne, %convert_element_type3A, %cond3A : i32
    scf.if %cond3A_4 {
      %scan3A_34 = arith.constant 0 : i32
      %scan3A_35 = arith.constant 8 : i32
      %scan3A_36 = arith.addi %scan3A_34, %scan3A_35 : i32
      %scan3A_37 = arith.constant 1 : i32
      scf.for %scan3A_39 = %scan3A_34 to %scan3A_36 step %scan3A_37  : i32 {
        %mul3A_40 = arith.constant 1 : i32
        %mul3A_41 = arith.muli %scan3A_39, %mul3A_40 : i32
        %add3A_42 = arith.constant 0 : i32
        %add3A_43 = arith.addi %add3A_42, %mul3A_41 : i32
        %swap3A_44 = arith.constant 0 : i32
        %swap3A_45 = arith.index_cast %add3A_43 : i32 to index
        %swap3A_46 = memref.load %arg9[%swap3A_45] : memref<8xi32, #tpu.memory_space<smem>>
        memref.store %swap3A_44, %arg9[%swap3A_45] : memref<8xi32, #tpu.memory_space<smem>>
      }
      %scan3A_38 = arith.constant 8 : i32
    } else {
    }
    "tpu.region"() ({
      %run_scoped3A = tpu.sem_alloc : memref<!tpu.dma_semaphore, #tpu.memory_space<semaphore_mem>>
      %dma_start3A = arith.constant 0 : i32
      %dma_start3A_34 = tpu.memref_slice %arg8[%mul3A_2, %dma_start3A] : memref<10112x16xf32, #tpu.memory_space<vmem_shared>> -> memref<632x16xf32, #tpu.memory_space<vmem_shared>>
      %dma_start3A_35 = arith.constant 0 : i32
      %dma_start3A_36 = tpu.memref_slice %arg3[%mul3A_2, %dma_start3A_35] : memref<10112x16xf32, #tpu.memory_space<hbm>> -> memref<632x16xf32, #tpu.memory_space<hbm>>
      tpu.enqueue_dma source(%dma_start3A_36 : memref<632x16xf32, #tpu.memory_space<hbm>>) target(%dma_start3A_34 : memref<632x16xf32, #tpu.memory_space<vmem_shared>>) target_semaphore(%run_scoped3A : memref<!tpu.dma_semaphore, #tpu.memory_space<semaphore_mem>>)
      %dma_wait3A = arith.constant 0 : i32
      %dma_wait3A_37 = tpu.memref_slice %arg8[%mul3A_2, %dma_wait3A] : memref<10112x16xf32, #tpu.memory_space<vmem_shared>> -> memref<632x16xf32, #tpu.memory_space<vmem_shared>>
      %dma_wait3A_38 = arith.constant 0 : i32
      %dma_wait3A_39 = tpu.memref_slice %arg3[%mul3A_2, %dma_wait3A_38] : memref<10112x16xf32, #tpu.memory_space<hbm>> -> memref<632x16xf32, #tpu.memory_space<hbm>>
      tpu.wait_dma2 semaphore(%run_scoped3A : memref<!tpu.dma_semaphore, #tpu.memory_space<semaphore_mem>>) src(%dma_wait3A_39 : memref<632x16xf32, #tpu.memory_space<hbm>>) dst(%dma_wait3A_37 : memref<632x16xf32, #tpu.memory_space<vmem_shared>>)
      tpu.yield
    }) : () -> ()
    "tpu.region"() ({
      %run_scoped3A = tpu.sem_alloc : memref<!tpu.dma_semaphore, #tpu.memory_space<semaphore_mem>>
      tpu.enqueue_dma source(%arg4 : memref<128x16xf32, #tpu.memory_space<hbm>>) target(%arg7 : memref<128x16xf32, #tpu.memory_space<vmem>>) target_semaphore(%run_scoped3A : memref<!tpu.dma_semaphore, #tpu.memory_space<semaphore_mem>>)
      tpu.wait_dma2 semaphore(%run_scoped3A : memref<!tpu.dma_semaphore, #tpu.memory_space<semaphore_mem>>) src(%arg4 : memref<128x16xf32, #tpu.memory_space<hbm>>) dst(%arg7 : memref<128x16xf32, #tpu.memory_space<vmem>>)
      tpu.yield
    }) : () -> ()
    "tpu.region"() ({
      %run_scoped3A = tpu.sem_alloc : memref<!tpu.dma_semaphore, #tpu.memory_space<semaphore_mem>>
      %dma_start3A = arith.constant 0 : i32
      %dma_start3A_34 = arith.constant 0 : i32
      %dma_start3A_35 = tpu.memref_slice %arg2[%add3A, %dma_start3A, %dma_start3A_34] : memref<32x80x128xi32, #tpu.memory_space<hbm>> -> memref<1x80x128xi32, #tpu.memory_space<hbm>>
      %dma_start3A_36 = tpu.memref_squeeze %dma_start3A_35 : memref<1x80x128xi32, #tpu.memory_space<hbm>> -> memref<80x128xi32, #tpu.memory_space<hbm>>
      %dma_start3A_37 = arith.constant 0 : i32
      %dma_start3A_38 = arith.constant 0 : i32
      %dma_start3A_39 = tpu.memref_slice %arg2[%add3A, %dma_start3A_37, %dma_start3A_38] : memref<32x80x128xi32, #tpu.memory_space<hbm>> -> memref<1x80x128xi32, #tpu.memory_space<hbm>>
      %dma_start3A_40 = tpu.memref_squeeze %dma_start3A_39 : memref<1x80x128xi32, #tpu.memory_space<hbm>> -> memref<80x128xi32, #tpu.memory_space<hbm>>
      tpu.enqueue_dma source(%dma_start3A_40 : memref<80x128xi32, #tpu.memory_space<hbm>>) target(%arg6 : memref<80x128xi32, #tpu.memory_space<vmem>>) target_semaphore(%run_scoped3A : memref<!tpu.dma_semaphore, #tpu.memory_space<semaphore_mem>>)
      %dma_wait3A = arith.constant 0 : i32
      %dma_wait3A_41 = arith.constant 0 : i32
      %dma_wait3A_42 = tpu.memref_slice %arg2[%add3A, %dma_wait3A, %dma_wait3A_41] : memref<32x80x128xi32, #tpu.memory_space<hbm>> -> memref<1x80x128xi32, #tpu.memory_space<hbm>>
      %dma_wait3A_43 = tpu.memref_squeeze %dma_wait3A_42 : memref<1x80x128xi32, #tpu.memory_space<hbm>> -> memref<80x128xi32, #tpu.memory_space<hbm>>
      %dma_wait3A_44 = arith.constant 0 : i32
      %dma_wait3A_45 = arith.constant 0 : i32
      %dma_wait3A_46 = tpu.memref_slice %arg2[%add3A, %dma_wait3A_44, %dma_wait3A_45] : memref<32x80x128xi32, #tpu.memory_space<hbm>> -> memref<1x80x128xi32, #tpu.memory_space<hbm>>
      %dma_wait3A_47 = tpu.memref_squeeze %dma_wait3A_46 : memref<1x80x128xi32, #tpu.memory_space<hbm>> -> memref<80x128xi32, #tpu.memory_space<hbm>>
      tpu.wait_dma2 semaphore(%run_scoped3A : memref<!tpu.dma_semaphore, #tpu.memory_space<semaphore_mem>>) src(%dma_wait3A_47 : memref<80x128xi32, #tpu.memory_space<hbm>>) dst(%arg6 : memref<80x128xi32, #tpu.memory_space<vmem>>)
      tpu.yield
    }) : () -> ()
    %barrier3A = arith.constant 0 : index
    tpu.barrier barrier_id(%barrier3A)
    %sc_fetch_and_add3A = arith.constant 1 : i32
    %sc_fetch_and_add3A_5 = arith.constant 0 : i32
    %sc_fetch_and_add3A_6 = arith.constant 0 : i32
    %sc_fetch_and_add3A_7 = tpu.fetch_and_add_sync %arg9[%sc_fetch_and_add3A_5], %sc_fetch_and_add3A, %sc_fetch_and_add3A_6 : memref<8xi32, #tpu.memory_space<smem>>, i32 -> i32
    %swap3A = arith.constant 0 : i32
    %swap3A_8 = arith.constant 4 : i32
    %swap3A_9 = arith.index_cast %swap3A_8 : i32 to index
    %swap3A_10 = memref.load %arg9[%swap3A_9] : memref<8xi32, #tpu.memory_space<smem>>
    memref.store %swap3A, %arg9[%swap3A_9] : memref<8xi32, #tpu.memory_space<smem>>
    %scan3A = arith.constant 0 : i32
    %scan3A_11 = arith.constant 400 : i32
    %scan3A_12 = arith.addi %scan3A, %scan3A_11 : i32
    %scan3A_13 = arith.constant 1 : i32
    scf.for %scan3A_34 = %scan3A to %scan3A_12 step %scan3A_13  : i32 {
      %mul3A_35 = arith.constant 1 : i32
      %mul3A_36 = arith.muli %scan3A_34, %mul3A_35 : i32
      %add3A_37 = arith.constant 0 : i32
      %add3A_38 = arith.addi %add3A_37, %mul3A_36 : i32
      %get3A = arith.constant 4 : i32
      %get3A_39 = arith.index_cast %get3A : i32 to index
      %get3A_40 = memref.load %arg9[%get3A_39] : memref<8xi32, #tpu.memory_space<smem>>
      %eq3A_41 = arith.constant 0 : i32
      %eq3A_42 = arith.cmpi eq, %get3A_40, %eq3A_41 : i32
      %convert_element_type3A_43 = arith.extui %eq3A_42 : i1 to i32
      %cond3A_44 = arith.constant 0 : i32
      %cond3A_45 = arith.cmpi ne, %convert_element_type3A_43, %cond3A_44 : i32
      scf.if %cond3A_45 {
        %sc_fetch_and_add3A_46 = arith.constant 0 : i32
        %sc_fetch_and_add3A_47 = arith.constant 0 : i32
        %sc_fetch_and_add3A_48 = arith.constant 0 : i32
        %sc_fetch_and_add3A_49 = tpu.fetch_and_add_sync %arg9[%sc_fetch_and_add3A_47], %sc_fetch_and_add3A_46, %sc_fetch_and_add3A_48 : memref<8xi32, #tpu.memory_space<smem>>, i32 -> i32
        %ge3A = arith.constant 16 : i32
        %ge3A_50 = arith.cmpi sge, %sc_fetch_and_add3A_49, %ge3A : i32
        %convert_element_type3A_51 = arith.extui %ge3A_50 : i1 to i32
        %cond3A_52 = arith.constant 0 : i32
        %cond3A_53 = arith.cmpi ne, %convert_element_type3A_51, %cond3A_52 : i32
        scf.if %cond3A_53 {
          %swap3A_54 = arith.constant 1 : i32
          %swap3A_55 = arith.constant 4 : i32
          %swap3A_56 = arith.index_cast %swap3A_55 : i32 to index
          %swap3A_57 = memref.load %arg9[%swap3A_56] : memref<8xi32, #tpu.memory_space<smem>>
          memref.store %swap3A_54, %arg9[%swap3A_56] : memref<8xi32, #tpu.memory_space<smem>>
        } else {
        }
      } else {
      }
    }
    %scan3A_14 = arith.constant 400 : i32
    %scan3A_15 = arith.constant 0 : i32
    %scan3A_16 = arith.constant 80 : i32
    %scan3A_17 = arith.addi %scan3A_15, %scan3A_16 : i32
    %scan3A_18 = arith.constant 1 : i32
    scf.for %scan3A_34 = %scan3A_15 to %scan3A_17 step %scan3A_18  : i32 {
      %mul3A_35 = arith.constant 1 : i32
      %mul3A_36 = arith.muli %scan3A_34, %mul3A_35 : i32
      %add3A_37 = arith.constant 0 : i32
      %add3A_38 = arith.addi %add3A_37, %mul3A_36 : i32
      "tpu.region"() ({
        %run_scoped3A = tpu.sem_alloc : memref<!tpu.dma_semaphore, #tpu.memory_space<semaphore_mem>>
        %dma_start3A = arith.constant 0 : i32
        %dma_start3A_39 = tpu.memref_slice %arg6[%add3A_38, %dma_start3A] : memref<80x128xi32, #tpu.memory_space<vmem>> -> memref<1x128xi32, #tpu.memory_space<vmem>>
        %dma_start3A_40 = tpu.memref_squeeze %dma_start3A_39 : memref<1x128xi32, #tpu.memory_space<vmem>> -> memref<128xi32, #tpu.memory_space<vmem>>
        %dma_start3A_41 = arith.constant 0 : i32
        %dma_start3A_42 = arith.constant 0 : i32
        %dma_start3A_43 = tpu.memref_slice %arg8[%dma_start3A_41, %dma_start3A_42] : memref<10112x16xf32, #tpu.memory_space<vmem_shared>> -> memref<10112x16xf32, #tpu.memory_space<vmem_shared>>
        tpu.enqueue_indirect_dma source(%arg7 : memref<128x16xf32, #tpu.memory_space<vmem>>) target(%dma_start3A_43 : memref<10112x16xf32, #tpu.memory_space<vmem_shared>>) offsets(%dma_start3A_40 : memref<128xi32, #tpu.memory_space<vmem>>) semaphore(%run_scoped3A : memref<!tpu.dma_semaphore, #tpu.memory_space<semaphore_mem>>) {add = true}
        %dma_wait3A = arith.constant 0 : i32
        %dma_wait3A_44 = tpu.memref_slice %arg6[%add3A_38, %dma_wait3A] : memref<80x128xi32, #tpu.memory_space<vmem>> -> memref<1x128xi32, #tpu.memory_space<vmem>>
        %dma_wait3A_45 = tpu.memref_squeeze %dma_wait3A_44 : memref<1x128xi32, #tpu.memory_space<vmem>> -> memref<128xi32, #tpu.memory_space<vmem>>
        %dma_wait3A_46 = arith.constant 0 : i32
        %dma_wait3A_47 = arith.constant 0 : i32
        %dma_wait3A_48 = tpu.memref_slice %arg8[%dma_wait3A_46, %dma_wait3A_47] : memref<10112x16xf32, #tpu.memory_space<vmem_shared>> -> memref<10112x16xf32, #tpu.memory_space<vmem_shared>>
        tpu.wait_indirect_dma semaphore(%run_scoped3A : memref<!tpu.dma_semaphore, #tpu.memory_space<semaphore_mem>>) src(%arg7 : memref<128x16xf32, #tpu.memory_space<vmem>>) dst(%dma_wait3A_48 : memref<10112x16xf32, #tpu.memory_space<vmem_shared>>)
        tpu.yield
      }) : () -> ()
    }
    %scan3A_19 = arith.constant 80 : i32
    %barrier3A_20 = arith.constant 0 : index
    tpu.barrier barrier_id(%barrier3A_20)
    %sc_fetch_and_add3A_21 = arith.constant 1 : i32
    %sc_fetch_and_add3A_22 = arith.constant 1 : i32
    %sc_fetch_and_add3A_23 = arith.constant 0 : i32
    %sc_fetch_and_add3A_24 = tpu.fetch_and_add_sync %arg9[%sc_fetch_and_add3A_22], %sc_fetch_and_add3A_21, %sc_fetch_and_add3A_23 : memref<8xi32, #tpu.memory_space<smem>>, i32 -> i32
    %swap3A_25 = arith.constant 0 : i32
    %swap3A_26 = arith.constant 5 : i32
    %swap3A_27 = arith.index_cast %swap3A_26 : i32 to index
    %swap3A_28 = memref.load %arg9[%swap3A_27] : memref<8xi32, #tpu.memory_space<smem>>
    memref.store %swap3A_25, %arg9[%swap3A_27] : memref<8xi32, #tpu.memory_space<smem>>
    %scan3A_29 = arith.constant 0 : i32
    %scan3A_30 = arith.constant 400 : i32
    %scan3A_31 = arith.addi %scan3A_29, %scan3A_30 : i32
    %scan3A_32 = arith.constant 1 : i32
    scf.for %scan3A_34 = %scan3A_29 to %scan3A_31 step %scan3A_32  : i32 {
      %mul3A_35 = arith.constant 1 : i32
      %mul3A_36 = arith.muli %scan3A_34, %mul3A_35 : i32
      %add3A_37 = arith.constant 0 : i32
      %add3A_38 = arith.addi %add3A_37, %mul3A_36 : i32
      %get3A = arith.constant 5 : i32
      %get3A_39 = arith.index_cast %get3A : i32 to index
      %get3A_40 = memref.load %arg9[%get3A_39] : memref<8xi32, #tpu.memory_space<smem>>
      %eq3A_41 = arith.constant 0 : i32
      %eq3A_42 = arith.cmpi eq, %get3A_40, %eq3A_41 : i32
      %convert_element_type3A_43 = arith.extui %eq3A_42 : i1 to i32
      %cond3A_44 = arith.constant 0 : i32
      %cond3A_45 = arith.cmpi ne, %convert_element_type3A_43, %cond3A_44 : i32
      scf.if %cond3A_45 {
        %sc_fetch_and_add3A_46 = arith.constant 0 : i32
        %sc_fetch_and_add3A_47 = arith.constant 1 : i32
        %sc_fetch_and_add3A_48 = arith.constant 0 : i32
        %sc_fetch_and_add3A_49 = tpu.fetch_and_add_sync %arg9[%sc_fetch_and_add3A_47], %sc_fetch_and_add3A_46, %sc_fetch_and_add3A_48 : memref<8xi32, #tpu.memory_space<smem>>, i32 -> i32
        %ge3A = arith.constant 16 : i32
        %ge3A_50 = arith.cmpi sge, %sc_fetch_and_add3A_49, %ge3A : i32
        %convert_element_type3A_51 = arith.extui %ge3A_50 : i1 to i32
        %cond3A_52 = arith.constant 0 : i32
        %cond3A_53 = arith.cmpi ne, %convert_element_type3A_51, %cond3A_52 : i32
        scf.if %cond3A_53 {
          %swap3A_54 = arith.constant 1 : i32
          %swap3A_55 = arith.constant 5 : i32
          %swap3A_56 = arith.index_cast %swap3A_55 : i32 to index
          %swap3A_57 = memref.load %arg9[%swap3A_56] : memref<8xi32, #tpu.memory_space<smem>>
          memref.store %swap3A_54, %arg9[%swap3A_56] : memref<8xi32, #tpu.memory_space<smem>>
        } else {
        }
      } else {
      }
    }
    %scan3A_33 = arith.constant 400 : i32
    "tpu.region"() ({
      %run_scoped3A = tpu.sem_alloc : memref<!tpu.dma_semaphore, #tpu.memory_space<semaphore_mem>>
      %dma_start3A = arith.constant 0 : i32
      %dma_start3A_34 = tpu.memref_slice %arg5[%arg0, %mul3A_2, %dma_start3A] : memref<2x10112x16xf32, #tpu.memory_space<hbm>> -> memref<1x632x16xf32, #tpu.memory_space<hbm>>
      %dma_start3A_35 = tpu.memref_squeeze %dma_start3A_34 : memref<1x632x16xf32, #tpu.memory_space<hbm>> -> memref<632x16xf32, #tpu.memory_space<hbm>>
      %dma_start3A_36 = arith.constant 0 : i32
      %dma_start3A_37 = tpu.memref_slice %arg8[%mul3A_2, %dma_start3A_36] : memref<10112x16xf32, #tpu.memory_space<vmem_shared>> -> memref<632x16xf32, #tpu.memory_space<vmem_shared>>
      tpu.enqueue_dma source(%dma_start3A_37 : memref<632x16xf32, #tpu.memory_space<vmem_shared>>) target(%dma_start3A_35 : memref<632x16xf32, #tpu.memory_space<hbm>>) target_semaphore(%run_scoped3A : memref<!tpu.dma_semaphore, #tpu.memory_space<semaphore_mem>>)
      %dma_wait3A = arith.constant 0 : i32
      %dma_wait3A_38 = tpu.memref_slice %arg5[%arg0, %mul3A_2, %dma_wait3A] : memref<2x10112x16xf32, #tpu.memory_space<hbm>> -> memref<1x632x16xf32, #tpu.memory_space<hbm>>
      %dma_wait3A_39 = tpu.memref_squeeze %dma_wait3A_38 : memref<1x632x16xf32, #tpu.memory_space<hbm>> -> memref<632x16xf32, #tpu.memory_space<hbm>>
      %dma_wait3A_40 = arith.constant 0 : i32
      %dma_wait3A_41 = tpu.memref_slice %arg8[%mul3A_2, %dma_wait3A_40] : memref<10112x16xf32, #tpu.memory_space<vmem_shared>> -> memref<632x16xf32, #tpu.memory_space<vmem_shared>>
      tpu.wait_dma2 semaphore(%run_scoped3A : memref<!tpu.dma_semaphore, #tpu.memory_space<semaphore_mem>>) src(%dma_wait3A_41 : memref<632x16xf32, #tpu.memory_space<vmem_shared>>) dst(%dma_wait3A_39 : memref<632x16xf32, #tpu.memory_space<hbm>>)
      tpu.yield
    }) : () -> ()
    return
  }
}

module attributes {stable_mosaic.version = 14 : i64} {
  func.func @_tc_prep1_body(%arg0: i32, %arg1: memref<2x1000x16xf32, #tpu.memory_space<vmem>>, %arg2: memref<1000x128xf32, #tpu.memory_space<vmem>>, %arg3: memref<128x128xf32, #tpu.memory_space<vmem>>, %arg4: memref<1000x128xf32, #tpu.memory_space<vmem>>) attributes {dimension_semantics = [#tpu.dimension_semantics<arbitrary>], iteration_bounds = array<i64: 10>, scalar_prefetch = 0 : i64, scratch_operands = 0 : i64, tpu.core_type = #tpu.core_type<tc>, window_params = [{transform_indices = @transform_0, window_bounds = array<i64: 2, 1000, 16>}, {transform_indices = @transform_1, window_bounds = array<i64: 1000, 128>}, {pipeline_mode = #tpu.pipeline_mode<synchronous>, transform_indices = @transform_2, window_bounds = array<i64: 128, 128>}, {transform_indices = @transform_3, window_bounds = array<i64: 1000, 128>}]} {
    %get3A = arith.constant 0 : index
    %get3A_0 = arith.constant 0 : index
    %get3A_1 = arith.constant 0 : index
    %get3A_2 = vector.load %arg1[%get3A, %get3A_0, %get3A_1] : memref<2x1000x16xf32, #tpu.memory_space<vmem>>, vector<1x1000x1xf32>
    %get3A_3 = vector.shape_cast %get3A_2 : vector<1x1000x1xf32> to vector<1000x1xf32>
    %get3A_4 = arith.constant 1 : index
    %get3A_5 = arith.constant 0 : index
    %get3A_6 = arith.constant 0 : index
    %get3A_7 = vector.load %arg1[%get3A_4, %get3A_5, %get3A_6] : memref<2x1000x16xf32, #tpu.memory_space<vmem>>, vector<1x1000x1xf32>
    %get3A_8 = vector.shape_cast %get3A_7 : vector<1x1000x1xf32> to vector<1000x1xf32>
    %add3A = arith.addf %get3A_3, %get3A_8 : vector<1000x1xf32>
    %add3A_9 = arith.constant 1.000000e+00 : f32
    %add3A_10 = vector.broadcast %add3A_9 : f32 to vector<1000x1xf32>
    %add3A_11 = arith.addf %add3A, %add3A_10 : vector<1000x1xf32>
    %rsqrt3A = math.rsqrt %add3A_11 : vector<1000x1xf32>
    %get3A_12 = arith.constant 0 : index
    %get3A_13 = arith.constant 0 : index
    %get3A_14 = vector.load %arg2[%get3A_12, %get3A_13] : memref<1000x128xf32, #tpu.memory_space<vmem>>, vector<1000x128xf32>
    %get3A_15 = arith.constant 0 : index
    %get3A_16 = arith.constant 0 : index
    %get3A_17 = vector.load %arg3[%get3A_15, %get3A_16] : memref<128x128xf32, #tpu.memory_space<vmem>>, vector<128x128xf32>
    %dot_general3A = arith.constant dense<0.000000e+00> : vector<1000x128xf32>
    %dot_general3A_18 = tpu.matmul %get3A_14, %get3A_17, %dot_general3A {dimension_numbers = #tpu.dot_dimension_numbers<[1], [0], [0], [1], [0, 0, 1, 1], [], []>, transpose_lhs_hint = false} : vector<1000x128xf32>, vector<128x128xf32>, vector<1000x128xf32> -> vector<1000x128xf32>
    %mul3A = vector.broadcast %rsqrt3A : vector<1000x1xf32> to vector<1000x128xf32>
    %mul3A_19 = arith.mulf %dot_general3A_18, %mul3A : vector<1000x128xf32>
    %swap3A = arith.constant 0 : index
    %swap3A_20 = arith.constant 0 : index
    %swap3A_21 = vector.load %arg4[%swap3A, %swap3A_20] : memref<1000x128xf32, #tpu.memory_space<vmem>>, vector<1000x128xf32>
    tpu.vector_store %arg4[%swap3A, %swap3A_20], %mul3A_19 {strides = array<i32>} : memref<1000x128xf32, #tpu.memory_space<vmem>>, vector<1000x128xf32>,
    return
  }
  func.func @transform_0(%arg0: i32) -> (i32, i32, i32) {
    %c0_i32 = arith.constant 0 : i32
    %c0_i32_0 = arith.constant 0 : i32
    %c0_i32_1 = arith.constant 0 : i32
    return %c0_i32, %arg0, %c0_i32_0 : i32, i32, i32
  }
  func.func @transform_1(%arg0: i32) -> (i32, i32) {
    %c0_i32 = arith.constant 0 : i32
    %c0_i32_0 = arith.constant 0 : i32
    return %arg0, %c0_i32 : i32, i32
  }
  func.func @transform_2(%arg0: i32) -> (i32, i32) {
    %c0_i32 = arith.constant 0 : i32
    %c0_i32_0 = arith.constant 0 : i32
    %c0_i32_1 = arith.constant 0 : i32
    return %c0_i32, %c0_i32_0 : i32, i32
  }
  func.func @transform_3(%arg0: i32) -> (i32, i32) {
    %c0_i32 = arith.constant 0 : i32
    %c0_i32_0 = arith.constant 0 : i32
    return %arg0, %c0_i32 : i32, i32
  }
}

module attributes {stable_mosaic.version = 14 : i64} {
  func.func @_tc_mid_body(%arg0: i32, %arg1: memref<2x1000x16xf32, #tpu.memory_space<vmem>>, %arg2: memref<2x1000x128xf32, #tpu.memory_space<vmem>>, %arg3: memref<1000x128xf32, #tpu.memory_space<vmem>>, %arg4: memref<1x128xf32, #tpu.memory_space<vmem>>, %arg5: memref<128x128xf32, #tpu.memory_space<vmem>>, %arg6: memref<1000x128xf32, #tpu.memory_space<vmem>>) attributes {dimension_semantics = [#tpu.dimension_semantics<arbitrary>], iteration_bounds = array<i64: 10>, scalar_prefetch = 0 : i64, scratch_operands = 0 : i64, tpu.core_type = #tpu.core_type<tc>, window_params = [{transform_indices = @transform_0, window_bounds = array<i64: 2, 1000, 16>}, {transform_indices = @transform_1, window_bounds = array<i64: 2, 1000, 128>}, {transform_indices = @transform_2, window_bounds = array<i64: 1000, 128>}, {pipeline_mode = #tpu.pipeline_mode<synchronous>, transform_indices = @transform_3, window_bounds = array<i64: 1, 128>}, {pipeline_mode = #tpu.pipeline_mode<synchronous>, transform_indices = @transform_4, window_bounds = array<i64: 128, 128>}, {transform_indices = @transform_5, window_bounds = array<i64: 1000, 128>}]} {
    %get3A = arith.constant 0 : index
    %get3A_0 = arith.constant 0 : index
    %get3A_1 = arith.constant 0 : index
    %get3A_2 = vector.load %arg1[%get3A, %get3A_0, %get3A_1] : memref<2x1000x16xf32, #tpu.memory_space<vmem>>, vector<1x1000x1xf32>
    %get3A_3 = vector.shape_cast %get3A_2 : vector<1x1000x1xf32> to vector<1000x1xf32>
    %get3A_4 = arith.constant 1 : index
    %get3A_5 = arith.constant 0 : index
    %get3A_6 = arith.constant 0 : index
    %get3A_7 = vector.load %arg1[%get3A_4, %get3A_5, %get3A_6] : memref<2x1000x16xf32, #tpu.memory_space<vmem>>, vector<1x1000x1xf32>
    %get3A_8 = vector.shape_cast %get3A_7 : vector<1x1000x1xf32> to vector<1000x1xf32>
    %add3A = arith.addf %get3A_3, %get3A_8 : vector<1000x1xf32>
    %add3A_9 = arith.constant 1.000000e+00 : f32
    %add3A_10 = vector.broadcast %add3A_9 : f32 to vector<1000x1xf32>
    %add3A_11 = arith.addf %add3A, %add3A_10 : vector<1000x1xf32>
    %rsqrt3A = math.rsqrt %add3A_11 : vector<1000x1xf32>
    %get3A_12 = arith.constant 0 : index
    %get3A_13 = arith.constant 0 : index
    %get3A_14 = arith.constant 0 : index
    %get3A_15 = vector.load %arg2[%get3A_12, %get3A_13, %get3A_14] : memref<2x1000x128xf32, #tpu.memory_space<vmem>>, vector<1x1000x128xf32>
    %get3A_16 = vector.shape_cast %get3A_15 : vector<1x1000x128xf32> to vector<1000x128xf32>
    %get3A_17 = arith.constant 1 : index
    %get3A_18 = arith.constant 0 : index
    %get3A_19 = arith.constant 0 : index
    %get3A_20 = vector.load %arg2[%get3A_17, %get3A_18, %get3A_19] : memref<2x1000x128xf32, #tpu.memory_space<vmem>>, vector<1x1000x128xf32>
    %get3A_21 = vector.shape_cast %get3A_20 : vector<1x1000x128xf32> to vector<1000x128xf32>
    %add3A_22 = arith.addf %get3A_16, %get3A_21 : vector<1000x128xf32>
    %get3A_23 = arith.constant 0 : index
    %get3A_24 = arith.constant 0 : index
    %get3A_25 = vector.load %arg3[%get3A_23, %get3A_24] : memref<1000x128xf32, #tpu.memory_space<vmem>>, vector<1000x128xf32>
    %add3A_26 = arith.addf %add3A_22, %get3A_25 : vector<1000x128xf32>
    %mul3A = vector.broadcast %rsqrt3A : vector<1000x1xf32> to vector<1000x128xf32>
    %mul3A_27 = arith.mulf %mul3A, %add3A_26 : vector<1000x128xf32>
    %get3A_28 = arith.constant 0 : index
    %get3A_29 = arith.constant 0 : index
    %get3A_30 = vector.load %arg4[%get3A_28, %get3A_29] : memref<1x128xf32, #tpu.memory_space<vmem>>, vector<1x128xf32>
    %add3A_31 = vector.broadcast %get3A_30 : vector<1x128xf32> to vector<1000x128xf32>
    %add3A_32 = arith.addf %mul3A_27, %add3A_31 : vector<1000x128xf32>
    %mul3A_33 = arith.constant 5.000000e-01 : f32
    %mul3A_34 = vector.broadcast %mul3A_33 : f32 to vector<1000x128xf32>
    %mul3A_35 = arith.mulf %mul3A_34, %add3A_32 : vector<1000x128xf32>
    %mul3A_36 = arith.constant 0.707106769 : f32
    %mul3A_37 = vector.broadcast %mul3A_36 : f32 to vector<1000x128xf32>
    %mul3A_38 = arith.mulf %add3A_32, %mul3A_37 : vector<1000x128xf32>
    %erf3A = math.erf %mul3A_38 : vector<1000x128xf32>
    %add3A_39 = arith.constant 1.000000e+00 : f32
    %add3A_40 = vector.broadcast %add3A_39 : f32 to vector<1000x128xf32>
    %add3A_41 = arith.addf %add3A_40, %erf3A : vector<1000x128xf32>
    %mul3A_42 = arith.mulf %mul3A_35, %add3A_41 : vector<1000x128xf32>
    %get3A_43 = arith.constant 0 : index
    %get3A_44 = arith.constant 0 : index
    %get3A_45 = vector.load %arg5[%get3A_43, %get3A_44] : memref<128x128xf32, #tpu.memory_space<vmem>>, vector<128x128xf32>
    %dot_general3A = arith.constant dense<0.000000e+00> : vector<1000x128xf32>
    %dot_general3A_46 = tpu.matmul %mul3A_42, %get3A_45, %dot_general3A {dimension_numbers = #tpu.dot_dimension_numbers<[1], [0], [0], [1], [0, 0, 1, 1], [], []>, transpose_lhs_hint = false} : vector<1000x128xf32>, vector<128x128xf32>, vector<1000x128xf32> -> vector<1000x128xf32>
    %mul3A_47 = vector.broadcast %rsqrt3A : vector<1000x1xf32> to vector<1000x128xf32>
    %mul3A_48 = arith.mulf %dot_general3A_46, %mul3A_47 : vector<1000x128xf32>
    %swap3A = arith.constant 0 : index
    %swap3A_49 = arith.constant 0 : index
    %swap3A_50 = vector.load %arg6[%swap3A, %swap3A_49] : memref<1000x128xf32, #tpu.memory_space<vmem>>, vector<1000x128xf32>
    tpu.vector_store %arg6[%swap3A, %swap3A_49], %mul3A_48 {strides = array<i32>} : memref<1000x128xf32, #tpu.memory_space<vmem>>, vector<1000x128xf32>,
    return
  }
  func.func @transform_0(%arg0: i32) -> (i32, i32, i32) {
    %c0_i32 = arith.constant 0 : i32
    %c0_i32_0 = arith.constant 0 : i32
    %c0_i32_1 = arith.constant 0 : i32
    return %c0_i32, %arg0, %c0_i32_0 : i32, i32, i32
  }
  func.func @transform_1(%arg0: i32) -> (i32, i32, i32) {
    %c0_i32 = arith.constant 0 : i32
    %c0_i32_0 = arith.constant 0 : i32
    %c0_i32_1 = arith.constant 0 : i32
    return %c0_i32, %arg0, %c0_i32_0 : i32, i32, i32
  }
  func.func @transform_2(%arg0: i32) -> (i32, i32) {
    %c0_i32 = arith.constant 0 : i32
    %c0_i32_0 = arith.constant 0 : i32
    return %arg0, %c0_i32 : i32, i32
  }
  func.func @transform_3(%arg0: i32) -> (i32, i32) {
    %c0_i32 = arith.constant 0 : i32
    %c0_i32_0 = arith.constant 0 : i32
    %c0_i32_1 = arith.constant 0 : i32
    return %c0_i32, %c0_i32_0 : i32, i32
  }
  func.func @transform_4(%arg0: i32) -> (i32, i32) {
    %c0_i32 = arith.constant 0 : i32
    %c0_i32_0 = arith.constant 0 : i32
    %c0_i32_1 = arith.constant 0 : i32
    return %c0_i32, %c0_i32_0 : i32, i32
  }
  func.func @transform_5(%arg0: i32) -> (i32, i32) {
    %c0_i32 = arith.constant 0 : i32
    %c0_i32_0 = arith.constant 0 : i32
    return %arg0, %c0_i32 : i32, i32
  }
}

module attributes {stable_mosaic.version = 14 : i64} {
  func.func @_tc_fin_body(%arg0: i32, %arg1: memref<2x1000x16xf32, #tpu.memory_space<vmem>>, %arg2: memref<2x1000x128xf32, #tpu.memory_space<vmem>>, %arg3: memref<1000x128xf32, #tpu.memory_space<vmem>>, %arg4: memref<1x128xf32, #tpu.memory_space<vmem>>, %arg5: memref<1000x128xf32, #tpu.memory_space<vmem>>) attributes {dimension_semantics = [#tpu.dimension_semantics<arbitrary>], iteration_bounds = array<i64: 10>, scalar_prefetch = 0 : i64, scratch_operands = 0 : i64, tpu.core_type = #tpu.core_type<tc>, window_params = [{transform_indices = @transform_0, window_bounds = array<i64: 2, 1000, 16>}, {transform_indices = @transform_1, window_bounds = array<i64: 2, 1000, 128>}, {transform_indices = @transform_2, window_bounds = array<i64: 1000, 128>}, {pipeline_mode = #tpu.pipeline_mode<synchronous>, transform_indices = @transform_3, window_bounds = array<i64: 1, 128>}, {transform_indices = @transform_4, window_bounds = array<i64: 1000, 128>}]} {
    %get3A = arith.constant 0 : index
    %get3A_0 = arith.constant 0 : index
    %get3A_1 = arith.constant 0 : index
    %get3A_2 = vector.load %arg1[%get3A, %get3A_0, %get3A_1] : memref<2x1000x16xf32, #tpu.memory_space<vmem>>, vector<1x1000x1xf32>
    %get3A_3 = vector.shape_cast %get3A_2 : vector<1x1000x1xf32> to vector<1000x1xf32>
    %get3A_4 = arith.constant 1 : index
    %get3A_5 = arith.constant 0 : index
    %get3A_6 = arith.constant 0 : index
    %get3A_7 = vector.load %arg1[%get3A_4, %get3A_5, %get3A_6] : memref<2x1000x16xf32, #tpu.memory_space<vmem>>, vector<1x1000x1xf32>
    %get3A_8 = vector.shape_cast %get3A_7 : vector<1x1000x1xf32> to vector<1000x1xf32>
    %add3A = arith.addf %get3A_3, %get3A_8 : vector<1000x1xf32>
    %add3A_9 = arith.constant 1.000000e+00 : f32
    %add3A_10 = vector.broadcast %add3A_9 : f32 to vector<1000x1xf32>
    %add3A_11 = arith.addf %add3A, %add3A_10 : vector<1000x1xf32>
    %rsqrt3A = math.rsqrt %add3A_11 : vector<1000x1xf32>
    %get3A_12 = arith.constant 0 : index
    %get3A_13 = arith.constant 0 : index
    %get3A_14 = arith.constant 0 : index
    %get3A_15 = vector.load %arg2[%get3A_12, %get3A_13, %get3A_14] : memref<2x1000x128xf32, #tpu.memory_space<vmem>>, vector<1x1000x128xf32>
    %get3A_16 = vector.shape_cast %get3A_15 : vector<1x1000x128xf32> to vector<1000x128xf32>
    %get3A_17 = arith.constant 1 : index
    %get3A_18 = arith.constant 0 : index
    %get3A_19 = arith.constant 0 : index
    %get3A_20 = vector.load %arg2[%get3A_17, %get3A_18, %get3A_19] : memref<2x1000x128xf32, #tpu.memory_space<vmem>>, vector<1x1000x128xf32>
    %get3A_21 = vector.shape_cast %get3A_20 : vector<1x1000x128xf32> to vector<1000x128xf32>
    %add3A_22 = arith.addf %get3A_16, %get3A_21 : vector<1000x128xf32>
    %get3A_23 = arith.constant 0 : index
    %get3A_24 = arith.constant 0 : index
    %get3A_25 = vector.load %arg3[%get3A_23, %get3A_24] : memref<1000x128xf32, #tpu.memory_space<vmem>>, vector<1000x128xf32>
    %add3A_26 = arith.addf %add3A_22, %get3A_25 : vector<1000x128xf32>
    %mul3A = vector.broadcast %rsqrt3A : vector<1000x1xf32> to vector<1000x128xf32>
    %mul3A_27 = arith.mulf %mul3A, %add3A_26 : vector<1000x128xf32>
    %get3A_28 = arith.constant 0 : index
    %get3A_29 = arith.constant 0 : index
    %get3A_30 = vector.load %arg4[%get3A_28, %get3A_29] : memref<1x128xf32, #tpu.memory_space<vmem>>, vector<1x128xf32>
    %add3A_31 = vector.broadcast %get3A_30 : vector<1x128xf32> to vector<1000x128xf32>
    %add3A_32 = arith.addf %mul3A_27, %add3A_31 : vector<1000x128xf32>
    %mul3A_33 = arith.constant 5.000000e-01 : f32
    %mul3A_34 = vector.broadcast %mul3A_33 : f32 to vector<1000x128xf32>
    %mul3A_35 = arith.mulf %mul3A_34, %add3A_32 : vector<1000x128xf32>
    %mul3A_36 = arith.constant 0.707106769 : f32
    %mul3A_37 = vector.broadcast %mul3A_36 : f32 to vector<1000x128xf32>
    %mul3A_38 = arith.mulf %add3A_32, %mul3A_37 : vector<1000x128xf32>
    %erf3A = math.erf %mul3A_38 : vector<1000x128xf32>
    %add3A_39 = arith.constant 1.000000e+00 : f32
    %add3A_40 = vector.broadcast %add3A_39 : f32 to vector<1000x128xf32>
    %add3A_41 = arith.addf %add3A_40, %erf3A : vector<1000x128xf32>
    %mul3A_42 = arith.mulf %mul3A_35, %add3A_41 : vector<1000x128xf32>
    %swap3A = arith.constant 0 : index
    %swap3A_43 = arith.constant 0 : index
    %swap3A_44 = vector.load %arg5[%swap3A, %swap3A_43] : memref<1000x128xf32, #tpu.memory_space<vmem>>, vector<1000x128xf32>
    tpu.vector_store %arg5[%swap3A, %swap3A_43], %mul3A_42 {strides = array<i32>} : memref<1000x128xf32, #tpu.memory_space<vmem>>, vector<1000x128xf32>,
    return
  }
  func.func @transform_0(%arg0: i32) -> (i32, i32, i32) {
    %c0_i32 = arith.constant 0 : i32
    %c0_i32_0 = arith.constant 0 : i32
    %c0_i32_1 = arith.constant 0 : i32
    return %c0_i32, %arg0, %c0_i32_0 : i32, i32, i32
  }
  func.func @transform_1(%arg0: i32) -> (i32, i32, i32) {
    %c0_i32 = arith.constant 0 : i32
    %c0_i32_0 = arith.constant 0 : i32
    %c0_i32_1 = arith.constant 0 : i32
    return %c0_i32, %arg0, %c0_i32_0 : i32, i32, i32
  }
  func.func @transform_2(%arg0: i32) -> (i32, i32) {
    %c0_i32 = arith.constant 0 : i32
    %c0_i32_0 = arith.constant 0 : i32
    return %arg0, %c0_i32 : i32, i32
  }
  func.func @transform_3(%arg0: i32) -> (i32, i32) {
    %c0_i32 = arith.constant 0 : i32
    %c0_i32_0 = arith.constant 0 : i32
    %c0_i32_1 = arith.constant 0 : i32
    return %c0_i32, %c0_i32_0 : i32, i32
  }
  func.func @transform_4(%arg0: i32) -> (i32, i32) {
    %c0_i32 = arith.constant 0 : i32
    %c0_i32_0 = arith.constant 0 : i32
    return %arg0, %c0_i32 : i32, i32
  }
}

</mosaic_0001>

<sc_bundles>
// kernel: kernel.11.cloned.1.call-start
scs
__scs_entry_jumppad:
0x0: {  	(pc) =	sbr.rel $0x88, $3  }
0x1: {  	(tag) =	ssettag $0x0;
	lr =	simm.s32 $0x1  }
0x2: {  	[smem:$0x3F9B] =	sst lr;
	_ =	strace $0xD0000000  }
0x3: {  	_ = 	snop  }
0x4: {  	_ = 	snop  }
0x5: {  	_ = 	snop  }
0x6: {  	_ = 	snop  }
0x7: {  	_ = 	snop  }
__scs_overlays_trampoline_lowered:
0x8: {  	[smem:$0x3FAA] =	sst s0  }
0x9: {  	[smem:$0x3FAB] =	sst s1  }
0xa: {  	[smem:$0x3FAC] =	sst s2  }
0xb: {  	[smem:$0x3FAD] =	sst s3  }
0xc: {  	[smem:$0x3FAE] =	sst s4  }
0xd: {  	[smem:$0x3FAF] =	sst s5  }
0xe: {  	[smem:$0x3FB0] =	sst s6  }
0xf: {  	[smem:$0x3FB1] =	sst s7  }
0x10: {  	[smem:$0x3FB2] =	sst s8  }
0x11: {  	[smem:$0x3FB3] =	sst s9;
	s0 =	simm.s32 @!p0 $0x0  }
0x12: {  	s1 =	sld [smem:$0x3F99];
	s0 =	simm.s32 @p0 $0x1  }
0x13: {  	[smem:$0x3FB4] =	sst s0;
	s0 =	simm.s32 @!p1 $0x0  }
0x14: {  	s2 =	sld [smem:$0x3F98];
	s0 =	simm.s32 @p1 $0x1  }
0x15: {  	[smem:$0x3FB5] =	sst s0;
	s0 =	simm.s32 @!p2 $0x0  }
0x16: {  	s3 =	sld [smem:$0x3FDB];
	s0 =	simm.s32 @p2 $0x1  }
0x17: {  	s4 =	simm.s32 $0x1BF5;
	[smem:$0x3FB7] =	sst s0  }
0x18: {  	s0 =	sld [smem:$0x3F9A];
	_ =	swait.ge [sflag:s4], $0x0  }
0x19: {  	s7 =	sld [smem:$0x3F9B]  }
0x1a: {  	s8 =	sadd.s32 $0xFFFFE003, lr  }
0x1b: {  	s9 =	sadd.s32 $0xFFFFFEF7, lr;
	s5 =	simm.s32 $0xFFFFFFFF;
	p2 =	slt.u32 s8, $0xFFFFF086  }
0x1c: {  	p1 =	slt.u32 s9, $0xF7A;
	s5 =	simm.s32 @!p2 $0x0  }
0x1d: {  	s5 =	simm.s32 @p1 $0x1;
	p0 =	seq.s32 s7, s2  }
0x1e: {  	s7 =	smul.u32 @!p0 $0xF7A, s2;
	p2 =	seq.s32 @!p0 s5, $0x0  }
0x1f: {  	s9 =	smul.u32 $0xF7A, s1;
	s8 =	simm.s32 @!p0 $0x1BF5;
	p2 =	por !p2, p0  }
0x20: {  	[sflag:s8] =	ssyncset.s32 @!p0 $0xFFFFF086;
	s6 =	sadd.s32 @!p0 s3, s7;
	s7 =	simm.s32 @!p0 $0x108  }
0x21: {  	s3 =	sadd.s32 s3, s9;
	s6 =	sadd.s32 @!p0 $0x88, s6;
	s7 =	simm.s32 @p2 $0x1082  }
0x22: {  	[simem:s7], [sflag:s8] =	dma.local @!p0 [hbm:s6], $0xF7A  }
0x23: {  	s9 =	sor.u32 $0xD0000000, s2;
	s6 =	simm.s32 $0x108;
	_ =	swait.ge @!p0 [sflag:s8], $0x0  }
0x24: {  	s3 =	sadd.s32 $0x88, s3;
	s6 =	simm.s32 @!p1 $0x1082;
	[sflag:s4] =	ssyncset.s32 $0xFFFFF086  }
0x25: {  	[simem:s6], [sflag:s4] =	dma.local [hbm:s3], $0xF7A  }
0x26: {  	[smem:$0x3F9B] =	sst s1;
	(tag) =	ssettag s2;
	_ =	strace s9  }
0x27: {  	s1 =	sld [smem:$0x3FAB]  }
0x28: {  	s2 =	sld [smem:$0x3FAC]  }
0x29: {  	s4 =	sld [smem:$0x3FAE]  }
0x2a: {  	p0 =	seq.s32 s5, $0x0;
	s5 =	sld [smem:$0x3FAF]  }
0x2b: {  	s6 =	sld [smem:$0x3FB0]  }
0x2c: {  	s7 =	sld [smem:$0x3FB1]  }
0x2d: {  	s3 =	simm.s32 $0x108;
	s8 =	sld [smem:$0x3FB2]  }
0x2e: {  	s3 =	simm.s32 @!p0 $0x1082;
	s9 =	sld [smem:$0x3FB3]  }
0x2f: {  	lr =	sadd.s32 s0, s3;
	s0 =	sld [smem:$0x3FAA]  }
0x30: {  	s3 =	sld [smem:$0x3FAD]  }
0x31: {  	[smem:$0x3FB6] =	sst s10  }
0x32: {  	s10 =	sld [smem:$0x3FB4];
	_ =	sdelay $0x3  }
0x33: {  	p0 =	seq.s32 s10, $0x1;
	s10 =	sld [smem:$0x3FB6];
	_ =	sdelay $0x3  }
0x34: {  	[smem:$0x3FB6] =	sst s10  }
0x35: {  	s10 =	sld [smem:$0x3FB5];
	_ =	sdelay $0x3  }
0x36: {  	p1 =	seq.s32 s10, $0x1;
	s10 =	sld [smem:$0x3FB6];
	_ =	sdelay $0x3  }
0x37: {  	[smem:$0x3FB6] =	sst s10  }
0x38: {  	s10 =	sld [smem:$0x3FB7]  }
0x39: {  	_ = 	snop;
	(pc) =	sbr.ind lr, $3  }
0x3a: {  	_ = 	snop  }
0x3b: {  	_ = 	snop  }
0x3c: {  	p2 =	seq.s32 s10, $0x1;
	s10 =	sld [smem:$0x3FB6]  }
0x3d: {  	_ =	shalt  }
0x3e: {  	_ =	shalt  }
0x3f: {  	_ =	shalt  }
0x40: {  	_ =	shalt  }
0x41: {  	_ =	shalt  }
0x42: {  	_ =	shalt  }
0x43: {  	_ =	shalt  }
0x44: {  	_ =	shalt  }
0x45: {  	_ =	shalt  }
0x46: {  	_ =	shalt  }
0x47: {  	_ =	shalt  }
0x48: {  	_ =	shalt  }
0x49: {  	_ =	shalt  }
0x4a: {  	_ =	shalt  }
0x4b: {  	_ =	shalt  }
0x4c: {  	_ =	shalt  }
0x4d: {  	_ =	shalt  }
0x4e: {  	_ =	shalt  }
0x4f: {  	_ =	shalt  }
0x50: {  	_ =	shalt  }
0x51: {  	_ =	shalt  }
0x52: {  	_ =	shalt  }
0x53: {  	_ =	shalt  }
0x54: {  	_ =	shalt  }
0x55: {  	_ =	shalt  }
0x56: {  	_ =	shalt  }
0x57: {  	_ =	shalt  }
0x58: {  	_ =	shalt  }
0x59: {  	_ =	shalt  }
0x5a: {  	_ =	shalt  }
0x5b: {  	_ =	shalt  }
0x5c: {  	_ =	shalt  }
0x5d: {  	_ =	shalt  }
0x5e: {  	_ =	shalt  }
0x5f: {  	_ =	shalt  }
0x60: {  	_ =	shalt  }
0x61: {  	_ =	shalt  }
0x62: {  	_ =	shalt  }
0x63: {  	_ =	shalt  }
0x64: {  	_ =	shalt  }
0x65: {  	_ =	shalt  }
0x66: {  	_ =	shalt  }
0x67: {  	_ =	shalt  }
0x68: {  	_ =	shalt  }
0x69: {  	_ =	shalt  }
0x6a: {  	_ =	shalt  }
0x6b: {  	_ =	shalt  }
0x6c: {  	_ =	shalt  }
0x6d: {  	_ =	shalt  }
0x6e: {  	_ =	shalt  }
0x6f: {  	_ =	shalt  }
0x70: {  	_ =	shalt  }
0x71: {  	_ =	shalt  }
0x72: {  	_ =	shalt  }
0x73: {  	_ =	shalt  }
0x74: {  	_ =	shalt  }
0x75: {  	_ =	shalt  }
0x76: {  	_ =	shalt  }
0x77: {  	_ =	shalt  }
0x78: {  	_ =	shalt  }
0x79: {  	_ =	shalt  }
0x7a: {  	_ =	shalt  }
0x7b: {  	_ =	shalt  }
0x7c: {  	_ =	shalt  }
0x7d: {  	_ =	shalt  }
0x7e: {  	_ =	shalt  }
0x7f: {  	_ =	shalt  }
0x80: {  	_ =	shalt  }
0x81: {  	_ =	shalt  }
0x82: {  	_ =	shalt  }
0x83: {  	_ =	shalt  }
0x84: {  	_ =	shalt  }
0x85: {  	_ =	shalt  }
0x86: {  	_ =	shalt  }
0x87: {  	_ =	shalt  }
.Lfunc_end0:
.L_simem_size_0:
called_computation.1_lowered:
.L_overlay_start_0:
0x88: {  	s2 =	sld [smem:$0x3FD9]  }
0x89: {  	s3 =	sld [smem:$0x3FFE];
	_ =	sdelay $0x1  }
0x8a: {  	s1 =	srdreg.scid  }
0x8b: {  	s0 =	sand.u32 $0x1, s1  }
0x8c: {  	s14 =	sshll.u32 s0, $0xA;
	s2 =	sadd.s32 s3, s2  }
0x8d: {  	s2 =	sadd.s32 s2, s14  }
0x8e: {  	[smem:$0x3FC2] =	sst s2  }
0x8f: {  	_ = 	snop  }
0x90: {  	s2 =	sld [smem:$0x3FD0];
	_ =	sdelay $0x2  }
0x91: {  	s15 =	simm.s32 $0xA;
	s4 =	simm.s32 $0x10  }
0x92: {  	[smem:s4], [sflag:s15] =	dma.local [hbm:s2], $0x1  }
0x93: {  	_ =	swait.eq [sflag:s15], $0x1  }
0x94: {  	[sflag:s15] =	ssyncset.done $0x0  }
0x95: {  	[sflag:s15] =	ssyncadd.s32 $0xFFFFFFFF  }
0x96: {  	s16 =	sld [smem:$0x10];
	(tm) =	ssettm $0x1  }
0x97: {  	s17 =	sld [smem:$0x3FFB];
	_ =	sdelay $0x3  }
0x98: {  	_ =	strace s17  }
0x99: {  	s3 =	sld [smem:$0x3FFC];
	_ =	sdelay $0x3  }
0x9a: {  	_ =	strace s3  }
0x9b: {  	s3 =	sld [smem:$0x3FFD];
	_ =	sdelay $0x3  }
0x9c: {  	_ =	strace s3  }
0x9d: {  	_ =	strace $0x8FFFFFFF  }
0x9e: {  	s18 =	sld [smem:$0x3FDB];
	_ =	sdelay $0x1  }
0x9f: {  	s19 =	simm.s32 $_scs_section_size  }
0xa0: {  	s5 =	simm.s32 $_size__tile_overlayer_lowered;
	s6 =	simm.s32 $_tile_overlayer_lowered  }
0xa1: {  	s22 =	simm.s32 $0x1BFF;
	s21 =	sshll.u32 s6, $0x1;
	s3 =	sadd.s32 s19, s18  }
0xa2: {  	s7 =	simm.s32 $0x0;
	s20 =	sshll.u32 s5, $0x1;
	s5 =	sadd.s32 s21, s3  }
0xa3: {  	[timem:s7], [sflag:s22] =	dma.local [hbm:s5], s20  }
0xa4: {  	_ =	swait.ge [sflag:s22], s20  }
0xa5: {  	s4 =	ssub.s32 $0x0, s20;
	[sflag:s22] =	ssyncset.done $0x0  }
0xa6: {  	[sflag:s22] =	ssyncadd.s32 s4;
	_ =	sdelay $0x1  }
0xa7: {  	s23 =	simm.s32 $0x1B8B  }
0xa8: {  	_ =	swait.ge [sflag:s23], $0x1  }
0xa9: {  	[sflag:s23] =	ssyncset.done $0x0  }
0xaa: {  	s25 =	simm.s32 $0x1B8E;
	s24 =	sld [smem:$0x3FFE];
	[sflag:s23] =	ssyncadd.s32 $0xFFFFFFFF  }
0xab: {  	s26 =	simm.s32 $execute0_lowered;
	[smem:$0x3FD2] =	sst s25  }
0xac: {  	s5 =	sshll.u32 s26, $0x1;
	_ =	strace $0x80000049;
	[dreg:$0x1] =	wrdreg $0xFFFFFFFF  }
0xad: {  	s28 =	simm.s32 $_size_execute0_lowered;
	s3 =	sadd.s32 s3, s5;
	[dreg:$0x0] =	wrdreg $0x0  }
0xae: {  	s5 =	sshll.u32 s28, $0x1;
	[dreg:$0x2] =	wrdreg s3  }
0xaf: {  	[dreg:$0x3] =	wrdreg s5  }
0xb0: {  	[dreg:$0x4] =	wrdreg $0xC0  }
0xb1: {  	_ =	task [dreg:s7], $0x5FFFF  }
0xb2: {  	[dreg:$0x1] =	wrdreg $0xFFFFFFFF  }
0xb3: {  	[dreg:$0x0] =	wrdreg $0x60  }
0xb4: {  	[dreg:$0x2] =	wrdreg s24  }
0xb5: {  	[dreg:$0x3] =	wrdreg s16  }
0xb6: {  	[dreg:$0x4] =	wrdreg $0x90000  }
0xb7: {  	[dreg:$0x5] =	wrdreg $0x9  }
0xb8: {  	_ =	task.clear_ibuf [dreg:s7], $0x6FFFF;
	_ =	strace $0x90000049  }
0xb9: {  	s29 =	simm.s32 $0x9;
	_ =	strace $0x8000004B  }
0xba: {  	_ =	swait.ge [sflag:s29], $0x1  }
0xbb: {  	[sflag:s29] =	ssyncadd.s32 $0xFFFFFFFF  }
0xbc: {  	_ =	strace $0x9000004B  }
0xbd: {  	_ =	sfence  }
0xbe: {  	s30 =	sld [smem:$0x0];
	_ =	sdelay $0x2  }
0xbf: {  	s31 =	sshll.u32 s1, $0xD;
	s1 =	sshrl.u32 s1, $0x2  }
0xc0: {  	s3 =	sand.u32 $0x4000, s31;
	s1 =	sadd.s32 s1, s30  }
0xc1: {  	s0 =	sor.u32 s3, s0;
	s1 =	sshll.u32 s1, $0x11  }
0xc2: {  	s0 =	sor.u32 s1, s0  }
0xc3: {  	s0 =	sadd.s32 $0x8F2B, s0  }
0xc4: {  	[sflag:s0] =	ssyncadd.remote.s32 $0x1  }
0xc5: {  	_ =	sfence.sel $0xFFFF  }
0xc6: {  	[dreg:$0x0] =	wrdreg $0xFFFFFFFF;
	(pc) =	sbr.abs _section_cstart, $3  }
0xc7: {  	[dreg:$0x1] =	wrdreg $0xFFFFFFFF  }
0xc8: {  	_ =	task.clear_ibuf [dreg:s7], $0x2FFFF;
	_ =	strace $0x9FFFFFFF  }
0xc9: {  	(tm) =	ssettm $0x7FFFFFFF  }
tec
execute0_lowered:
.L_overlay_start_1:
0x0: {  	(tag) =	ssettag $0x1  }
0x1: {  	s0 =	rddreg [dreg:$0x0];
	s1 =	srdreg.scid  }
0x2: {  	s4 =	rddreg [dreg:$0x1];
	s6 =	stileid.u32  }
0x3: {  	s2 =	simm.s32 $0x0;
	s14 =	simm.s32 $0x100;
	s15 =	simm.s32 $0x880  }
0x4: {  	s17 =	simm.s32 $0x180;
	s5 =	sand.u32 $0x1, s1;
	s1 =	rddreg [dreg:$0x2]  }
0x5: {  	s18 =	simm.s32 $0x900;
	s19 =	simm.s32 $0x200;
	[smem:$0x7FF] =	sst s2  }
0x6: {  	s20 =	simm.s32 $0x980;
	_ =	strace $0x8000004A;
	[dreg:$0x6] =	wrdreg s14  }
0x7: {  	s21 =	simm.s32 $0x280;
	s22 =	simm.s32 $0xA00;
	[dreg:$0x7] =	wrdreg s15  }
0x8: {  	s23 =	simm.s32 $0x300;
	s24 =	simm.s32 $0xA80;
	[dreg:$0x8] =	wrdreg s17  }
0x9: {  	s28 =	simm.s32 $0x680;
	s7 =	smul.u32 $0x2800, s6;
	[dreg:$0x9] =	wrdreg s18  }
0xa: {  	s29 =	simm.s32 $0xE00;
	s25 =	smul.u32 $0x13C00, s6;
	[dreg:$0xa] =	wrdreg s19  }
0xb: {  	s30 =	simm.s32 $0x700;
	s26 =	smul.u32 $0x4F000, s6;
	[dreg:$0xb] =	wrdreg s20  }
0xc: {  	s31 =	simm.s32 $0xE80;
	s3 =	smul.u32 $0x28000, s5;
	[dreg:$0xc] =	wrdreg s21  }
0xd: {  	p0 =	sne.s32 s6, $0x0;
	s9 =	smul.u32 $0x13C000, s5;
	[dreg:$0xd] =	wrdreg s22  }
0xe: {  	s5 =	ssub.s32 $0x2, s5;
	[dreg:$0xe] =	wrdreg s23;
	s14 =	simm.s32 $0x5000  }
0xf: {  	[dreg:$0xf] =	wrdreg s24;
	s15 =	simm.s32 $0x1;
	s17 =	simm.s32 $0x400  }
0x10: {  	s18 =	simm.s32 $0xB80;
	s19 =	simm.s32 $0x480;
	s20 =	simm.s32 $0xC00  }
0x11: {  	s21 =	simm.s32 $0x500;
	s22 =	simm.s32 $0xC80;
	s23 =	simm.s32 $0x580  }
0x12: {  	s24 =	simm.s32 $0xD00;
	s11 =	sshrl.u32 s25, $0x3;
	s12 =	sshrl.u32 s5, $0x1  }
0x13: {  	s3 =	sadd.s32 s7, s3;
	s7 =	sadd.s32 s25, s9;
	s11 =	sadd.s32 s11, s0  }
0x14: {  	s5 =	ssub.s32 s5, s12;
	s9 =	sshrl.u32 s26, $0x2;
	s12 =	sshll.u32 s6, $0x6  }
0x15: {  	s25 =	simm.s32 $0x380;
	s26 =	simm.s32 $0xB00;
	s6 =	simm.s32 $0xF80  }
0x16: {  	s8 =	sshrl.u32 s3, $0x3;
	s3 =	sadd.s32 $0x1E00, s0;
	s7 =	sshrl.u32 s7, $0x3  }
0x17: {  	s11 =	sadd.s32 $0x29000, s11;
	s16 =	smax.u32 s5, $0x1;
	[dreg:$0x10] =	wrdreg s25  }
0x18: {  	[dreg:$0x11] =	wrdreg s26;
	s25 =	simm.s32 $0x600;
	s26 =	simm.s32 $0xD80  }
0x19: {  	s10 =	sadd.s32 s8, s0;
	s0 =	sadd.s32 s7, s0;
	s7 =	sadd.s32 s9, s1  }
0x1a: {  	[dreg:$0x12] =	wrdreg s11;
	s4 =	sadd.s32 s8, s4;
	s8 =	sor.u32 $0x1C05, s12  }
0x1b: {  	[dreg:$0x15] =	wrdreg s16;
	s9 =	simm.s32 $0x5;
	s11 =	simm.s32 $0x800  }
.Ltmp0:
0x1c: {  	s12 =	simm.s32 $0x80;
	[dreg:$0x4] =	wrdreg s4;
	(pc) =	sbr.rel .LBB2_1-.Ltmp0, $4  }
0x1d: {  	s16 =	simm.s32 $0x2;
	s13 =	sadd.s32 $0x78600, s10;
	[dreg:$0x13] =	wrdreg s8  }
0x1e: {  	s0 =	sadd.s32 $0x82600, s0;
	s10 =	sshrl.u32 s7, $0x3;
	[dreg:$0x5] =	wrdreg s13  }
0x1f: {  	s4 =	simm.s32 $0xF00;
	s7 =	simm.s32 $0x0;
	[dreg:$0x14] =	wrdreg s0  }
0x20: {  	s13 =	simm.s32 $0x1000;
	s0 =	simm.s32 $0x780;
	[dreg:$0x16] =	wrdreg s10  }
.LBB2_9:
0x21: {  	s8 =	rddreg [dreg:$0x13]  }
0x22: {  	s5 =	rddreg [dreg:$0x14]  }
0x23: {  	[hbm:s5], [sflag:s8] =	dma.local [spmem:s10], $0x2780  }
0x24: {  	_ =	swait.ge [sflag:s9], $0x2780  }
0x25: {  	s7 =	rddreg [dreg:$0x17]  }
0x26: {  	s5 =	rddreg [dreg:$0x15];
	s7 =	sadd.s32 $0x1, s7  }
0x27: {  	p1 =	sne.s32 s7, s5  }
.Ltmp1:
0x28: {  	_ = 	snop;
	(pc) =	sbr.rel @!p1 .LBB2_10-.Ltmp1, $3  }
0x29: {  	_ =	sdelay $0x1  }
0x2a: {  	[sflag:s9] =	ssyncset.done $0x0  }
0x2b: {  	[sflag:s9] =	ssyncadd.s32 $0xFFFFD880  }
.LBB2_1:
0x2c: {  	[dreg:$0x17] =	wrdreg s7  }
0x2d: {  	s7 =	simm.s32 @!p0 $0x0;
	s5 =	rddreg [dreg:$0x12]  }
0x2e: {  	[smem:$0x0] =	sst @!p0 s7  }
0x2f: {  	[smem:$0x1] =	sst @!p0 s7  }
0x30: {  	[smem:$0x2] =	sst @!p0 s7  }
0x31: {  	[smem:$0x3] =	sst @!p0 s7  }
0x32: {  	[smem:$0x4] =	sst @!p0 s7  }
0x33: {  	[smem:$0x5] =	sst @!p0 s7  }
0x34: {  	[smem:$0x6] =	sst @!p0 s7  }
0x35: {  	[smem:$0x7] =	sst @!p0 s7  }
0x36: {  	[spmem:s10], [sflag:s8] =	dma.local [hbm:s5], $0x2780  }
0x37: {  	_ =	swait.ge [sflag:s9], $0x2780  }
0x38: {  	[sflag:s9] =	ssyncset.done $0x0  }
0x39: {  	[sflag:s9] =	ssyncadd.s32 $0xFFFFD880  }
0x3a: {  	s10 =	simm.s32 $0x3;
	[bflag:$0x0] =	sbarrier.arrive $0xFFFF  }
0x3b: {  	[sflag:s10] =	ssyncset.done $0x0  }
0x3c: {  	[smem:s2], [sflag:$0x3] =	smem.add.s32 $0x1  }
0x3d: {  	_ =	swait.done [sflag:s10]  }
0x3e: {  	[sflag:s10] =	ssyncset.s32 $0x0  }
0x3f: {  	[sflag:s10] =	ssyncset.done $0x0  }
0x40: {  	s7 =	simm.s32 $0x0;
	s8 =	simm.s32 $0x18F;
	[smem:$0x4] =	sst s2  }
.LBB2_3:
0x41: {  	p1 =	sne.s32 s7, $0x0  }
0x42: {  	s7 =	simm.s32 @!p1 $0x5  }
0x43: {  	s10 =	simm.s32 @!p1 $0x0;
	[sflag:s7] =	ssyncset.done @!p1 $0x0  }
0x44: {  	[smem:s10], [sflag:$0x5] =	smem.add.s32 @!p1 $0x0  }
0x45: {  	_ =	swait.done @!p1 [sflag:s7]  }
0x46: {  	s10 =	ssyncread @!p1 [sflag:$0x5];
	_ =	sdelay $0x2  }
0x47: {  	[sflag:s7] =	ssyncset.s32 @!p1 $0x0;
	p2 =	slt.s32 @!p1 s10, $0x10  }
0x48: {  	[sflag:s7] =	ssyncset.done @!p1 $0x0;
	p2 =	por p2, p1;
	p1 =	sne.s32 s8, $0x0  }
.Ltmp2:
0x49: {  	_ = 	snop;
	(pc) =	sbr.rel @!p1 .LBB2_4-.Ltmp2, $3  }
0x4a: {  	_ =	sdelay $0x1  }
0x4b: {  	s7 =	simm.s32 @!p2 $0x1  }
0x4c: {  	[smem:$0x4] =	sst @!p2 s7  }
.Ltmp3:
0x4d: {  	(pc) =	sbr.rel .LBB2_3-.Ltmp3, $3  }
0x4e: {  	_ = 	snop  }
0x4f: {  	s7 =	sld [smem:$0x4];
	_ =	sdelay $0x1  }
0x50: {  	s8 =	sadd.s32 $0xFFFFFFFF, s8  }
.LBB2_4:
0x51: {  	s7 =	rddreg [dreg:$0x5]  }
0x52: {  	s7 =	sadd.s32 $0x0, s7  }
0x53: {  	[tilespmem:s2], [sflag:$0x5] =	stream.linear.gather [hbm4b:s7+s2], $0x800, $0x38;
	[tilespmem:$0x1CC00] =	vst v63  }
0x54: {  	_ =	swait.ge [sflag:s9], $0x800  }
0x55: {  	s10 =	rddreg [dreg:$0x4];
	[sflag:s9] =	ssyncset.done $0x0  }
0x56: {  	[sflag:s9] =	ssyncadd.s32 $0xFFFFF800;
	s7 =	sadd.s32 $0x0, s10  }
0x57: {  	[tilespmem:s11], [sflag:$0x5] =	stream.linear.gather [hbm4b:s7+s2], $0x800, $0x38;
	[tilespmem:$0x1CC00] =	vst v63  }
0x58: {  	_ =	swait.ge [sflag:s9], $0x800  }
0x59: {  	[sflag:s9] =	ssyncset.done $0x0  }
0x5a: {  	[sflag:s9] =	ssyncadd.s32 $0xFFFFF800  }
0x5b: {  	[tilespmem:s13], [sflag:$0x1] =	stream.indirect.gather [hbm4b:s3+s12], $0x80, s2, s12, $0xb8;
	[tilespmem:$0x1CC00] =	vst v63  }
0x5c: {  	_ = 	snop  }
0x5d: {  	[tilespmem:s14], [sflag:$0x2] =	stream.indirect.gather [hbm4b:s3+s12], $0x80, s12, s12, $0xb8;
	[tilespmem:$0x1CC00] =	vst v63  }
0x5e: {  	_ =	swait.ge [sflag:s15], $0x4000  }
0x5f: {  	[sflag:s15] =	ssyncset.done $0x0  }
0x60: {  	[sflag:s15] =	ssyncadd.s32 $0xFFFFC000  }
0x61: {  	[spmem:s1] =	stream.indirect.scatter.add.f32 [tilespmem:s13], [sflag:$0x5], $0x80, s11, s12, $0xb8;
	[tilespmem:$0x1CC00] =	vst v63  }
0x62: {  	_ =	swait.ge [sflag:s9], $0x4000  }
0x63: {  	[sflag:s9] =	ssyncset.done $0x0  }
0x64: {  	s5 =	rddreg [dreg:$0x6];
	[sflag:s9] =	ssyncadd.s32 $0xFFFFC000  }
0x65: {  	[tilespmem:s13], [sflag:$0x1] =	stream.indirect.gather [hbm4b:s3+s12], $0x80, s5, s12, $0xb8;
	[tilespmem:$0x1CC00] =	vst v63  }
0x66: {  	_ =	swait.ge [sflag:s16], $0x4000  }
0x67: {  	[sflag:s16] =	ssyncset.done $0x0  }
0x68: {  	s8 =	rddreg [dreg:$0x7];
	[sflag:s16] =	ssyncadd.s32 $0xFFFFC000  }
0x69: {  	[spmem:s1] =	stream.indirect.scatter.add.f32 [tilespmem:s14], [sflag:$0x5], $0x80, s8, s12, $0xb8;
	[tilespmem:$0x1CC00] =	vst v63  }
0x6a: {  	_ =	swait.ge [sflag:s9], $0x4000  }
0x6b: {  	[sflag:s9] =	ssyncset.done $0x0  }
0x6c: {  	s10 =	rddreg [dreg:$0x8];
	[sflag:s9] =	ssyncadd.s32 $0xFFFFC000  }
0x6d: {  	[tilespmem:s14], [sflag:$0x2] =	stream.indirect.gather [hbm4b:s3+s12], $0x80, s10, s12, $0xb8;
	[tilespmem:$0x1CC00] =	vst v63  }
0x6e: {  	_ =	swait.ge [sflag:s15], $0x4000  }
0x6f: {  	[sflag:s15] =	ssyncset.done $0x0  }
0x70: {  	s5 =	rddreg [dreg:$0x9];
	[sflag:s15] =	ssyncadd.s32 $0xFFFFC000  }
0x71: {  	[spmem:s1] =	stream.indirect.scatter.add.f32 [tilespmem:s13], [sflag:$0x5], $0x80, s5, s12, $0xb8;
	[tilespmem:$0x1CC00] =	vst v63  }
0x72: {  	_ =	swait.ge [sflag:s9], $0x4000  }
0x73: {  	[sflag:s9] =	ssyncset.done $0x0  }
0x74: {  	s8 =	rddreg [dreg:$0xa];
	[sflag:s9] =	ssyncadd.s32 $0xFFFFC000  }
0x75: {  	[tilespmem:s13], [sflag:$0x1] =	stream.indirect.gather [hbm4b:s3+s12], $0x80, s8, s12, $0xb8;
	[tilespmem:$0x1CC00] =	vst v63  }
0x76: {  	_ =	swait.ge [sflag:s16], $0x4000  }
0x77: {  	[sflag:s16] =	ssyncset.done $0x0  }
0x78: {  	s10 =	rddreg [dreg:$0xb];
	[sflag:s16] =	ssyncadd.s32 $0xFFFFC000  }
0x79: {  	[spmem:s1] =	stream.indirect.scatter.add.f32 [tilespmem:s14], [sflag:$0x5], $0x80, s10, s12, $0xb8;
	[tilespmem:$0x1CC00] =	vst v63  }
0x7a: {  	_ =	swait.ge [sflag:s9], $0x4000  }
0x7b: {  	[sflag:s9] =	ssyncset.done $0x0  }
0x7c: {  	s5 =	rddreg [dreg:$0xc];
	[sflag:s9] =	ssyncadd.s32 $0xFFFFC000  }
0x7d: {  	[tilespmem:s14], [sflag:$0x2] =	stream.indirect.gather [hbm4b:s3+s12], $0x80, s5, s12, $0xb8;
	[tilespmem:$0x1CC00] =	vst v63  }
0x7e: {  	_ =	swait.ge [sflag:s15], $0x4000  }
0x7f: {  	[sflag:s15] =	ssyncset.done $0x0  }
0x80: {  	s8 =	rddreg [dreg:$0xd];
	[sflag:s15] =	ssyncadd.s32 $0xFFFFC000  }
0x81: {  	[spmem:s1] =	stream.indirect.scatter.add.f32 [tilespmem:s13], [sflag:$0x5], $0x80, s8, s12, $0xb8;
	[tilespmem:$0x1CC00] =	vst v63  }
0x82: {  	_ =	swait.ge [sflag:s9], $0x4000  }
0x83: {  	[sflag:s9] =	ssyncset.done $0x0  }
0x84: {  	s10 =	rddreg [dreg:$0xe];
	[sflag:s9] =	ssyncadd.s32 $0xFFFFC000  }
0x85: {  	[tilespmem:s13], [sflag:$0x1] =	stream.indirect.gather [hbm4b:s3+s12], $0x80, s10, s12, $0xb8;
	[tilespmem:$0x1CC00] =	vst v63  }
0x86: {  	_ =	swait.ge [sflag:s16], $0x4000  }
0x87: {  	[sflag:s16] =	ssyncset.done $0x0  }
0x88: {  	s5 =	rddreg [dreg:$0xf];
	[sflag:s16] =	ssyncadd.s32 $0xFFFFC000  }
0x89: {  	[spmem:s1] =	stream.indirect.scatter.add.f32 [tilespmem:s14], [sflag:$0x5], $0x80, s5, s12, $0xb8;
	[tilespmem:$0x1CC00] =	vst v63  }
0x8a: {  	_ =	swait.ge [sflag:s9], $0x4000  }
0x8b: {  	[sflag:s9] =	ssyncset.done $0x0  }
0x8c: {  	s8 =	rddreg [dreg:$0x10];
	[sflag:s9] =	ssyncadd.s32 $0xFFFFC000  }
0x8d: {  	[tilespmem:s14], [sflag:$0x2] =	stream.indirect.gather [hbm4b:s3+s12], $0x80, s8, s12, $0xb8;
	[tilespmem:$0x1CC00] =	vst v63  }
0x8e: {  	_ =	swait.ge [sflag:s15], $0x4000  }
0x8f: {  	[sflag:s15] =	ssyncset.done $0x0  }
0x90: {  	s10 =	rddreg [dreg:$0x11];
	[sflag:s15] =	ssyncadd.s32 $0xFFFFC000  }
0x91: {  	[spmem:s1] =	stream.indirect.scatter.add.f32 [tilespmem:s13], [sflag:$0x5], $0x80, s10, s12, $0xb8;
	[tilespmem:$0x1CC00] =	vst v63  }
0x92: {  	_ =	swait.ge [sflag:s9], $0x4000  }
0x93: {  	[sflag:s9] =	ssyncset.done $0x0  }
0x94: {  	[sflag:s9] =	ssyncadd.s32 $0xFFFFC000  }
0x95: {  	[tilespmem:s13], [sflag:$0x1] =	stream.indirect.gather [hbm4b:s3+s12], $0x80, s17, s12, $0xb8;
	[tilespmem:$0x1CC00] =	vst v63  }
0x96: {  	_ =	swait.ge [sflag:s16], $0x4000  }
0x97: {  	[sflag:s16] =	ssyncset.done $0x0  }
0x98: {  	[sflag:s16] =	ssyncadd.s32 $0xFFFFC000  }
0x99: {  	[spmem:s1] =	stream.indirect.scatter.add.f32 [tilespmem:s14], [sflag:$0x5], $0x80, s18, s12, $0xb8;
	[tilespmem:$0x1CC00] =	vst v63  }
0x9a: {  	_ =	swait.ge [sflag:s9], $0x4000  }
0x9b: {  	[sflag:s9] =	ssyncset.done $0x0  }
0x9c: {  	[sflag:s9] =	ssyncadd.s32 $0xFFFFC000  }
0x9d: {  	[tilespmem:s14], [sflag:$0x2] =	stream.indirect.gather [hbm4b:s3+s12], $0x80, s19, s12, $0xb8;
	[tilespmem:$0x1CC00] =	vst v63  }
0x9e: {  	_ =	swait.ge [sflag:s15], $0x4000  }
0x9f: {  	[sflag:s15] =	ssyncset.done $0x0  }
0xa0: {  	[sflag:s15] =	ssyncadd.s32 $0xFFFFC000  }
0xa1: {  	[spmem:s1] =	stream.indirect.scatter.add.f32 [tilespmem:s13], [sflag:$0x5], $0x80, s20, s12, $0xb8;
	[tilespmem:$0x1CC00] =	vst v63  }
0xa2: {  	_ =	swait.ge [sflag:s9], $0x4000  }
0xa3: {  	[sflag:s9] =	ssyncset.done $0x0  }
0xa4: {  	[sflag:s9] =	ssyncadd.s32 $0xFFFFC000  }
0xa5: {  	[tilespmem:s13], [sflag:$0x1] =	stream.indirect.gather [hbm4b:s3+s12], $0x80, s21, s12, $0xb8;
	[tilespmem:$0x1CC00] =	vst v63  }
0xa6: {  	_ =	swait.ge [sflag:s16], $0x4000  }
0xa7: {  	[sflag:s16] =	ssyncset.done $0x0  }
0xa8: {  	[sflag:s16] =	ssyncadd.s32 $0xFFFFC000  }
0xa9: {  	[spmem:s1] =	stream.indirect.scatter.add.f32 [tilespmem:s14], [sflag:$0x5], $0x80, s22, s12, $0xb8;
	[tilespmem:$0x1CC00] =	vst v63  }
0xaa: {  	_ =	swait.ge [sflag:s9], $0x4000  }
0xab: {  	[sflag:s9] =	ssyncset.done $0x0  }
0xac: {  	[sflag:s9] =	ssyncadd.s32 $0xFFFFC000  }
0xad: {  	[tilespmem:s14], [sflag:$0x2] =	stream.indirect.gather [hbm4b:s3+s12], $0x80, s23, s12, $0xb8;
	[tilespmem:$0x1CC00] =	vst v63  }
0xae: {  	_ =	swait.ge [sflag:s15], $0x4000  }
0xaf: {  	[sflag:s15] =	ssyncset.done $0x0  }
0xb0: {  	[sflag:s15] =	ssyncadd.s32 $0xFFFFC000  }
0xb1: {  	[spmem:s1] =	stream.indirect.scatter.add.f32 [tilespmem:s13], [sflag:$0x5], $0x80, s24, s12, $0xb8;
	[tilespmem:$0x1CC00] =	vst v63  }
0xb2: {  	_ =	swait.ge [sflag:s9], $0x4000  }
0xb3: {  	[sflag:s9] =	ssyncset.done $0x0  }
0xb4: {  	[sflag:s9] =	ssyncadd.s32 $0xFFFFC000  }
0xb5: {  	[tilespmem:s13], [sflag:$0x1] =	stream.indirect.gather [hbm4b:s3+s12], $0x80, s25, s12, $0xb8;
	[tilespmem:$0x1CC00] =	vst v63  }
0xb6: {  	_ =	swait.ge [sflag:s16], $0x4000  }
0xb7: {  	[sflag:s16] =	ssyncset.done $0x0  }
0xb8: {  	[sflag:s16] =	ssyncadd.s32 $0xFFFFC000  }
0xb9: {  	[spmem:s1] =	stream.indirect.scatter.add.f32 [tilespmem:s14], [sflag:$0x5], $0x80, s26, s12, $0xb8;
	[tilespmem:$0x1CC00] =	vst v63  }
0xba: {  	_ =	swait.ge [sflag:s9], $0x4000  }
0xbb: {  	[sflag:s9] =	ssyncset.done $0x0  }
0xbc: {  	[sflag:s9] =	ssyncadd.s32 $0xFFFFC000  }
0xbd: {  	[tilespmem:s14], [sflag:$0x2] =	stream.indirect.gather [hbm4b:s3+s12], $0x80, s28, s12, $0xb8;
	[tilespmem:$0x1CC00] =	vst v63  }
0xbe: {  	_ =	swait.ge [sflag:s15], $0x4000  }
0xbf: {  	[sflag:s15] =	ssyncset.done $0x0  }
0xc0: {  	[sflag:s15] =	ssyncadd.s32 $0xFFFFC000  }
0xc1: {  	[spmem:s1] =	stream.indirect.scatter.add.f32 [tilespmem:s13], [sflag:$0x5], $0x80, s29, s12, $0xb8;
	[tilespmem:$0x1CC00] =	vst v63  }
0xc2: {  	_ =	swait.ge [sflag:s9], $0x4000  }
0xc3: {  	[sflag:s9] =	ssyncset.done $0x0  }
0xc4: {  	[sflag:s9] =	ssyncadd.s32 $0xFFFFC000  }
0xc5: {  	[tilespmem:s13], [sflag:$0x1] =	stream.indirect.gather [hbm4b:s3+s12], $0x80, s30, s12, $0xb8;
	[tilespmem:$0x1CC00] =	vst v63  }
0xc6: {  	_ =	swait.ge [sflag:s16], $0x4000  }
0xc7: {  	[sflag:s16] =	ssyncset.done $0x0  }
0xc8: {  	[sflag:s16] =	ssyncadd.s32 $0xFFFFC000  }
0xc9: {  	[spmem:s1] =	stream.indirect.scatter.add.f32 [tilespmem:s14], [sflag:$0x5], $0x80, s31, s12, $0xb8;
	[tilespmem:$0x1CC00] =	vst v63  }
0xca: {  	_ =	swait.ge [sflag:s9], $0x4000  }
0xcb: {  	[sflag:s9] =	ssyncset.done $0x0  }
0xcc: {  	[sflag:s9] =	ssyncadd.s32 $0xFFFFC000  }
0xcd: {  	[tilespmem:s14], [sflag:$0x2] =	stream.indirect.gather [hbm4b:s3+s12], $0x80, s0, s12, $0xb8;
	[tilespmem:$0x1CC00] =	vst v63  }
0xce: {  	_ =	swait.ge [sflag:s15], $0x4000  }
0xcf: {  	[sflag:s15] =	ssyncset.done $0x0  }
0xd0: {  	[sflag:s15] =	ssyncadd.s32 $0xFFFFC000  }
0xd1: {  	[spmem:s1] =	stream.indirect.scatter.add.f32 [tilespmem:s13], [sflag:$0x5], $0x80, s4, s12, $0xb8;
	[tilespmem:$0x1CC00] =	vst v63  }
0xd2: {  	_ =	swait.ge [sflag:s9], $0x4000  }
0xd3: {  	[sflag:s9] =	ssyncset.done $0x0  }
0xd4: {  	[sflag:s9] =	ssyncadd.s32 $0xFFFFC000  }
0xd5: {  	_ =	swait.ge [sflag:s16], $0x4000  }
0xd6: {  	[sflag:s16] =	ssyncset.done $0x0  }
0xd7: {  	[sflag:s16] =	ssyncadd.s32 $0xFFFFC000  }
0xd8: {  	[spmem:s1] =	stream.indirect.scatter.add.f32 [tilespmem:s14], [sflag:$0x5], $0x80, s6, s12, $0xb8;
	[tilespmem:$0x1CC00] =	vst v63  }
0xd9: {  	s8 =	simm.s32 $0x100;
	_ =	swait.ge [sflag:s9], $0x4000  }
0xda: {  	s10 =	simm.s32 $0x200;
	s7 =	rddreg [dreg:$0x5];
	[sflag:s9] =	ssyncset.done $0x0  }
.LBB2_5:
0xdb: {  	[sflag:s9] =	ssyncadd.s32 $0xFFFFC000;
	s7 =	sadd.s32 s8, s7  }
0xdc: {  	[tilespmem:s2], [sflag:$0x5] =	stream.linear.gather [hbm4b:s7+s2], $0x800, $0x38;
	[tilespmem:$0x1CC00] =	vst v63  }
0xdd: {  	_ =	swait.ge [sflag:s9], $0x800  }
0xde: {  	s7 =	rddreg [dreg:$0x4];
	[sflag:s9] =	ssyncset.done $0x0  }
0xdf: {  	[sflag:s9] =	ssyncadd.s32 $0xFFFFF800;
	s7 =	sadd.s32 s8, s7  }
0xe0: {  	[tilespmem:s11], [sflag:$0x5] =	stream.linear.gather [hbm4b:s7+s2], $0x800, $0x38;
	[tilespmem:$0x1CC00] =	vst v63  }
0xe1: {  	_ =	swait.ge [sflag:s9], $0x800  }
0xe2: {  	[sflag:s9] =	ssyncset.done $0x0  }
0xe3: {  	[sflag:s9] =	ssyncadd.s32 $0xFFFFF800  }
0xe4: {  	[tilespmem:s13], [sflag:$0x1] =	stream.indirect.gather [hbm4b:s3+s12], $0x80, s2, s12, $0xb8;
	[tilespmem:$0x1CC00] =	vst v63  }
0xe5: {  	_ = 	snop  }
0xe6: {  	[tilespmem:s14], [sflag:$0x2] =	stream.indirect.gather [hbm4b:s3+s12], $0x80, s12, s12, $0xb8;
	[tilespmem:$0x1CC00] =	vst v63  }
0xe7: {  	_ =	swait.ge [sflag:s15], $0x4000  }
0xe8: {  	[sflag:s15] =	ssyncset.done $0x0  }
0xe9: {  	[sflag:s15] =	ssyncadd.s32 $0xFFFFC000  }
0xea: {  	[spmem:s1] =	stream.indirect.scatter.add.f32 [tilespmem:s13], [sflag:$0x5], $0x80, s11, s12, $0xb8;
	[tilespmem:$0x1CC00] =	vst v63  }
0xeb: {  	_ =	swait.ge [sflag:s9], $0x4000  }
0xec: {  	[sflag:s9] =	ssyncset.done $0x0  }
0xed: {  	s7 =	rddreg [dreg:$0x6];
	[sflag:s9] =	ssyncadd.s32 $0xFFFFC000  }
0xee: {  	[tilespmem:s13], [sflag:$0x1] =	stream.indirect.gather [hbm4b:s3+s12], $0x80, s7, s12, $0xb8;
	[tilespmem:$0x1CC00] =	vst v63  }
0xef: {  	_ =	swait.ge [sflag:s16], $0x4000  }
0xf0: {  	[sflag:s16] =	ssyncset.done $0x0  }
0xf1: {  	s7 =	rddreg [dreg:$0x7];
	[sflag:s16] =	ssyncadd.s32 $0xFFFFC000  }
0xf2: {  	[spmem:s1] =	stream.indirect.scatter.add.f32 [tilespmem:s14], [sflag:$0x5], $0x80, s7, s12, $0xb8;
	[tilespmem:$0x1CC00] =	vst v63  }
0xf3: {  	_ =	swait.ge [sflag:s9], $0x4000  }
0xf4: {  	[sflag:s9] =	ssyncset.done $0x0  }
0xf5: {  	s7 =	rddreg [dreg:$0x8];
	[sflag:s9] =	ssyncadd.s32 $0xFFFFC000  }
0xf6: {  	[tilespmem:s14], [sflag:$0x2] =	stream.indirect.gather [hbm4b:s3+s12], $0x80, s7, s12, $0xb8;
	[tilespmem:$0x1CC00] =	vst v63  }
0xf7: {  	_ =	swait.ge [sflag:s15], $0x4000  }
0xf8: {  	[sflag:s15] =	ssyncset.done $0x0  }
0xf9: {  	s7 =	rddreg [dreg:$0x9];
	[sflag:s15] =	ssyncadd.s32 $0xFFFFC000  }
0xfa: {  	[spmem:s1] =	stream.indirect.scatter.add.f32 [tilespmem:s13], [sflag:$0x5], $0x80, s7, s12, $0xb8;
	[tilespmem:$0x1CC00] =	vst v63  }
0xfb: {  	_ =	swait.ge [sflag:s9], $0x4000  }
0xfc: {  	[sflag:s9] =	ssyncset.done $0x0  }
0xfd: {  	s7 =	rddreg [dreg:$0xa];
	[sflag:s9] =	ssyncadd.s32 $0xFFFFC000  }
0xfe: {  	[tilespmem:s13], [sflag:$0x1] =	stream.indirect.gather [hbm4b:s3+s12], $0x80, s7, s12, $0xb8;
	[tilespmem:$0x1CC00] =	vst v63  }
0xff: {  	_ =	swait.ge [sflag:s16], $0x4000  }
0x100: {  	[sflag:s16] =	ssyncset.done $0x0  }
0x101: {  	s7 =	rddreg [dreg:$0xb];
	[sflag:s16] =	ssyncadd.s32 $0xFFFFC000  }
0x102: {  	[spmem:s1] =	stream.indirect.scatter.add.f32 [tilespmem:s14], [sflag:$0x5], $0x80, s7, s12, $0xb8;
	[tilespmem:$0x1CC00] =	vst v63  }
0x103: {  	_ =	swait.ge [sflag:s9], $0x4000  }
0x104: {  	[sflag:s9] =	ssyncset.done $0x0  }
0x105: {  	s7 =	rddreg [dreg:$0xc];
	[sflag:s9] =	ssyncadd.s32 $0xFFFFC000  }
0x106: {  	[tilespmem:s14], [sflag:$0x2] =	stream.indirect.gather [hbm4b:s3+s12], $0x80, s7, s12, $0xb8;
	[tilespmem:$0x1CC00] =	vst v63  }
0x107: {  	_ =	swait.ge [sflag:s15], $0x4000  }
0x108: {  	[sflag:s15] =	ssyncset.done $0x0  }
0x109: {  	s7 =	rddreg [dreg:$0xd];
	[sflag:s15] =	ssyncadd.s32 $0xFFFFC000  }
0x10a: {  	[spmem:s1] =	stream.indirect.scatter.add.f32 [tilespmem:s13], [sflag:$0x5], $0x80, s7, s12, $0xb8;
	[tilespmem:$0x1CC00] =	vst v63  }
0x10b: {  	_ =	swait.ge [sflag:s9], $0x4000  }
0x10c: {  	[sflag:s9] =	ssyncset.done $0x0  }
0x10d: {  	s7 =	rddreg [dreg:$0xe];
	[sflag:s9] =	ssyncadd.s32 $0xFFFFC000  }
0x10e: {  	[tilespmem:s13], [sflag:$0x1] =	stream.indirect.gather [hbm4b:s3+s12], $0x80, s7, s12, $0xb8;
	[tilespmem:$0x1CC00] =	vst v63  }
0x10f: {  	_ =	swait.ge [sflag:s16], $0x4000  }
0x110: {  	[sflag:s16] =	ssyncset.done $0x0  }
0x111: {  	s7 =	rddreg [dreg:$0xf];
	[sflag:s16] =	ssyncadd.s32 $0xFFFFC000  }
0x112: {  	[spmem:s1] =	stream.indirect.scatter.add.f32 [tilespmem:s14], [sflag:$0x5], $0x80, s7, s12, $0xb8;
	[tilespmem:$0x1CC00] =	vst v63  }
0x113: {  	_ =	swait.ge [sflag:s9], $0x4000  }
0x114: {  	[sflag:s9] =	ssyncset.done $0x0  }
0x115: {  	s7 =	rddreg [dreg:$0x10];
	[sflag:s9] =	ssyncadd.s32 $0xFFFFC000  }
0x116: {  	[tilespmem:s14], [sflag:$0x2] =	stream.indirect.gather [hbm4b:s3+s12], $0x80, s7, s12, $0xb8;
	[tilespmem:$0x1CC00] =	vst v63  }
0x117: {  	_ =	swait.ge [sflag:s15], $0x4000  }
0x118: {  	[sflag:s15] =	ssyncset.done $0x0  }
0x119: {  	s7 =	rddreg [dreg:$0x11];
	[sflag:s15] =	ssyncadd.s32 $0xFFFFC000  }
0x11a: {  	[spmem:s1] =	stream.indirect.scatter.add.f32 [tilespmem:s13], [sflag:$0x5], $0x80, s7, s12, $0xb8;
	[tilespmem:$0x1CC00] =	vst v63  }
0x11b: {  	_ =	swait.ge [sflag:s9], $0x4000  }
0x11c: {  	[sflag:s9] =	ssyncset.done $0x0  }
0x11d: {  	[sflag:s9] =	ssyncadd.s32 $0xFFFFC000  }
0x11e: {  	[tilespmem:s13], [sflag:$0x1] =	stream.indirect.gather [hbm4b:s3+s12], $0x80, s17, s12, $0xb8;
	[tilespmem:$0x1CC00] =	vst v63  }
0x11f: {  	_ =	swait.ge [sflag:s16], $0x4000  }
0x120: {  	[sflag:s16] =	ssyncset.done $0x0  }
0x121: {  	[sflag:s16] =	ssyncadd.s32 $0xFFFFC000  }
0x122: {  	[spmem:s1] =	stream.indirect.scatter.add.f32 [tilespmem:s14], [sflag:$0x5], $0x80, s18, s12, $0xb8;
	[tilespmem:$0x1CC00] =	vst v63  }
0x123: {  	_ =	swait.ge [sflag:s9], $0x4000  }
0x124: {  	[sflag:s9] =	ssyncset.done $0x0  }
0x125: {  	[sflag:s9] =	ssyncadd.s32 $0xFFFFC000  }
0x126: {  	[tilespmem:s14], [sflag:$0x2] =	stream.indirect.gather [hbm4b:s3+s12], $0x80, s19, s12, $0xb8;
	[tilespmem:$0x1CC00] =	vst v63  }
0x127: {  	_ =	swait.ge [sflag:s15], $0x4000  }
0x128: {  	[sflag:s15] =	ssyncset.done $0x0  }
0x129: {  	[sflag:s15] =	ssyncadd.s32 $0xFFFFC000  }
0x12a: {  	[spmem:s1] =	stream.indirect.scatter.add.f32 [tilespmem:s13], [sflag:$0x5], $0x80, s20, s12, $0xb8;
	[tilespmem:$0x1CC00] =	vst v63  }
0x12b: {  	_ =	swait.ge [sflag:s9], $0x4000  }
0x12c: {  	[sflag:s9] =	ssyncset.done $0x0  }
0x12d: {  	[sflag:s9] =	ssyncadd.s32 $0xFFFFC000  }
0x12e: {  	[tilespmem:s13], [sflag:$0x1] =	stream.indirect.gather [hbm4b:s3+s12], $0x80, s21, s12, $0xb8;
	[tilespmem:$0x1CC00] =	vst v63  }
0x12f: {  	_ =	swait.ge [sflag:s16], $0x4000  }
0x130: {  	[sflag:s16] =	ssyncset.done $0x0  }
0x131: {  	[sflag:s16] =	ssyncadd.s32 $0xFFFFC000  }
0x132: {  	[spmem:s1] =	stream.indirect.scatter.add.f32 [tilespmem:s14], [sflag:$0x5], $0x80, s22, s12, $0xb8;
	[tilespmem:$0x1CC00] =	vst v63  }
0x133: {  	_ =	swait.ge [sflag:s9], $0x4000  }
0x134: {  	[sflag:s9] =	ssyncset.done $0x0  }
0x135: {  	[sflag:s9] =	ssyncadd.s32 $0xFFFFC000  }
0x136: {  	[tilespmem:s14], [sflag:$0x2] =	stream.indirect.gather [hbm4b:s3+s12], $0x80, s23, s12, $0xb8;
	[tilespmem:$0x1CC00] =	vst v63  }
0x137: {  	_ =	swait.ge [sflag:s15], $0x4000  }
0x138: {  	[sflag:s15] =	ssyncset.done $0x0  }
0x139: {  	[sflag:s15] =	ssyncadd.s32 $0xFFFFC000  }
0x13a: {  	[spmem:s1] =	stream.indirect.scatter.add.f32 [tilespmem:s13], [sflag:$0x5], $0x80, s24, s12, $0xb8;
	[tilespmem:$0x1CC00] =	vst v63  }
0x13b: {  	_ =	swait.ge [sflag:s9], $0x4000  }
0x13c: {  	[sflag:s9] =	ssyncset.done $0x0  }
0x13d: {  	[sflag:s9] =	ssyncadd.s32 $0xFFFFC000  }
0x13e: {  	[tilespmem:s13], [sflag:$0x1] =	stream.indirect.gather [hbm4b:s3+s12], $0x80, s25, s12, $0xb8;
	[tilespmem:$0x1CC00] =	vst v63  }
0x13f: {  	_ =	swait.ge [sflag:s16], $0x4000  }
0x140: {  	[sflag:s16] =	ssyncset.done $0x0  }
0x141: {  	[sflag:s16] =	ssyncadd.s32 $0xFFFFC000  }
0x142: {  	[spmem:s1] =	stream.indirect.scatter.add.f32 [tilespmem:s14], [sflag:$0x5], $0x80, s26, s12, $0xb8;
	[tilespmem:$0x1CC00] =	vst v63  }
0x143: {  	_ =	swait.ge [sflag:s9], $0x4000  }
0x144: {  	[sflag:s9] =	ssyncset.done $0x0  }
0x145: {  	[sflag:s9] =	ssyncadd.s32 $0xFFFFC000  }
0x146: {  	[tilespmem:s14], [sflag:$0x2] =	stream.indirect.gather [hbm4b:s3+s12], $0x80, s28, s12, $0xb8;
	[tilespmem:$0x1CC00] =	vst v63  }
0x147: {  	_ =	swait.ge [sflag:s15], $0x4000  }
0x148: {  	[sflag:s15] =	ssyncset.done $0x0  }
0x149: {  	[sflag:s15] =	ssyncadd.s32 $0xFFFFC000  }
0x14a: {  	[spmem:s1] =	stream.indirect.scatter.add.f32 [tilespmem:s13], [sflag:$0x5], $0x80, s29, s12, $0xb8;
	[tilespmem:$0x1CC00] =	vst v63  }
0x14b: {  	_ =	swait.ge [sflag:s9], $0x4000  }
0x14c: {  	[sflag:s9] =	ssyncset.done $0x0  }
0x14d: {  	[sflag:s9] =	ssyncadd.s32 $0xFFFFC000  }
0x14e: {  	[tilespmem:s13], [sflag:$0x1] =	stream.indirect.gather [hbm4b:s3+s12], $0x80, s30, s12, $0xb8;
	[tilespmem:$0x1CC00] =	vst v63  }
0x14f: {  	_ =	swait.ge [sflag:s16], $0x4000  }
0x150: {  	[sflag:s16] =	ssyncset.done $0x0  }
0x151: {  	[sflag:s16] =	ssyncadd.s32 $0xFFFFC000  }
0x152: {  	[spmem:s1] =	stream.indirect.scatter.add.f32 [tilespmem:s14], [sflag:$0x5], $0x80, s31, s12, $0xb8;
	[tilespmem:$0x1CC00] =	vst v63  }
0x153: {  	_ =	swait.ge [sflag:s9], $0x4000  }
0x154: {  	[sflag:s9] =	ssyncset.done $0x0  }
0x155: {  	[sflag:s9] =	ssyncadd.s32 $0xFFFFC000  }
0x156: {  	[tilespmem:s14], [sflag:$0x2] =	stream.indirect.gather [hbm4b:s3+s12], $0x80, s0, s12, $0xb8;
	[tilespmem:$0x1CC00] =	vst v63  }
0x157: {  	_ =	swait.ge [sflag:s15], $0x4000  }
0x158: {  	[sflag:s15] =	ssyncset.done $0x0  }
0x159: {  	[sflag:s15] =	ssyncadd.s32 $0xFFFFC000  }
0x15a: {  	[spmem:s1] =	stream.indirect.scatter.add.f32 [tilespmem:s13], [sflag:$0x5], $0x80, s4, s12, $0xb8;
	[tilespmem:$0x1CC00] =	vst v63  }
0x15b: {  	_ =	swait.ge [sflag:s9], $0x4000  }
0x15c: {  	[sflag:s9] =	ssyncset.done $0x0  }
0x15d: {  	[sflag:s9] =	ssyncadd.s32 $0xFFFFC000  }
0x15e: {  	p1 =	sne.s32 s10, $0x400;
	_ =	swait.ge [sflag:s16], $0x4000  }
.Ltmp4:
0x15f: {  	[sflag:s16] =	ssyncset.done $0x0;
	(pc) =	sbr.rel @p1 .LBB2_5-.Ltmp4, $4  }
0x160: {  	[sflag:s16] =	ssyncadd.s32 $0xFFFFC000  }
0x161: {  	[spmem:s1] =	stream.indirect.scatter.add.f32 [tilespmem:s14], [sflag:$0x5], $0x80, s6, s12, $0xb8;
	[tilespmem:$0x1CC00] =	vst v63  }
0x162: {  	s5 =	smov.u32 s10;
	s10 =	sadd.s32 $0x100, s10;
	_ =	swait.ge [sflag:s9], $0x4000  }
0x163: {  	s8 =	smov.u32 s5;
	s7 =	rddreg [dreg:$0x5];
	[sflag:s9] =	ssyncset.done $0x0  }
0x164: {  	[sflag:s9] =	ssyncadd.s32 $0xFFFFC000;
	s5 =	sadd.s32 s8, s7  }
0x165: {  	[tilespmem:s2], [sflag:$0x5] =	stream.linear.gather [hbm4b:s5+s2], $0x800, $0x38;
	[tilespmem:$0x1CC00] =	vst v63  }
0x166: {  	_ =	swait.ge [sflag:s9], $0x800  }
0x167: {  	s7 =	rddreg [dreg:$0x4];
	[sflag:s9] =	ssyncset.done $0x0  }
0x168: {  	[sflag:s9] =	ssyncadd.s32 $0xFFFFF800;
	s5 =	sadd.s32 s8, s7  }
0x169: {  	[tilespmem:s11], [sflag:$0x5] =	stream.linear.gather [hbm4b:s5+s2], $0x800, $0x38;
	[tilespmem:$0x1CC00] =	vst v63  }
0x16a: {  	_ =	swait.ge [sflag:s9], $0x800  }
0x16b: {  	[sflag:s9] =	ssyncset.done $0x0  }
0x16c: {  	[sflag:s9] =	ssyncadd.s32 $0xFFFFF800  }
0x16d: {  	[tilespmem:s13], [sflag:$0x1] =	stream.indirect.gather [hbm4b:s3+s12], $0x80, s2, s12, $0xb8;
	[tilespmem:$0x1CC00] =	vst v63  }
0x16e: {  	_ = 	snop  }
0x16f: {  	[tilespmem:s14], [sflag:$0x2] =	stream.indirect.gather [hbm4b:s3+s12], $0x80, s12, s12, $0xb8;
	[tilespmem:$0x1CC00] =	vst v63  }
0x170: {  	_ =	swait.ge [sflag:s15], $0x4000  }
0x171: {  	[sflag:s15] =	ssyncset.done $0x0  }
0x172: {  	[sflag:s15] =	ssyncadd.s32 $0xFFFFC000  }
0x173: {  	[spmem:s1] =	stream.indirect.scatter.add.f32 [tilespmem:s13], [sflag:$0x5], $0x80, s11, s12, $0xb8;
	[tilespmem:$0x1CC00] =	vst v63  }
0x174: {  	_ =	swait.ge [sflag:s9], $0x4000  }
0x175: {  	[sflag:s9] =	ssyncset.done $0x0  }
0x176: {  	s10 =	rddreg [dreg:$0x6];
	[sflag:s9] =	ssyncadd.s32 $0xFFFFC000  }
0x177: {  	[tilespmem:s13], [sflag:$0x1] =	stream.indirect.gather [hbm4b:s3+s12], $0x80, s10, s12, $0xb8;
	[tilespmem:$0x1CC00] =	vst v63  }
0x178: {  	_ =	swait.ge [sflag:s16], $0x4000  }
0x179: {  	[sflag:s16] =	ssyncset.done $0x0  }
0x17a: {  	s7 =	rddreg [dreg:$0x7];
	[sflag:s16] =	ssyncadd.s32 $0xFFFFC000  }
0x17b: {  	[spmem:s1] =	stream.indirect.scatter.add.f32 [tilespmem:s14], [sflag:$0x5], $0x80, s7, s12, $0xb8;
	[tilespmem:$0x1CC00] =	vst v63  }
0x17c: {  	_ =	swait.ge [sflag:s9], $0x4000  }
0x17d: {  	[sflag:s9] =	ssyncset.done $0x0  }
0x17e: {  	s8 =	rddreg [dreg:$0x8];
	[sflag:s9] =	ssyncadd.s32 $0xFFFFC000  }
0x17f: {  	[tilespmem:s14], [sflag:$0x2] =	stream.indirect.gather [hbm4b:s3+s12], $0x80, s8, s12, $0xb8;
	[tilespmem:$0x1CC00] =	vst v63  }
0x180: {  	_ =	swait.ge [sflag:s15], $0x4000  }
0x181: {  	[sflag:s15] =	ssyncset.done $0x0  }
0x182: {  	s10 =	rddreg [dreg:$0x9];
	[sflag:s15] =	ssyncadd.s32 $0xFFFFC000  }
0x183: {  	[spmem:s1] =	stream.indirect.scatter.add.f32 [tilespmem:s13], [sflag:$0x5], $0x80, s10, s12, $0xb8;
	[tilespmem:$0x1CC00] =	vst v63  }
0x184: {  	_ =	swait.ge [sflag:s9], $0x4000  }
0x185: {  	[sflag:s9] =	ssyncset.done $0x0  }
0x186: {  	s7 =	rddreg [dreg:$0xa];
	[sflag:s9] =	ssyncadd.s32 $0xFFFFC000  }
0x187: {  	[tilespmem:s13], [sflag:$0x1] =	stream.indirect.gather [hbm4b:s3+s12], $0x80, s7, s12, $0xb8;
	[tilespmem:$0x1CC00] =	vst v63  }
0x188: {  	_ =	swait.ge [sflag:s16], $0x4000  }
0x189: {  	[sflag:s16] =	ssyncset.done $0x0  }
0x18a: {  	s8 =	rddreg [dreg:$0xb];
	[sflag:s16] =	ssyncadd.s32 $0xFFFFC000  }
0x18b: {  	[spmem:s1] =	stream.indirect.scatter.add.f32 [tilespmem:s14], [sflag:$0x5], $0x80, s8, s12, $0xb8;
	[tilespmem:$0x1CC00] =	vst v63  }
0x18c: {  	_ =	swait.ge [sflag:s9], $0x4000  }
0x18d: {  	[sflag:s9] =	ssyncset.done $0x0  }
0x18e: {  	s10 =	rddreg [dreg:$0xc];
	[sflag:s9] =	ssyncadd.s32 $0xFFFFC000  }
0x18f: {  	[tilespmem:s14], [sflag:$0x2] =	stream.indirect.gather [hbm4b:s3+s12], $0x80, s10, s12, $0xb8;
	[tilespmem:$0x1CC00] =	vst v63  }
0x190: {  	_ =	swait.ge [sflag:s15], $0x4000  }
0x191: {  	[sflag:s15] =	ssyncset.done $0x0  }
0x192: {  	s7 =	rddreg [dreg:$0xd];
	[sflag:s15] =	ssyncadd.s32 $0xFFFFC000  }
0x193: {  	[spmem:s1] =	stream.indirect.scatter.add.f32 [tilespmem:s13], [sflag:$0x5], $0x80, s7, s12, $0xb8;
	[tilespmem:$0x1CC00] =	vst v63  }
0x194: {  	_ =	swait.ge [sflag:s9], $0x4000  }
0x195: {  	[sflag:s9] =	ssyncset.done $0x0  }
0x196: {  	s8 =	rddreg [dreg:$0xe];
	[sflag:s9] =	ssyncadd.s32 $0xFFFFC000  }
0x197: {  	[tilespmem:s13], [sflag:$0x1] =	stream.indirect.gather [hbm4b:s3+s12], $0x80, s8, s12, $0xb8;
	[tilespmem:$0x1CC00] =	vst v63  }
0x198: {  	_ =	swait.ge [sflag:s16], $0x4000  }
0x199: {  	[sflag:s16] =	ssyncset.done $0x0  }
0x19a: {  	s10 =	rddreg [dreg:$0xf];
	[sflag:s16] =	ssyncadd.s32 $0xFFFFC000  }
0x19b: {  	[spmem:s1] =	stream.indirect.scatter.add.f32 [tilespmem:s14], [sflag:$0x5], $0x80, s10, s12, $0xb8;
	[tilespmem:$0x1CC00] =	vst v63  }
0x19c: {  	_ =	swait.ge [sflag:s9], $0x4000  }
0x19d: {  	[sflag:s9] =	ssyncset.done $0x0  }
0x19e: {  	s7 =	rddreg [dreg:$0x10];
	[sflag:s9] =	ssyncadd.s32 $0xFFFFC000  }
0x19f: {  	[tilespmem:s14], [sflag:$0x2] =	stream.indirect.gather [hbm4b:s3+s12], $0x80, s7, s12, $0xb8;
	[tilespmem:$0x1CC00] =	vst v63  }
0x1a0: {  	_ =	swait.ge [sflag:s15], $0x4000  }
0x1a1: {  	[sflag:s15] =	ssyncset.done $0x0  }
0x1a2: {  	s8 =	rddreg [dreg:$0x11];
	[sflag:s15] =	ssyncadd.s32 $0xFFFFC000  }
0x1a3: {  	[spmem:s1] =	stream.indirect.scatter.add.f32 [tilespmem:s13], [sflag:$0x5], $0x80, s8, s12, $0xb8;
	[tilespmem:$0x1CC00] =	vst v63  }
0x1a4: {  	_ =	swait.ge [sflag:s9], $0x4000  }
0x1a5: {  	[sflag:s9] =	ssyncset.done $0x0  }
0x1a6: {  	[sflag:s9] =	ssyncadd.s32 $0xFFFFC000  }
0x1a7: {  	[tilespmem:s13], [sflag:$0x1] =	stream.indirect.gather [hbm4b:s3+s12], $0x80, s17, s12, $0xb8;
	[tilespmem:$0x1CC00] =	vst v63  }
0x1a8: {  	_ =	swait.ge [sflag:s16], $0x4000  }
0x1a9: {  	[sflag:s16] =	ssyncset.done $0x0  }
0x1aa: {  	[sflag:s16] =	ssyncadd.s32 $0xFFFFC000  }
0x1ab: {  	[spmem:s1] =	stream.indirect.scatter.add.f32 [tilespmem:s14], [sflag:$0x5], $0x80, s18, s12, $0xb8;
	[tilespmem:$0x1CC00] =	vst v63  }
0x1ac: {  	_ =	swait.ge [sflag:s9], $0x4000  }
0x1ad: {  	[sflag:s9] =	ssyncset.done $0x0  }
0x1ae: {  	[sflag:s9] =	ssyncadd.s32 $0xFFFFC000  }
0x1af: {  	[tilespmem:s14], [sflag:$0x2] =	stream.indirect.gather [hbm4b:s3+s12], $0x80, s19, s12, $0xb8;
	[tilespmem:$0x1CC00] =	vst v63  }
0x1b0: {  	_ =	swait.ge [sflag:s15], $0x4000  }
0x1b1: {  	[sflag:s15] =	ssyncset.done $0x0  }
0x1b2: {  	[sflag:s15] =	ssyncadd.s32 $0xFFFFC000  }
0x1b3: {  	[spmem:s1] =	stream.indirect.scatter.add.f32 [tilespmem:s13], [sflag:$0x5], $0x80, s20, s12, $0xb8;
	[tilespmem:$0x1CC00] =	vst v63  }
0x1b4: {  	_ =	swait.ge [sflag:s9], $0x4000  }
0x1b5: {  	[sflag:s9] =	ssyncset.done $0x0  }
0x1b6: {  	[sflag:s9] =	ssyncadd.s32 $0xFFFFC000  }
0x1b7: {  	[tilespmem:s13], [sflag:$0x1] =	stream.indirect.gather [hbm4b:s3+s12], $0x80, s21, s12, $0xb8;
	[tilespmem:$0x1CC00] =	vst v63  }
0x1b8: {  	_ =	swait.ge [sflag:s16], $0x4000  }
0x1b9: {  	[sflag:s16] =	ssyncset.done $0x0  }
0x1ba: {  	[sflag:s16] =	ssyncadd.s32 $0xFFFFC000  }
0x1bb: {  	[spmem:s1] =	stream.indirect.scatter.add.f32 [tilespmem:s14], [sflag:$0x5], $0x80, s22, s12, $0xb8;
	[tilespmem:$0x1CC00] =	vst v63  }
0x1bc: {  	_ =	swait.ge [sflag:s9], $0x4000  }
0x1bd: {  	[sflag:s9] =	ssyncset.done $0x0  }
0x1be: {  	[sflag:s9] =	ssyncadd.s32 $0xFFFFC000  }
0x1bf: {  	[tilespmem:s14], [sflag:$0x2] =	stream.indirect.gather [hbm4b:s3+s12], $0x80, s23, s12, $0xb8;
	[tilespmem:$0x1CC00] =	vst v63  }
0x1c0: {  	_ =	swait.ge [sflag:s15], $0x4000  }
0x1c1: {  	[sflag:s15] =	ssyncset.done $0x0  }
0x1c2: {  	[sflag:s15] =	ssyncadd.s32 $0xFFFFC000  }
0x1c3: {  	[spmem:s1] =	stream.indirect.scatter.add.f32 [tilespmem:s13], [sflag:$0x5], $0x80, s24, s12, $0xb8;
	[tilespmem:$0x1CC00] =	vst v63  }
0x1c4: {  	_ =	swait.ge [sflag:s9], $0x4000  }
0x1c5: {  	[sflag:s9] =	ssyncset.done $0x0  }
0x1c6: {  	[sflag:s9] =	ssyncadd.s32 $0xFFFFC000  }
0x1c7: {  	[tilespmem:s13], [sflag:$0x1] =	stream.indirect.gather [hbm4b:s3+s12], $0x80, s25, s12, $0xb8;
	[tilespmem:$0x1CC00] =	vst v63  }
0x1c8: {  	_ =	swait.ge [sflag:s16], $0x4000  }
0x1c9: {  	[sflag:s16] =	ssyncset.done $0x0  }
0x1ca: {  	[sflag:s16] =	ssyncadd.s32 $0xFFFFC000  }
0x1cb: {  	[spmem:s1] =	stream.indirect.scatter.add.f32 [tilespmem:s14], [sflag:$0x5], $0x80, s26, s12, $0xb8;
	[tilespmem:$0x1CC00] =	vst v63  }
0x1cc: {  	_ =	swait.ge [sflag:s9], $0x4000  }
0x1cd: {  	[sflag:s9] =	ssyncset.done $0x0  }
0x1ce: {  	[sflag:s9] =	ssyncadd.s32 $0xFFFFC000  }
0x1cf: {  	[tilespmem:s14], [sflag:$0x2] =	stream.indirect.gather [hbm4b:s3+s12], $0x80, s28, s12, $0xb8;
	[tilespmem:$0x1CC00] =	vst v63  }
0x1d0: {  	_ =	swait.ge [sflag:s15], $0x4000  }
0x1d1: {  	[sflag:s15] =	ssyncset.done $0x0  }
0x1d2: {  	[sflag:s15] =	ssyncadd.s32 $0xFFFFC000  }
0x1d3: {  	[spmem:s1] =	stream.indirect.scatter.add.f32 [tilespmem:s13], [sflag:$0x5], $0x80, s29, s12, $0xb8;
	[tilespmem:$0x1CC00] =	vst v63  }
0x1d4: {  	_ =	swait.ge [sflag:s9], $0x4000  }
0x1d5: {  	[sflag:s9] =	ssyncset.done $0x0  }
0x1d6: {  	[sflag:s9] =	ssyncadd.s32 $0xFFFFC000  }
0x1d7: {  	[tilespmem:s13], [sflag:$0x1] =	stream.indirect.gather [hbm4b:s3+s12], $0x80, s30, s12, $0xb8;
	[tilespmem:$0x1CC00] =	vst v63  }
0x1d8: {  	_ =	swait.ge [sflag:s16], $0x4000  }
0x1d9: {  	[sflag:s16] =	ssyncset.done $0x0  }
0x1da: {  	[sflag:s16] =	ssyncadd.s32 $0xFFFFC000  }
0x1db: {  	[spmem:s1] =	stream.indirect.scatter.add.f32 [tilespmem:s14], [sflag:$0x5], $0x80, s31, s12, $0xb8;
	[tilespmem:$0x1CC00] =	vst v63  }
0x1dc: {  	_ =	swait.ge [sflag:s9], $0x4000  }
0x1dd: {  	[sflag:s9] =	ssyncset.done $0x0  }
0x1de: {  	[sflag:s9] =	ssyncadd.s32 $0xFFFFC000  }
0x1df: {  	[tilespmem:s14], [sflag:$0x2] =	stream.indirect.gather [hbm4b:s3+s12], $0x80, s0, s12, $0xb8;
	[tilespmem:$0x1CC00] =	vst v63  }
0x1e0: {  	_ =	swait.ge [sflag:s15], $0x4000  }
0x1e1: {  	[sflag:s15] =	ssyncset.done $0x0  }
0x1e2: {  	[sflag:s15] =	ssyncadd.s32 $0xFFFFC000  }
0x1e3: {  	[spmem:s1] =	stream.indirect.scatter.add.f32 [tilespmem:s13], [sflag:$0x5], $0x80, s4, s12, $0xb8;
	[tilespmem:$0x1CC00] =	vst v63  }
0x1e4: {  	_ =	swait.ge [sflag:s9], $0x4000  }
0x1e5: {  	[sflag:s9] =	ssyncset.done $0x0  }
0x1e6: {  	[sflag:s9] =	ssyncadd.s32 $0xFFFFC000  }
0x1e7: {  	_ =	swait.ge [sflag:s16], $0x4000  }
0x1e8: {  	[sflag:s16] =	ssyncset.done $0x0  }
0x1e9: {  	[sflag:s16] =	ssyncadd.s32 $0xFFFFC000  }
0x1ea: {  	[spmem:s1] =	stream.indirect.scatter.add.f32 [tilespmem:s14], [sflag:$0x5], $0x80, s6, s12, $0xb8;
	[tilespmem:$0x1CC00] =	vst v63  }
0x1eb: {  	_ =	swait.ge [sflag:s9], $0x4000  }
0x1ec: {  	[sflag:s9] =	ssyncset.done $0x0  }
0x1ed: {  	[sflag:s9] =	ssyncadd.s32 $0xFFFFC000  }
0x1ee: {  	s10 =	simm.s32 $0x4;
	[bflag:$0x0] =	sbarrier.arrive $0xFFFF  }
0x1ef: {  	[sflag:s10] =	ssyncset.done $0x0  }
0x1f0: {  	[smem:s15], [sflag:$0x4] =	smem.add.s32 $0x1  }
0x1f1: {  	_ =	swait.done [sflag:s10]  }
0x1f2: {  	[sflag:s10] =	ssyncset.s32 $0x0  }
0x1f3: {  	s7 =	simm.s32 $0x0;
	[sflag:s10] =	ssyncset.done $0x0;
	s10 =	rddreg [dreg:$0x16]  }
0x1f4: {  	s8 =	simm.s32 $0x18F;
	[smem:$0x5] =	sst s7  }
.LBB2_8:
0x1f5: {  	p1 =	sne.s32 s7, $0x0  }
0x1f6: {  	s5 =	simm.s32 @!p1 $0x5  }
0x1f7: {  	[sflag:s5] =	ssyncset.done @!p1 $0x0  }
0x1f8: {  	[smem:s15], [sflag:$0x5] =	smem.add.s32 @!p1 $0x0  }
0x1f9: {  	_ =	swait.done @!p1 [sflag:s5]  }
0x1fa: {  	s7 =	ssyncread @!p1 [sflag:$0x5];
	_ =	sdelay $0x2  }
0x1fb: {  	[sflag:s5] =	ssyncset.s32 @!p1 $0x0;
	p2 =	slt.s32 @!p1 s7, $0x10  }
0x1fc: {  	[sflag:s5] =	ssyncset.done @!p1 $0x0;
	p2 =	por p2, p1;
	p1 =	sne.s32 s8, $0x0  }
.Ltmp5:
0x1fd: {  	_ = 	snop;
	(pc) =	sbr.rel @!p1 .LBB2_9-.Ltmp5, $3  }
0x1fe: {  	_ =	sdelay $0x1  }
0x1ff: {  	s5 =	simm.s32 @!p2 $0x1  }
0x200: {  	[smem:$0x5] =	sst @!p2 s5  }
.Ltmp6:
0x201: {  	(pc) =	sbr.rel .LBB2_8-.Ltmp6, $3  }
0x202: {  	_ = 	snop  }
0x203: {  	s7 =	sld [smem:$0x5];
	_ =	sdelay $0x1  }
0x204: {  	s8 =	sadd.s32 $0xFFFFFFFF, s8  }
.LBB2_10:
0x205: {  	_ =	sfence.sel $0x180000  }
0x206: {  	[bflag:$0x0] =	sbarrier.arrive $0xFFFF  }
0x207: {  	_ =	strace $0x9000004A  }
0x208: {  	[bflag:$0x2] =	sbarrier.arrive $0xFFFF  }
0x209: {  	s0 =	rddreg [dreg:$0x3]  }
0x20a: {  	s0 =	sadd.s32 @!p0 $0x100000, s0  }
0x20b: {  	[sflag:s0] =	ssyncadd.tile.s32 @!p0 $0x1;
	_ =	shalt  }
.Lfunc_end2:
_tile_overlayer_lowered:
.L_overlay_start_2:
0x20c: {  	(tag) =	ssettag $0x2  }
0x20d: {  	s0 =	rddreg [dreg:$0x0];
	s2 =	stileid.u32  }
0x20e: {  	s1 =	rddreg [dreg:$0x1];
	p0 =	sne.s32 s2, $0x0  }
0x20f: {  	s3 =	rddreg [dreg:$0x2];
	[bflag:$0x3] =	sbarrier.arrive $0xFFFF;
	s2 =	simm.s32 @!p0 $0x1C03  }
0x210: {  	[timem:s3], [sflag:s2] =	dma.local @!p0 [hbm:s0], s1  }
0x211: {  	s0 =	simm.s32 @!p0 $0x3  }
0x212: {  	_ =	swait.ge @!p0 [sflag:s0], s1  }
0x213: {  	s1 =	ssub.s32 @!p0 $0x0, s1;
	[sflag:s0] =	ssyncset.done @!p0 $0x0  }
0x214: {  	[sflag:s0] =	ssyncadd.s32 @!p0 s1  }
0x215: {  	[bflag:$0x3] =	sbarrier.arrive $0xFFFF  }
0x216: {  	_ =	shalt  }

// kernel: kernel.14.cloned.1.call-start
scs
__scs_entry_jumppad:
0x0: {  	(pc) =	sbr.rel $0x88, $3  }
0x1: {  	(tag) =	ssettag $0x0;
	lr =	simm.s32 $0x1  }
0x2: {  	[smem:$0x3F9B] =	sst lr;
	_ =	strace $0xD0000000  }
0x3: {  	_ = 	snop  }
0x4: {  	_ = 	snop  }
0x5: {  	_ = 	snop  }
0x6: {  	_ = 	snop  }
0x7: {  	_ = 	snop  }
__scs_overlays_trampoline_lowered:
0x8: {  	[smem:$0x3FAA] =	sst s0  }
0x9: {  	[smem:$0x3FAB] =	sst s1  }
0xa: {  	[smem:$0x3FAC] =	sst s2  }
0xb: {  	[smem:$0x3FAD] =	sst s3  }
0xc: {  	[smem:$0x3FAE] =	sst s4  }
0xd: {  	[smem:$0x3FAF] =	sst s5  }
0xe: {  	[smem:$0x3FB0] =	sst s6  }
0xf: {  	[smem:$0x3FB1] =	sst s7  }
0x10: {  	[smem:$0x3FB2] =	sst s8  }
0x11: {  	[smem:$0x3FB3] =	sst s9;
	s0 =	simm.s32 @!p0 $0x0  }
0x12: {  	s1 =	sld [smem:$0x3F99];
	s0 =	simm.s32 @p0 $0x1  }
0x13: {  	[smem:$0x3FB4] =	sst s0;
	s0 =	simm.s32 @!p1 $0x0  }
0x14: {  	s2 =	sld [smem:$0x3F98];
	s0 =	simm.s32 @p1 $0x1  }
0x15: {  	[smem:$0x3FB5] =	sst s0;
	s0 =	simm.s32 @!p2 $0x0  }
0x16: {  	s3 =	sld [smem:$0x3FDB];
	s0 =	simm.s32 @p2 $0x1  }
0x17: {  	s4 =	simm.s32 $0x1BF5;
	[smem:$0x3FB7] =	sst s0  }
0x18: {  	s0 =	sld [smem:$0x3F9A];
	_ =	swait.ge [sflag:s4], $0x0  }
0x19: {  	s7 =	sld [smem:$0x3F9B]  }
0x1a: {  	s8 =	sadd.s32 $0xFFFFE003, lr  }
0x1b: {  	s9 =	sadd.s32 $0xFFFFFEF7, lr;
	s5 =	simm.s32 $0xFFFFFFFF;
	p2 =	slt.u32 s8, $0xFFFFF086  }
0x1c: {  	p1 =	slt.u32 s9, $0xF7A;
	s5 =	simm.s32 @!p2 $0x0  }
0x1d: {  	s5 =	simm.s32 @p1 $0x1;
	p0 =	seq.s32 s7, s2  }
0x1e: {  	s7 =	smul.u32 @!p0 $0xF7A, s2;
	p2 =	seq.s32 @!p0 s5, $0x0  }
0x1f: {  	s9 =	smul.u32 $0xF7A, s1;
	s8 =	simm.s32 @!p0 $0x1BF5;
	p2 =	por !p2, p0  }
0x20: {  	[sflag:s8] =	ssyncset.s32 @!p0 $0xFFFFF086;
	s6 =	sadd.s32 @!p0 s3, s7;
	s7 =	simm.s32 @!p0 $0x108  }
0x21: {  	s3 =	sadd.s32 s3, s9;
	s6 =	sadd.s32 @!p0 $0x88, s6;
	s7 =	simm.s32 @p2 $0x1082  }
0x22: {  	[simem:s7], [sflag:s8] =	dma.local @!p0 [hbm:s6], $0xF7A  }
0x23: {  	s9 =	sor.u32 $0xD0000000, s2;
	s6 =	simm.s32 $0x108;
	_ =	swait.ge @!p0 [sflag:s8], $0x0  }
0x24: {  	s3 =	sadd.s32 $0x88, s3;
	s6 =	simm.s32 @!p1 $0x1082;
	[sflag:s4] =	ssyncset.s32 $0xFFFFF086  }
0x25: {  	[simem:s6], [sflag:s4] =	dma.local [hbm:s3], $0xF7A  }
0x26: {  	[smem:$0x3F9B] =	sst s1;
	(tag) =	ssettag s2;
	_ =	strace s9  }
0x27: {  	s1 =	sld [smem:$0x3FAB]  }
0x28: {  	s2 =	sld [smem:$0x3FAC]  }
0x29: {  	s4 =	sld [smem:$0x3FAE]  }
0x2a: {  	p0 =	seq.s32 s5, $0x0;
	s5 =	sld [smem:$0x3FAF]  }
0x2b: {  	s6 =	sld [smem:$0x3FB0]  }
0x2c: {  	s7 =	sld [smem:$0x3FB1]  }
0x2d: {  	s3 =	simm.s32 $0x108;
	s8 =	sld [smem:$0x3FB2]  }
0x2e: {  	s3 =	simm.s32 @!p0 $0x1082;
	s9 =	sld [smem:$0x3FB3]  }
0x2f: {  	lr =	sadd.s32 s0, s3;
	s0 =	sld [smem:$0x3FAA]  }
0x30: {  	s3 =	sld [smem:$0x3FAD]  }
0x31: {  	[smem:$0x3FB6] =	sst s10  }
0x32: {  	s10 =	sld [smem:$0x3FB4];
	_ =	sdelay $0x3  }
0x33: {  	p0 =	seq.s32 s10, $0x1;
	s10 =	sld [smem:$0x3FB6];
	_ =	sdelay $0x3  }
0x34: {  	[smem:$0x3FB6] =	sst s10  }
0x35: {  	s10 =	sld [smem:$0x3FB5];
	_ =	sdelay $0x3  }
0x36: {  	p1 =	seq.s32 s10, $0x1;
	s10 =	sld [smem:$0x3FB6];
	_ =	sdelay $0x3  }
0x37: {  	[smem:$0x3FB6] =	sst s10  }
0x38: {  	s10 =	sld [smem:$0x3FB7]  }
0x39: {  	_ = 	snop;
	(pc) =	sbr.ind lr, $3  }
0x3a: {  	_ = 	snop  }
0x3b: {  	_ = 	snop  }
0x3c: {  	p2 =	seq.s32 s10, $0x1;
	s10 =	sld [smem:$0x3FB6]  }
0x3d: {  	_ =	shalt  }
0x3e: {  	_ =	shalt  }
0x3f: {  	_ =	shalt  }
0x40: {  	_ =	shalt  }
0x41: {  	_ =	shalt  }
0x42: {  	_ =	shalt  }
0x43: {  	_ =	shalt  }
0x44: {  	_ =	shalt  }
0x45: {  	_ =	shalt  }
0x46: {  	_ =	shalt  }
0x47: {  	_ =	shalt  }
0x48: {  	_ =	shalt  }
0x49: {  	_ =	shalt  }
0x4a: {  	_ =	shalt  }
0x4b: {  	_ =	shalt  }
0x4c: {  	_ =	shalt  }
0x4d: {  	_ =	shalt  }
0x4e: {  	_ =	shalt  }
0x4f: {  	_ =	shalt  }
0x50: {  	_ =	shalt  }
0x51: {  	_ =	shalt  }
0x52: {  	_ =	shalt  }
0x53: {  	_ =	shalt  }
0x54: {  	_ =	shalt  }
0x55: {  	_ =	shalt  }
0x56: {  	_ =	shalt  }
0x57: {  	_ =	shalt  }
0x58: {  	_ =	shalt  }
0x59: {  	_ =	shalt  }
0x5a: {  	_ =	shalt  }
0x5b: {  	_ =	shalt  }
0x5c: {  	_ =	shalt  }
0x5d: {  	_ =	shalt  }
0x5e: {  	_ =	shalt  }
0x5f: {  	_ =	shalt  }
0x60: {  	_ =	shalt  }
0x61: {  	_ =	shalt  }
0x62: {  	_ =	shalt  }
0x63: {  	_ =	shalt  }
0x64: {  	_ =	shalt  }
0x65: {  	_ =	shalt  }
0x66: {  	_ =	shalt  }
0x67: {  	_ =	shalt  }
0x68: {  	_ =	shalt  }
0x69: {  	_ =	shalt  }
0x6a: {  	_ =	shalt  }
0x6b: {  	_ =	shalt  }
0x6c: {  	_ =	shalt  }
0x6d: {  	_ =	shalt  }
0x6e: {  	_ =	shalt  }
0x6f: {  	_ =	shalt  }
0x70: {  	_ =	shalt  }
0x71: {  	_ =	shalt  }
0x72: {  	_ =	shalt  }
0x73: {  	_ =	shalt  }
0x74: {  	_ =	shalt  }
0x75: {  	_ =	shalt  }
0x76: {  	_ =	shalt  }
0x77: {  	_ =	shalt  }
0x78: {  	_ =	shalt  }
0x79: {  	_ =	shalt  }
0x7a: {  	_ =	shalt  }
0x7b: {  	_ =	shalt  }
0x7c: {  	_ =	shalt  }
0x7d: {  	_ =	shalt  }
0x7e: {  	_ =	shalt  }
0x7f: {  	_ =	shalt  }
0x80: {  	_ =	shalt  }
0x81: {  	_ =	shalt  }
0x82: {  	_ =	shalt  }
0x83: {  	_ =	shalt  }
0x84: {  	_ =	shalt  }
0x85: {  	_ =	shalt  }
0x86: {  	_ =	shalt  }
0x87: {  	_ =	shalt  }
.Lfunc_end0:
.L_simem_size_0:
called_computation.2_lowered:
.L_overlay_start_0:
0x88: {  	s2 =	sld [smem:$0x3FD9]  }
0x89: {  	s3 =	sld [smem:$0x3FFE];
	_ =	sdelay $0x1  }
0x8a: {  	s1 =	srdreg.scid  }
0x8b: {  	s0 =	sand.u32 $0x1, s1  }
0x8c: {  	s14 =	sshll.u32 s0, $0xA;
	s2 =	sadd.s32 s3, s2  }
0x8d: {  	s2 =	sadd.s32 s2, s14  }
0x8e: {  	[smem:$0x3FC2] =	sst s2  }
0x8f: {  	_ = 	snop  }
0x90: {  	s2 =	sld [smem:$0x3FD0];
	_ =	sdelay $0x2  }
0x91: {  	s15 =	simm.s32 $0xA;
	s4 =	simm.s32 $0x10  }
0x92: {  	[smem:s4], [sflag:s15] =	dma.local [hbm:s2], $0x1  }
0x93: {  	_ =	swait.eq [sflag:s15], $0x1  }
0x94: {  	[sflag:s15] =	ssyncset.done $0x0  }
0x95: {  	[sflag:s15] =	ssyncadd.s32 $0xFFFFFFFF  }
0x96: {  	s16 =	sld [smem:$0x10];
	(tm) =	ssettm $0x1  }
0x97: {  	s17 =	sld [smem:$0x3FFB];
	_ =	sdelay $0x3  }
0x98: {  	_ =	strace s17  }
0x99: {  	s3 =	sld [smem:$0x3FFC];
	_ =	sdelay $0x3  }
0x9a: {  	_ =	strace s3  }
0x9b: {  	s3 =	sld [smem:$0x3FFD];
	_ =	sdelay $0x3  }
0x9c: {  	_ =	strace s3  }
0x9d: {  	_ =	strace $0x8FFFFFFF  }
0x9e: {  	s18 =	sld [smem:$0x3FDB];
	_ =	sdelay $0x1  }
0x9f: {  	s19 =	simm.s32 $_scs_section_size  }
0xa0: {  	s5 =	simm.s32 $_size__tile_overlayer_lowered;
	s6 =	simm.s32 $_tile_overlayer_lowered  }
0xa1: {  	s22 =	simm.s32 $0x1BFF;
	s21 =	sshll.u32 s6, $0x1;
	s3 =	sadd.s32 s19, s18  }
0xa2: {  	s7 =	simm.s32 $0x0;
	s20 =	sshll.u32 s5, $0x1;
	s5 =	sadd.s32 s21, s3  }
0xa3: {  	[timem:s7], [sflag:s22] =	dma.local [hbm:s5], s20  }
0xa4: {  	_ =	swait.ge [sflag:s22], s20  }
0xa5: {  	s4 =	ssub.s32 $0x0, s20;
	[sflag:s22] =	ssyncset.done $0x0  }
0xa6: {  	[sflag:s22] =	ssyncadd.s32 s4;
	_ =	sdelay $0x1  }
0xa7: {  	s23 =	simm.s32 $0x1B8B  }
0xa8: {  	_ =	swait.ge [sflag:s23], $0x1  }
0xa9: {  	[sflag:s23] =	ssyncset.done $0x0  }
0xaa: {  	s25 =	simm.s32 $0x1B8E;
	s24 =	sld [smem:$0x3FFE];
	[sflag:s23] =	ssyncadd.s32 $0xFFFFFFFF  }
0xab: {  	s26 =	simm.s32 $execute0_lowered;
	[smem:$0x3FD2] =	sst s25  }
0xac: {  	s5 =	sshll.u32 s26, $0x1;
	_ =	strace $0x8000004C;
	[dreg:$0x1] =	wrdreg $0xFFFFFFFF  }
0xad: {  	s28 =	simm.s32 $_size_execute0_lowered;
	s3 =	sadd.s32 s3, s5;
	[dreg:$0x0] =	wrdreg $0x0  }
0xae: {  	s5 =	sshll.u32 s28, $0x1;
	[dreg:$0x2] =	wrdreg s3  }
0xaf: {  	[dreg:$0x3] =	wrdreg s5  }
0xb0: {  	[dreg:$0x4] =	wrdreg $0xC0  }
0xb1: {  	_ =	task [dreg:s7], $0x5FFFF  }
0xb2: {  	[dreg:$0x1] =	wrdreg $0xFFFFFFFF  }
0xb3: {  	[dreg:$0x0] =	wrdreg $0x60  }
0xb4: {  	[dreg:$0x2] =	wrdreg s24  }
0xb5: {  	[dreg:$0x3] =	wrdreg s16  }
0xb6: {  	[dreg:$0x4] =	wrdreg $0x90000  }
0xb7: {  	[dreg:$0x5] =	wrdreg $0x9  }
0xb8: {  	_ =	task.clear_ibuf [dreg:s7], $0x6FFFF;
	_ =	strace $0x9000004C  }
0xb9: {  	s29 =	simm.s32 $0x9;
	_ =	strace $0x8000004E  }
0xba: {  	_ =	swait.ge [sflag:s29], $0x1  }
0xbb: {  	[sflag:s29] =	ssyncadd.s32 $0xFFFFFFFF  }
0xbc: {  	_ =	strace $0x9000004E  }
0xbd: {  	_ =	sfence  }
0xbe: {  	s30 =	sld [smem:$0x0];
	_ =	sdelay $0x2  }
0xbf: {  	s31 =	sshll.u32 s1, $0xD;
	s1 =	sshrl.u32 s1, $0x2  }
0xc0: {  	s3 =	sand.u32 $0x4000, s31;
	s1 =	sadd.s32 s1, s30  }
0xc1: {  	s0 =	sor.u32 s3, s0;
	s1 =	sshll.u32 s1, $0x11  }
0xc2: {  	s0 =	sor.u32 s1, s0  }
0xc3: {  	s0 =	sadd.s32 $0x8F2B, s0  }
0xc4: {  	[sflag:s0] =	ssyncadd.remote.s32 $0x1  }
0xc5: {  	_ =	sfence.sel $0xFFFF  }
0xc6: {  	[dreg:$0x0] =	wrdreg $0xFFFFFFFF;
	(pc) =	sbr.abs _section_cstart, $3  }
0xc7: {  	[dreg:$0x1] =	wrdreg $0xFFFFFFFF  }
0xc8: {  	_ =	task.clear_ibuf [dreg:s7], $0x2FFFF;
	_ =	strace $0x9FFFFFFF  }
0xc9: {  	(tm) =	ssettm $0x7FFFFFFF  }
tec
execute0_lowered:
.L_overlay_start_1:
0x0: {  	(tag) =	ssettag $0x1  }
0x1: {  	s0 =	rddreg [dreg:$0x0];
	s1 =	srdreg.scid  }
0x2: {  	s4 =	rddreg [dreg:$0x1];
	s6 =	stileid.u32  }
0x3: {  	s2 =	simm.s32 $0x0;
	s14 =	simm.s32 $0x100;
	s15 =	simm.s32 $0x880  }
0x4: {  	s17 =	simm.s32 $0x180;
	s5 =	sand.u32 $0x1, s1;
	s1 =	rddreg [dreg:$0x2]  }
0x5: {  	s18 =	simm.s32 $0x900;
	s19 =	simm.s32 $0x200;
	[smem:$0x7FF] =	sst s2  }
0x6: {  	s20 =	simm.s32 $0x980;
	_ =	strace $0x8000004D;
	[dreg:$0x6] =	wrdreg s14  }
0x7: {  	s21 =	simm.s32 $0x280;
	s22 =	simm.s32 $0xA00;
	[dreg:$0x7] =	wrdreg s15  }
0x8: {  	s23 =	simm.s32 $0x300;
	s24 =	simm.s32 $0xA80;
	[dreg:$0x8] =	wrdreg s17  }
0x9: {  	s28 =	simm.s32 $0x680;
	s7 =	smul.u32 $0x2800, s6;
	[dreg:$0x9] =	wrdreg s18  }
0xa: {  	s29 =	simm.s32 $0xE00;
	s25 =	smul.u32 $0x13C00, s6;
	[dreg:$0xa] =	wrdreg s19  }
0xb: {  	s30 =	simm.s32 $0x700;
	s26 =	smul.u32 $0x4F000, s6;
	[dreg:$0xb] =	wrdreg s20  }
0xc: {  	s31 =	simm.s32 $0xE80;
	s3 =	smul.u32 $0x28000, s5;
	[dreg:$0xc] =	wrdreg s21  }
0xd: {  	p0 =	sne.s32 s6, $0x0;
	s9 =	smul.u32 $0x13C000, s5;
	[dreg:$0xd] =	wrdreg s22  }
0xe: {  	s5 =	ssub.s32 $0x2, s5;
	[dreg:$0xe] =	wrdreg s23;
	s14 =	simm.s32 $0x5000  }
0xf: {  	[dreg:$0xf] =	wrdreg s24;
	s15 =	simm.s32 $0x1;
	s17 =	simm.s32 $0x400  }
0x10: {  	s18 =	simm.s32 $0xB80;
	s19 =	simm.s32 $0x480;
	s20 =	simm.s32 $0xC00  }
0x11: {  	s21 =	simm.s32 $0x500;
	s22 =	simm.s32 $0xC80;
	s23 =	simm.s32 $0x580  }
0x12: {  	s24 =	simm.s32 $0xD00;
	s11 =	sshrl.u32 s25, $0x3;
	s12 =	sshrl.u32 s5, $0x1  }
0x13: {  	s3 =	sadd.s32 s7, s3;
	s7 =	sadd.s32 s25, s9;
	s11 =	sadd.s32 s11, s0  }
0x14: {  	s5 =	ssub.s32 s5, s12;
	s9 =	sshrl.u32 s26, $0x2;
	s12 =	sshll.u32 s6, $0x6  }
0x15: {  	s25 =	simm.s32 $0x380;
	s26 =	simm.s32 $0xB00;
	s6 =	simm.s32 $0xF80  }
0x16: {  	s8 =	sshrl.u32 s3, $0x3;
	s3 =	sadd.s32 $0x1E00, s0;
	s7 =	sshrl.u32 s7, $0x3  }
0x17: {  	s11 =	sadd.s32 $0x29000, s11;
	s16 =	smax.u32 s5, $0x1;
	[dreg:$0x10] =	wrdreg s25  }
0x18: {  	[dreg:$0x11] =	wrdreg s26;
	s25 =	simm.s32 $0x600;
	s26 =	simm.s32 $0xD80  }
0x19: {  	s10 =	sadd.s32 s8, s0;
	s0 =	sadd.s32 s7, s0;
	s7 =	sadd.s32 s9, s1  }
0x1a: {  	[dreg:$0x12] =	wrdreg s11;
	s4 =	sadd.s32 s8, s4;
	s8 =	sor.u32 $0x1C05, s12  }
0x1b: {  	[dreg:$0x15] =	wrdreg s16;
	s9 =	simm.s32 $0x5;
	s11 =	simm.s32 $0x800  }
.Ltmp0:
0x1c: {  	s12 =	simm.s32 $0x80;
	[dreg:$0x4] =	wrdreg s4;
	(pc) =	sbr.rel .LBB2_1-.Ltmp0, $4  }
0x1d: {  	s16 =	simm.s32 $0x2;
	s13 =	sadd.s32 $0x78600, s10;
	[dreg:$0x13] =	wrdreg s8  }
0x1e: {  	s0 =	sadd.s32 $0x82600, s0;
	s10 =	sshrl.u32 s7, $0x3;
	[dreg:$0x5] =	wrdreg s13  }
0x1f: {  	s4 =	simm.s32 $0xF00;
	s7 =	simm.s32 $0x0;
	[dreg:$0x14] =	wrdreg s0  }
0x20: {  	s13 =	simm.s32 $0x1000;
	s0 =	simm.s32 $0x780;
	[dreg:$0x16] =	wrdreg s10  }
.LBB2_9:
0x21: {  	s8 =	rddreg [dreg:$0x13]  }
0x22: {  	s5 =	rddreg [dreg:$0x14]  }
0x23: {  	[hbm:s5], [sflag:s8] =	dma.local [spmem:s10], $0x2780  }
0x24: {  	_ =	swait.ge [sflag:s9], $0x2780  }
0x25: {  	s7 =	rddreg [dreg:$0x17]  }
0x26: {  	s5 =	rddreg [dreg:$0x15];
	s7 =	sadd.s32 $0x1, s7  }
0x27: {  	p1 =	sne.s32 s7, s5  }
.Ltmp1:
0x28: {  	_ = 	snop;
	(pc) =	sbr.rel @!p1 .LBB2_10-.Ltmp1, $3  }
0x29: {  	_ =	sdelay $0x1  }
0x2a: {  	[sflag:s9] =	ssyncset.done $0x0  }
0x2b: {  	[sflag:s9] =	ssyncadd.s32 $0xFFFFD880  }
.LBB2_1:
0x2c: {  	[dreg:$0x17] =	wrdreg s7  }
0x2d: {  	s7 =	simm.s32 @!p0 $0x0;
	s5 =	rddreg [dreg:$0x12]  }
0x2e: {  	[smem:$0x0] =	sst @!p0 s7  }
0x2f: {  	[smem:$0x1] =	sst @!p0 s7  }
0x30: {  	[smem:$0x2] =	sst @!p0 s7  }
0x31: {  	[smem:$0x3] =	sst @!p0 s7  }
0x32: {  	[smem:$0x4] =	sst @!p0 s7  }
0x33: {  	[smem:$0x5] =	sst @!p0 s7  }
0x34: {  	[smem:$0x6] =	sst @!p0 s7  }
0x35: {  	[smem:$0x7] =	sst @!p0 s7  }
0x36: {  	[spmem:s10], [sflag:s8] =	dma.local [hbm:s5], $0x2780  }
0x37: {  	_ =	swait.ge [sflag:s9], $0x2780  }
0x38: {  	[sflag:s9] =	ssyncset.done $0x0  }
0x39: {  	[sflag:s9] =	ssyncadd.s32 $0xFFFFD880  }
0x3a: {  	s10 =	simm.s32 $0x3;
	[bflag:$0x0] =	sbarrier.arrive $0xFFFF  }
0x3b: {  	[sflag:s10] =	ssyncset.done $0x0  }
0x3c: {  	[smem:s2], [sflag:$0x3] =	smem.add.s32 $0x1  }
0x3d: {  	_ =	swait.done [sflag:s10]  }
0x3e: {  	[sflag:s10] =	ssyncset.s32 $0x0  }
0x3f: {  	[sflag:s10] =	ssyncset.done $0x0  }
0x40: {  	s7 =	simm.s32 $0x0;
	s8 =	simm.s32 $0x18F;
	[smem:$0x4] =	sst s2  }
.LBB2_3:
0x41: {  	p1 =	sne.s32 s7, $0x0  }
0x42: {  	s7 =	simm.s32 @!p1 $0x5  }
0x43: {  	s10 =	simm.s32 @!p1 $0x0;
	[sflag:s7] =	ssyncset.done @!p1 $0x0  }
0x44: {  	[smem:s10], [sflag:$0x5] =	smem.add.s32 @!p1 $0x0  }
0x45: {  	_ =	swait.done @!p1 [sflag:s7]  }
0x46: {  	s10 =	ssyncread @!p1 [sflag:$0x5];
	_ =	sdelay $0x2  }
0x47: {  	[sflag:s7] =	ssyncset.s32 @!p1 $0x0;
	p2 =	slt.s32 @!p1 s10, $0x10  }
0x48: {  	[sflag:s7] =	ssyncset.done @!p1 $0x0;
	p2 =	por p2, p1;
	p1 =	sne.s32 s8, $0x0  }
.Ltmp2:
0x49: {  	_ = 	snop;
	(pc) =	sbr.rel @!p1 .LBB2_4-.Ltmp2, $3  }
0x4a: {  	_ =	sdelay $0x1  }
0x4b: {  	s7 =	simm.s32 @!p2 $0x1  }
0x4c: {  	[smem:$0x4] =	sst @!p2 s7  }
.Ltmp3:
0x4d: {  	(pc) =	sbr.rel .LBB2_3-.Ltmp3, $3  }
0x4e: {  	_ = 	snop  }
0x4f: {  	s7 =	sld [smem:$0x4];
	_ =	sdelay $0x1  }
0x50: {  	s8 =	sadd.s32 $0xFFFFFFFF, s8  }
.LBB2_4:
0x51: {  	s7 =	rddreg [dreg:$0x5]  }
0x52: {  	s7 =	sadd.s32 $0x0, s7  }
0x53: {  	[tilespmem:s2], [sflag:$0x5] =	stream.linear.gather [hbm4b:s7+s2], $0x800, $0x38;
	[tilespmem:$0x1CC00] =	vst v63  }
0x54: {  	_ =	swait.ge [sflag:s9], $0x800  }
0x55: {  	s10 =	rddreg [dreg:$0x4];
	[sflag:s9] =	ssyncset.done $0x0  }
0x56: {  	[sflag:s9] =	ssyncadd.s32 $0xFFFFF800;
	s7 =	sadd.s32 $0x0, s10  }
0x57: {  	[tilespmem:s11], [sflag:$0x5] =	stream.linear.gather [hbm4b:s7+s2], $0x800, $0x38;
	[tilespmem:$0x1CC00] =	vst v63  }
0x58: {  	_ =	swait.ge [sflag:s9], $0x800  }
0x59: {  	[sflag:s9] =	ssyncset.done $0x0  }
0x5a: {  	[sflag:s9] =	ssyncadd.s32 $0xFFFFF800  }
0x5b: {  	[tilespmem:s13], [sflag:$0x1] =	stream.indirect.gather [hbm4b:s3+s12], $0x80, s2, s12, $0xb8;
	[tilespmem:$0x1CC00] =	vst v63  }
0x5c: {  	_ = 	snop  }
0x5d: {  	[tilespmem:s14], [sflag:$0x2] =	stream.indirect.gather [hbm4b:s3+s12], $0x80, s12, s12, $0xb8;
	[tilespmem:$0x1CC00] =	vst v63  }
0x5e: {  	_ =	swait.ge [sflag:s15], $0x4000  }
0x5f: {  	[sflag:s15] =	ssyncset.done $0x0  }
0x60: {  	[sflag:s15] =	ssyncadd.s32 $0xFFFFC000  }
0x61: {  	[spmem:s1] =	stream.indirect.scatter.add.f32 [tilespmem:s13], [sflag:$0x5], $0x80, s11, s12, $0xb8;
	[tilespmem:$0x1CC00] =	vst v63  }
0x62: {  	_ =	swait.ge [sflag:s9], $0x4000  }
0x63: {  	[sflag:s9] =	ssyncset.done $0x0  }
0x64: {  	s5 =	rddreg [dreg:$0x6];
	[sflag:s9] =	ssyncadd.s32 $0xFFFFC000  }
0x65: {  	[tilespmem:s13], [sflag:$0x1] =	stream.indirect.gather [hbm4b:s3+s12], $0x80, s5, s12, $0xb8;
	[tilespmem:$0x1CC00] =	vst v63  }
0x66: {  	_ =	swait.ge [sflag:s16], $0x4000  }
0x67: {  	[sflag:s16] =	ssyncset.done $0x0  }
0x68: {  	s8 =	rddreg [dreg:$0x7];
	[sflag:s16] =	ssyncadd.s32 $0xFFFFC000  }
0x69: {  	[spmem:s1] =	stream.indirect.scatter.add.f32 [tilespmem:s14], [sflag:$0x5], $0x80, s8, s12, $0xb8;
	[tilespmem:$0x1CC00] =	vst v63  }
0x6a: {  	_ =	swait.ge [sflag:s9], $0x4000  }
0x6b: {  	[sflag:s9] =	ssyncset.done $0x0  }
0x6c: {  	s10 =	rddreg [dreg:$0x8];
	[sflag:s9] =	ssyncadd.s32 $0xFFFFC000  }
0x6d: {  	[tilespmem:s14], [sflag:$0x2] =	stream.indirect.gather [hbm4b:s3+s12], $0x80, s10, s12, $0xb8;
	[tilespmem:$0x1CC00] =	vst v63  }
0x6e: {  	_ =	swait.ge [sflag:s15], $0x4000  }
0x6f: {  	[sflag:s15] =	ssyncset.done $0x0  }
0x70: {  	s5 =	rddreg [dreg:$0x9];
	[sflag:s15] =	ssyncadd.s32 $0xFFFFC000  }
0x71: {  	[spmem:s1] =	stream.indirect.scatter.add.f32 [tilespmem:s13], [sflag:$0x5], $0x80, s5, s12, $0xb8;
	[tilespmem:$0x1CC00] =	vst v63  }
0x72: {  	_ =	swait.ge [sflag:s9], $0x4000  }
0x73: {  	[sflag:s9] =	ssyncset.done $0x0  }
0x74: {  	s8 =	rddreg [dreg:$0xa];
	[sflag:s9] =	ssyncadd.s32 $0xFFFFC000  }
0x75: {  	[tilespmem:s13], [sflag:$0x1] =	stream.indirect.gather [hbm4b:s3+s12], $0x80, s8, s12, $0xb8;
	[tilespmem:$0x1CC00] =	vst v63  }
0x76: {  	_ =	swait.ge [sflag:s16], $0x4000  }
0x77: {  	[sflag:s16] =	ssyncset.done $0x0  }
0x78: {  	s10 =	rddreg [dreg:$0xb];
	[sflag:s16] =	ssyncadd.s32 $0xFFFFC000  }
0x79: {  	[spmem:s1] =	stream.indirect.scatter.add.f32 [tilespmem:s14], [sflag:$0x5], $0x80, s10, s12, $0xb8;
	[tilespmem:$0x1CC00] =	vst v63  }
0x7a: {  	_ =	swait.ge [sflag:s9], $0x4000  }
0x7b: {  	[sflag:s9] =	ssyncset.done $0x0  }
0x7c: {  	s5 =	rddreg [dreg:$0xc];
	[sflag:s9] =	ssyncadd.s32 $0xFFFFC000  }
0x7d: {  	[tilespmem:s14], [sflag:$0x2] =	stream.indirect.gather [hbm4b:s3+s12], $0x80, s5, s12, $0xb8;
	[tilespmem:$0x1CC00] =	vst v63  }
0x7e: {  	_ =	swait.ge [sflag:s15], $0x4000  }
0x7f: {  	[sflag:s15] =	ssyncset.done $0x0  }
0x80: {  	s8 =	rddreg [dreg:$0xd];
	[sflag:s15] =	ssyncadd.s32 $0xFFFFC000  }
0x81: {  	[spmem:s1] =	stream.indirect.scatter.add.f32 [tilespmem:s13], [sflag:$0x5], $0x80, s8, s12, $0xb8;
	[tilespmem:$0x1CC00] =	vst v63  }
0x82: {  	_ =	swait.ge [sflag:s9], $0x4000  }
0x83: {  	[sflag:s9] =	ssyncset.done $0x0  }
0x84: {  	s10 =	rddreg [dreg:$0xe];
	[sflag:s9] =	ssyncadd.s32 $0xFFFFC000  }
0x85: {  	[tilespmem:s13], [sflag:$0x1] =	stream.indirect.gather [hbm4b:s3+s12], $0x80, s10, s12, $0xb8;
	[tilespmem:$0x1CC00] =	vst v63  }
0x86: {  	_ =	swait.ge [sflag:s16], $0x4000  }
0x87: {  	[sflag:s16] =	ssyncset.done $0x0  }
0x88: {  	s5 =	rddreg [dreg:$0xf];
	[sflag:s16] =	ssyncadd.s32 $0xFFFFC000  }
0x89: {  	[spmem:s1] =	stream.indirect.scatter.add.f32 [tilespmem:s14], [sflag:$0x5], $0x80, s5, s12, $0xb8;
	[tilespmem:$0x1CC00] =	vst v63  }
0x8a: {  	_ =	swait.ge [sflag:s9], $0x4000  }
0x8b: {  	[sflag:s9] =	ssyncset.done $0x0  }
0x8c: {  	s8 =	rddreg [dreg:$0x10];
	[sflag:s9] =	ssyncadd.s32 $0xFFFFC000  }
0x8d: {  	[tilespmem:s14], [sflag:$0x2] =	stream.indirect.gather [hbm4b:s3+s12], $0x80, s8, s12, $0xb8;
	[tilespmem:$0x1CC00] =	vst v63  }
0x8e: {  	_ =	swait.ge [sflag:s15], $0x4000  }
0x8f: {  	[sflag:s15] =	ssyncset.done $0x0  }
0x90: {  	s10 =	rddreg [dreg:$0x11];
	[sflag:s15] =	ssyncadd.s32 $0xFFFFC000  }
0x91: {  	[spmem:s1] =	stream.indirect.scatter.add.f32 [tilespmem:s13], [sflag:$0x5], $0x80, s10, s12, $0xb8;
	[tilespmem:$0x1CC00] =	vst v63  }
0x92: {  	_ =	swait.ge [sflag:s9], $0x4000  }
0x93: {  	[sflag:s9] =	ssyncset.done $0x0  }
0x94: {  	[sflag:s9] =	ssyncadd.s32 $0xFFFFC000  }
0x95: {  	[tilespmem:s13], [sflag:$0x1] =	stream.indirect.gather [hbm4b:s3+s12], $0x80, s17, s12, $0xb8;
	[tilespmem:$0x1CC00] =	vst v63  }
0x96: {  	_ =	swait.ge [sflag:s16], $0x4000  }
0x97: {  	[sflag:s16] =	ssyncset.done $0x0  }
0x98: {  	[sflag:s16] =	ssyncadd.s32 $0xFFFFC000  }
0x99: {  	[spmem:s1] =	stream.indirect.scatter.add.f32 [tilespmem:s14], [sflag:$0x5], $0x80, s18, s12, $0xb8;
	[tilespmem:$0x1CC00] =	vst v63  }
0x9a: {  	_ =	swait.ge [sflag:s9], $0x4000  }
0x9b: {  	[sflag:s9] =	ssyncset.done $0x0  }
0x9c: {  	[sflag:s9] =	ssyncadd.s32 $0xFFFFC000  }
0x9d: {  	[tilespmem:s14], [sflag:$0x2] =	stream.indirect.gather [hbm4b:s3+s12], $0x80, s19, s12, $0xb8;
	[tilespmem:$0x1CC00] =	vst v63  }
0x9e: {  	_ =	swait.ge [sflag:s15], $0x4000  }
0x9f: {  	[sflag:s15] =	ssyncset.done $0x0  }
0xa0: {  	[sflag:s15] =	ssyncadd.s32 $0xFFFFC000  }
0xa1: {  	[spmem:s1] =	stream.indirect.scatter.add.f32 [tilespmem:s13], [sflag:$0x5], $0x80, s20, s12, $0xb8;
	[tilespmem:$0x1CC00] =	vst v63  }
0xa2: {  	_ =	swait.ge [sflag:s9], $0x4000  }
0xa3: {  	[sflag:s9] =	ssyncset.done $0x0  }
0xa4: {  	[sflag:s9] =	ssyncadd.s32 $0xFFFFC000  }
0xa5: {  	[tilespmem:s13], [sflag:$0x1] =	stream.indirect.gather [hbm4b:s3+s12], $0x80, s21, s12, $0xb8;
	[tilespmem:$0x1CC00] =	vst v63  }
0xa6: {  	_ =	swait.ge [sflag:s16], $0x4000  }
0xa7: {  	[sflag:s16] =	ssyncset.done $0x0  }
0xa8: {  	[sflag:s16] =	ssyncadd.s32 $0xFFFFC000  }
0xa9: {  	[spmem:s1] =	stream.indirect.scatter.add.f32 [tilespmem:s14], [sflag:$0x5], $0x80, s22, s12, $0xb8;
	[tilespmem:$0x1CC00] =	vst v63  }
0xaa: {  	_ =	swait.ge [sflag:s9], $0x4000  }
0xab: {  	[sflag:s9] =	ssyncset.done $0x0  }
0xac: {  	[sflag:s9] =	ssyncadd.s32 $0xFFFFC000  }
0xad: {  	[tilespmem:s14], [sflag:$0x2] =	stream.indirect.gather [hbm4b:s3+s12], $0x80, s23, s12, $0xb8;
	[tilespmem:$0x1CC00] =	vst v63  }
0xae: {  	_ =	swait.ge [sflag:s15], $0x4000  }
0xaf: {  	[sflag:s15] =	ssyncset.done $0x0  }
0xb0: {  	[sflag:s15] =	ssyncadd.s32 $0xFFFFC000  }
0xb1: {  	[spmem:s1] =	stream.indirect.scatter.add.f32 [tilespmem:s13], [sflag:$0x5], $0x80, s24, s12, $0xb8;
	[tilespmem:$0x1CC00] =	vst v63  }
0xb2: {  	_ =	swait.ge [sflag:s9], $0x4000  }
0xb3: {  	[sflag:s9] =	ssyncset.done $0x0  }
0xb4: {  	[sflag:s9] =	ssyncadd.s32 $0xFFFFC000  }
0xb5: {  	[tilespmem:s13], [sflag:$0x1] =	stream.indirect.gather [hbm4b:s3+s12], $0x80, s25, s12, $0xb8;
	[tilespmem:$0x1CC00] =	vst v63  }
0xb6: {  	_ =	swait.ge [sflag:s16], $0x4000  }
0xb7: {  	[sflag:s16] =	ssyncset.done $0x0  }
0xb8: {  	[sflag:s16] =	ssyncadd.s32 $0xFFFFC000  }
0xb9: {  	[spmem:s1] =	stream.indirect.scatter.add.f32 [tilespmem:s14], [sflag:$0x5], $0x80, s26, s12, $0xb8;
	[tilespmem:$0x1CC00] =	vst v63  }
0xba: {  	_ =	swait.ge [sflag:s9], $0x4000  }
0xbb: {  	[sflag:s9] =	ssyncset.done $0x0  }
0xbc: {  	[sflag:s9] =	ssyncadd.s32 $0xFFFFC000  }
0xbd: {  	[tilespmem:s14], [sflag:$0x2] =	stream.indirect.gather [hbm4b:s3+s12], $0x80, s28, s12, $0xb8;
	[tilespmem:$0x1CC00] =	vst v63  }
0xbe: {  	_ =	swait.ge [sflag:s15], $0x4000  }
0xbf: {  	[sflag:s15] =	ssyncset.done $0x0  }
0xc0: {  	[sflag:s15] =	ssyncadd.s32 $0xFFFFC000  }
0xc1: {  	[spmem:s1] =	stream.indirect.scatter.add.f32 [tilespmem:s13], [sflag:$0x5], $0x80, s29, s12, $0xb8;
	[tilespmem:$0x1CC00] =	vst v63  }
0xc2: {  	_ =	swait.ge [sflag:s9], $0x4000  }
0xc3: {  	[sflag:s9] =	ssyncset.done $0x0  }
0xc4: {  	[sflag:s9] =	ssyncadd.s32 $0xFFFFC000  }
0xc5: {  	[tilespmem:s13], [sflag:$0x1] =	stream.indirect.gather [hbm4b:s3+s12], $0x80, s30, s12, $0xb8;
	[tilespmem:$0x1CC00] =	vst v63  }
0xc6: {  	_ =	swait.ge [sflag:s16], $0x4000  }
0xc7: {  	[sflag:s16] =	ssyncset.done $0x0  }
0xc8: {  	[sflag:s16] =	ssyncadd.s32 $0xFFFFC000  }
0xc9: {  	[spmem:s1] =	stream.indirect.scatter.add.f32 [tilespmem:s14], [sflag:$0x5], $0x80, s31, s12, $0xb8;
	[tilespmem:$0x1CC00] =	vst v63  }
0xca: {  	_ =	swait.ge [sflag:s9], $0x4000  }
0xcb: {  	[sflag:s9] =	ssyncset.done $0x0  }
0xcc: {  	[sflag:s9] =	ssyncadd.s32 $0xFFFFC000  }
0xcd: {  	[tilespmem:s14], [sflag:$0x2] =	stream.indirect.gather [hbm4b:s3+s12], $0x80, s0, s12, $0xb8;
	[tilespmem:$0x1CC00] =	vst v63  }
0xce: {  	_ =	swait.ge [sflag:s15], $0x4000  }
0xcf: {  	[sflag:s15] =	ssyncset.done $0x0  }
0xd0: {  	[sflag:s15] =	ssyncadd.s32 $0xFFFFC000  }
0xd1: {  	[spmem:s1] =	stream.indirect.scatter.add.f32 [tilespmem:s13], [sflag:$0x5], $0x80, s4, s12, $0xb8;
	[tilespmem:$0x1CC00] =	vst v63  }
0xd2: {  	_ =	swait.ge [sflag:s9], $0x4000  }
0xd3: {  	[sflag:s9] =	ssyncset.done $0x0  }
0xd4: {  	[sflag:s9] =	ssyncadd.s32 $0xFFFFC000  }
0xd5: {  	_ =	swait.ge [sflag:s16], $0x4000  }
0xd6: {  	[sflag:s16] =	ssyncset.done $0x0  }
0xd7: {  	[sflag:s16] =	ssyncadd.s32 $0xFFFFC000  }
0xd8: {  	[spmem:s1] =	stream.indirect.scatter.add.f32 [tilespmem:s14], [sflag:$0x5], $0x80, s6, s12, $0xb8;
	[tilespmem:$0x1CC00] =	vst v63  }
0xd9: {  	s8 =	simm.s32 $0x100;
	_ =	swait.ge [sflag:s9], $0x4000  }
0xda: {  	s10 =	simm.s32 $0x200;
	s7 =	rddreg [dreg:$0x5];
	[sflag:s9] =	ssyncset.done $0x0  }
.LBB2_5:
0xdb: {  	[sflag:s9] =	ssyncadd.s32 $0xFFFFC000;
	s7 =	sadd.s32 s8, s7  }
0xdc: {  	[tilespmem:s2], [sflag:$0x5] =	stream.linear.gather [hbm4b:s7+s2], $0x800, $0x38;
	[tilespmem:$0x1CC00] =	vst v63  }
0xdd: {  	_ =	swait.ge [sflag:s9], $0x800  }
0xde: {  	s7 =	rddreg [dreg:$0x4];
	[sflag:s9] =	ssyncset.done $0x0  }
0xdf: {  	[sflag:s9] =	ssyncadd.s32 $0xFFFFF800;
	s7 =	sadd.s32 s8, s7  }
0xe0: {  	[tilespmem:s11], [sflag:$0x5] =	stream.linear.gather [hbm4b:s7+s2], $0x800, $0x38;
	[tilespmem:$0x1CC00] =	vst v63  }
0xe1: {  	_ =	swait.ge [sflag:s9], $0x800  }
0xe2: {  	[sflag:s9] =	ssyncset.done $0x0  }
0xe3: {  	[sflag:s9] =	ssyncadd.s32 $0xFFFFF800  }
0xe4: {  	[tilespmem:s13], [sflag:$0x1] =	stream.indirect.gather [hbm4b:s3+s12], $0x80, s2, s12, $0xb8;
	[tilespmem:$0x1CC00] =	vst v63  }
0xe5: {  	_ = 	snop  }
0xe6: {  	[tilespmem:s14], [sflag:$0x2] =	stream.indirect.gather [hbm4b:s3+s12], $0x80, s12, s12, $0xb8;
	[tilespmem:$0x1CC00] =	vst v63  }
0xe7: {  	_ =	swait.ge [sflag:s15], $0x4000  }
0xe8: {  	[sflag:s15] =	ssyncset.done $0x0  }
0xe9: {  	[sflag:s15] =	ssyncadd.s32 $0xFFFFC000  }
0xea: {  	[spmem:s1] =	stream.indirect.scatter.add.f32 [tilespmem:s13], [sflag:$0x5], $0x80, s11, s12, $0xb8;
	[tilespmem:$0x1CC00] =	vst v63  }
0xeb: {  	_ =	swait.ge [sflag:s9], $0x4000  }
0xec: {  	[sflag:s9] =	ssyncset.done $0x0  }
0xed: {  	s7 =	rddreg [dreg:$0x6];
	[sflag:s9] =	ssyncadd.s32 $0xFFFFC000  }
0xee: {  	[tilespmem:s13], [sflag:$0x1] =	stream.indirect.gather [hbm4b:s3+s12], $0x80, s7, s12, $0xb8;
	[tilespmem:$0x1CC00] =	vst v63  }
0xef: {  	_ =	swait.ge [sflag:s16], $0x4000  }
0xf0: {  	[sflag:s16] =	ssyncset.done $0x0  }
0xf1: {  	s7 =	rddreg [dreg:$0x7];
	[sflag:s16] =	ssyncadd.s32 $0xFFFFC000  }
0xf2: {  	[spmem:s1] =	stream.indirect.scatter.add.f32 [tilespmem:s14], [sflag:$0x5], $0x80, s7, s12, $0xb8;
	[tilespmem:$0x1CC00] =	vst v63  }
0xf3: {  	_ =	swait.ge [sflag:s9], $0x4000  }
0xf4: {  	[sflag:s9] =	ssyncset.done $0x0  }
0xf5: {  	s7 =	rddreg [dreg:$0x8];
	[sflag:s9] =	ssyncadd.s32 $0xFFFFC000  }
0xf6: {  	[tilespmem:s14], [sflag:$0x2] =	stream.indirect.gather [hbm4b:s3+s12], $0x80, s7, s12, $0xb8;
	[tilespmem:$0x1CC00] =	vst v63  }
0xf7: {  	_ =	swait.ge [sflag:s15], $0x4000  }
0xf8: {  	[sflag:s15] =	ssyncset.done $0x0  }
0xf9: {  	s7 =	rddreg [dreg:$0x9];
	[sflag:s15] =	ssyncadd.s32 $0xFFFFC000  }
0xfa: {  	[spmem:s1] =	stream.indirect.scatter.add.f32 [tilespmem:s13], [sflag:$0x5], $0x80, s7, s12, $0xb8;
	[tilespmem:$0x1CC00] =	vst v63  }
0xfb: {  	_ =	swait.ge [sflag:s9], $0x4000  }
0xfc: {  	[sflag:s9] =	ssyncset.done $0x0  }
0xfd: {  	s7 =	rddreg [dreg:$0xa];
	[sflag:s9] =	ssyncadd.s32 $0xFFFFC000  }
0xfe: {  	[tilespmem:s13], [sflag:$0x1] =	stream.indirect.gather [hbm4b:s3+s12], $0x80, s7, s12, $0xb8;
	[tilespmem:$0x1CC00] =	vst v63  }
0xff: {  	_ =	swait.ge [sflag:s16], $0x4000  }
0x100: {  	[sflag:s16] =	ssyncset.done $0x0  }
0x101: {  	s7 =	rddreg [dreg:$0xb];
	[sflag:s16] =	ssyncadd.s32 $0xFFFFC000  }
0x102: {  	[spmem:s1] =	stream.indirect.scatter.add.f32 [tilespmem:s14], [sflag:$0x5], $0x80, s7, s12, $0xb8;
	[tilespmem:$0x1CC00] =	vst v63  }
0x103: {  	_ =	swait.ge [sflag:s9], $0x4000  }
0x104: {  	[sflag:s9] =	ssyncset.done $0x0  }
0x105: {  	s7 =	rddreg [dreg:$0xc];
	[sflag:s9] =	ssyncadd.s32 $0xFFFFC000  }
0x106: {  	[tilespmem:s14], [sflag:$0x2] =	stream.indirect.gather [hbm4b:s3+s12], $0x80, s7, s12, $0xb8;
	[tilespmem:$0x1CC00] =	vst v63  }
0x107: {  	_ =	swait.ge [sflag:s15], $0x4000  }
0x108: {  	[sflag:s15] =	ssyncset.done $0x0  }
0x109: {  	s7 =	rddreg [dreg:$0xd];
	[sflag:s15] =	ssyncadd.s32 $0xFFFFC000  }
0x10a: {  	[spmem:s1] =	stream.indirect.scatter.add.f32 [tilespmem:s13], [sflag:$0x5], $0x80, s7, s12, $0xb8;
	[tilespmem:$0x1CC00] =	vst v63  }
0x10b: {  	_ =	swait.ge [sflag:s9], $0x4000  }
0x10c: {  	[sflag:s9] =	ssyncset.done $0x0  }
0x10d: {  	s7 =	rddreg [dreg:$0xe];
	[sflag:s9] =	ssyncadd.s32 $0xFFFFC000  }
0x10e: {  	[tilespmem:s13], [sflag:$0x1] =	stream.indirect.gather [hbm4b:s3+s12], $0x80, s7, s12, $0xb8;
	[tilespmem:$0x1CC00] =	vst v63  }
0x10f: {  	_ =	swait.ge [sflag:s16], $0x4000  }
0x110: {  	[sflag:s16] =	ssyncset.done $0x0  }
0x111: {  	s7 =	rddreg [dreg:$0xf];
	[sflag:s16] =	ssyncadd.s32 $0xFFFFC000  }
0x112: {  	[spmem:s1] =	stream.indirect.scatter.add.f32 [tilespmem:s14], [sflag:$0x5], $0x80, s7, s12, $0xb8;
	[tilespmem:$0x1CC00] =	vst v63  }
0x113: {  	_ =	swait.ge [sflag:s9], $0x4000  }
0x114: {  	[sflag:s9] =	ssyncset.done $0x0  }
0x115: {  	s7 =	rddreg [dreg:$0x10];
	[sflag:s9] =	ssyncadd.s32 $0xFFFFC000  }
0x116: {  	[tilespmem:s14], [sflag:$0x2] =	stream.indirect.gather [hbm4b:s3+s12], $0x80, s7, s12, $0xb8;
	[tilespmem:$0x1CC00] =	vst v63  }
0x117: {  	_ =	swait.ge [sflag:s15], $0x4000  }
0x118: {  	[sflag:s15] =	ssyncset.done $0x0  }
0x119: {  	s7 =	rddreg [dreg:$0x11];
	[sflag:s15] =	ssyncadd.s32 $0xFFFFC000  }
0x11a: {  	[spmem:s1] =	stream.indirect.scatter.add.f32 [tilespmem:s13], [sflag:$0x5], $0x80, s7, s12, $0xb8;
	[tilespmem:$0x1CC00] =	vst v63  }
0x11b: {  	_ =	swait.ge [sflag:s9], $0x4000  }
0x11c: {  	[sflag:s9] =	ssyncset.done $0x0  }
0x11d: {  	[sflag:s9] =	ssyncadd.s32 $0xFFFFC000  }
0x11e: {  	[tilespmem:s13], [sflag:$0x1] =	stream.indirect.gather [hbm4b:s3+s12], $0x80, s17, s12, $0xb8;
	[tilespmem:$0x1CC00] =	vst v63  }
0x11f: {  	_ =	swait.ge [sflag:s16], $0x4000  }
0x120: {  	[sflag:s16] =	ssyncset.done $0x0  }
0x121: {  	[sflag:s16] =	ssyncadd.s32 $0xFFFFC000  }
0x122: {  	[spmem:s1] =	stream.indirect.scatter.add.f32 [tilespmem:s14], [sflag:$0x5], $0x80, s18, s12, $0xb8;
	[tilespmem:$0x1CC00] =	vst v63  }
0x123: {  	_ =	swait.ge [sflag:s9], $0x4000  }
0x124: {  	[sflag:s9] =	ssyncset.done $0x0  }
0x125: {  	[sflag:s9] =	ssyncadd.s32 $0xFFFFC000  }
0x126: {  	[tilespmem:s14], [sflag:$0x2] =	stream.indirect.gather [hbm4b:s3+s12], $0x80, s19, s12, $0xb8;
	[tilespmem:$0x1CC00] =	vst v63  }
0x127: {  	_ =	swait.ge [sflag:s15], $0x4000  }
0x128: {  	[sflag:s15] =	ssyncset.done $0x0  }
0x129: {  	[sflag:s15] =	ssyncadd.s32 $0xFFFFC000  }
0x12a: {  	[spmem:s1] =	stream.indirect.scatter.add.f32 [tilespmem:s13], [sflag:$0x5], $0x80, s20, s12, $0xb8;
	[tilespmem:$0x1CC00] =	vst v63  }
0x12b: {  	_ =	swait.ge [sflag:s9], $0x4000  }
0x12c: {  	[sflag:s9] =	ssyncset.done $0x0  }
0x12d: {  	[sflag:s9] =	ssyncadd.s32 $0xFFFFC000  }
0x12e: {  	[tilespmem:s13], [sflag:$0x1] =	stream.indirect.gather [hbm4b:s3+s12], $0x80, s21, s12, $0xb8;
	[tilespmem:$0x1CC00] =	vst v63  }
0x12f: {  	_ =	swait.ge [sflag:s16], $0x4000  }
0x130: {  	[sflag:s16] =	ssyncset.done $0x0  }
0x131: {  	[sflag:s16] =	ssyncadd.s32 $0xFFFFC000  }
0x132: {  	[spmem:s1] =	stream.indirect.scatter.add.f32 [tilespmem:s14], [sflag:$0x5], $0x80, s22, s12, $0xb8;
	[tilespmem:$0x1CC00] =	vst v63  }
0x133: {  	_ =	swait.ge [sflag:s9], $0x4000  }
0x134: {  	[sflag:s9] =	ssyncset.done $0x0  }
0x135: {  	[sflag:s9] =	ssyncadd.s32 $0xFFFFC000  }
0x136: {  	[tilespmem:s14], [sflag:$0x2] =	stream.indirect.gather [hbm4b:s3+s12], $0x80, s23, s12, $0xb8;
	[tilespmem:$0x1CC00] =	vst v63  }
0x137: {  	_ =	swait.ge [sflag:s15], $0x4000  }
0x138: {  	[sflag:s15] =	ssyncset.done $0x0  }
0x139: {  	[sflag:s15] =	ssyncadd.s32 $0xFFFFC000  }
0x13a: {  	[spmem:s1] =	stream.indirect.scatter.add.f32 [tilespmem:s13], [sflag:$0x5], $0x80, s24, s12, $0xb8;
	[tilespmem:$0x1CC00] =	vst v63  }
0x13b: {  	_ =	swait.ge [sflag:s9], $0x4000  }
0x13c: {  	[sflag:s9] =	ssyncset.done $0x0  }
0x13d: {  	[sflag:s9] =	ssyncadd.s32 $0xFFFFC000  }
0x13e: {  	[tilespmem:s13], [sflag:$0x1] =	stream.indirect.gather [hbm4b:s3+s12], $0x80, s25, s12, $0xb8;
	[tilespmem:$0x1CC00] =	vst v63  }
0x13f: {  	_ =	swait.ge [sflag:s16], $0x4000  }
0x140: {  	[sflag:s16] =	ssyncset.done $0x0  }
0x141: {  	[sflag:s16] =	ssyncadd.s32 $0xFFFFC000  }
0x142: {  	[spmem:s1] =	stream.indirect.scatter.add.f32 [tilespmem:s14], [sflag:$0x5], $0x80, s26, s12, $0xb8;
	[tilespmem:$0x1CC00] =	vst v63  }
0x143: {  	_ =	swait.ge [sflag:s9], $0x4000  }
0x144: {  	[sflag:s9] =	ssyncset.done $0x0  }
0x145: {  	[sflag:s9] =	ssyncadd.s32 $0xFFFFC000  }
0x146: {  	[tilespmem:s14], [sflag:$0x2] =	stream.indirect.gather [hbm4b:s3+s12], $0x80, s28, s12, $0xb8;
	[tilespmem:$0x1CC00] =	vst v63  }
0x147: {  	_ =	swait.ge [sflag:s15], $0x4000  }
0x148: {  	[sflag:s15] =	ssyncset.done $0x0  }
0x149: {  	[sflag:s15] =	ssyncadd.s32 $0xFFFFC000  }
0x14a: {  	[spmem:s1] =	stream.indirect.scatter.add.f32 [tilespmem:s13], [sflag:$0x5], $0x80, s29, s12, $0xb8;
	[tilespmem:$0x1CC00] =	vst v63  }
0x14b: {  	_ =	swait.ge [sflag:s9], $0x4000  }
0x14c: {  	[sflag:s9] =	ssyncset.done $0x0  }
0x14d: {  	[sflag:s9] =	ssyncadd.s32 $0xFFFFC000  }
0x14e: {  	[tilespmem:s13], [sflag:$0x1] =	stream.indirect.gather [hbm4b:s3+s12], $0x80, s30, s12, $0xb8;
	[tilespmem:$0x1CC00] =	vst v63  }
0x14f: {  	_ =	swait.ge [sflag:s16], $0x4000  }
0x150: {  	[sflag:s16] =	ssyncset.done $0x0  }
0x151: {  	[sflag:s16] =	ssyncadd.s32 $0xFFFFC000  }
0x152: {  	[spmem:s1] =	stream.indirect.scatter.add.f32 [tilespmem:s14], [sflag:$0x5], $0x80, s31, s12, $0xb8;
	[tilespmem:$0x1CC00] =	vst v63  }
0x153: {  	_ =	swait.ge [sflag:s9], $0x4000  }
0x154: {  	[sflag:s9] =	ssyncset.done $0x0  }
0x155: {  	[sflag:s9] =	ssyncadd.s32 $0xFFFFC000  }
0x156: {  	[tilespmem:s14], [sflag:$0x2] =	stream.indirect.gather [hbm4b:s3+s12], $0x80, s0, s12, $0xb8;
	[tilespmem:$0x1CC00] =	vst v63  }
0x157: {  	_ =	swait.ge [sflag:s15], $0x4000  }
0x158: {  	[sflag:s15] =	ssyncset.done $0x0  }
0x159: {  	[sflag:s15] =	ssyncadd.s32 $0xFFFFC000  }
0x15a: {  	[spmem:s1] =	stream.indirect.scatter.add.f32 [tilespmem:s13], [sflag:$0x5], $0x80, s4, s12, $0xb8;
	[tilespmem:$0x1CC00] =	vst v63  }
0x15b: {  	_ =	swait.ge [sflag:s9], $0x4000  }
0x15c: {  	[sflag:s9] =	ssyncset.done $0x0  }
0x15d: {  	[sflag:s9] =	ssyncadd.s32 $0xFFFFC000  }
0x15e: {  	p1 =	sne.s32 s10, $0x400;
	_ =	swait.ge [sflag:s16], $0x4000  }
.Ltmp4:
0x15f: {  	[sflag:s16] =	ssyncset.done $0x0;
	(pc) =	sbr.rel @p1 .LBB2_5-.Ltmp4, $4  }
0x160: {  	[sflag:s16] =	ssyncadd.s32 $0xFFFFC000  }
0x161: {  	[spmem:s1] =	stream.indirect.scatter.add.f32 [tilespmem:s14], [sflag:$0x5], $0x80, s6, s12, $0xb8;
	[tilespmem:$0x1CC00] =	vst v63  }
0x162: {  	s5 =	smov.u32 s10;
	s10 =	sadd.s32 $0x100, s10;
	_ =	swait.ge [sflag:s9], $0x4000  }
0x163: {  	s8 =	smov.u32 s5;
	s7 =	rddreg [dreg:$0x5];
	[sflag:s9] =	ssyncset.done $0x0  }
0x164: {  	[sflag:s9] =	ssyncadd.s32 $0xFFFFC000;
	s5 =	sadd.s32 s8, s7  }
0x165: {  	[tilespmem:s2], [sflag:$0x5] =	stream.linear.gather [hbm4b:s5+s2], $0x800, $0x38;
	[tilespmem:$0x1CC00] =	vst v63  }
0x166: {  	_ =	swait.ge [sflag:s9], $0x800  }
0x167: {  	s7 =	rddreg [dreg:$0x4];
	[sflag:s9] =	ssyncset.done $0x0  }
0x168: {  	[sflag:s9] =	ssyncadd.s32 $0xFFFFF800;
	s5 =	sadd.s32 s8, s7  }
0x169: {  	[tilespmem:s11], [sflag:$0x5] =	stream.linear.gather [hbm4b:s5+s2], $0x800, $0x38;
	[tilespmem:$0x1CC00] =	vst v63  }
0x16a: {  	_ =	swait.ge [sflag:s9], $0x800  }
0x16b: {  	[sflag:s9] =	ssyncset.done $0x0  }
0x16c: {  	[sflag:s9] =	ssyncadd.s32 $0xFFFFF800  }
0x16d: {  	[tilespmem:s13], [sflag:$0x1] =	stream.indirect.gather [hbm4b:s3+s12], $0x80, s2, s12, $0xb8;
	[tilespmem:$0x1CC00] =	vst v63  }
0x16e: {  	_ = 	snop  }
0x16f: {  	[tilespmem:s14], [sflag:$0x2] =	stream.indirect.gather [hbm4b:s3+s12], $0x80, s12, s12, $0xb8;
	[tilespmem:$0x1CC00] =	vst v63  }
0x170: {  	_ =	swait.ge [sflag:s15], $0x4000  }
0x171: {  	[sflag:s15] =	ssyncset.done $0x0  }
0x172: {  	[sflag:s15] =	ssyncadd.s32 $0xFFFFC000  }
0x173: {  	[spmem:s1] =	stream.indirect.scatter.add.f32 [tilespmem:s13], [sflag:$0x5], $0x80, s11, s12, $0xb8;
	[tilespmem:$0x1CC00] =	vst v63  }
0x174: {  	_ =	swait.ge [sflag:s9], $0x4000  }
0x175: {  	[sflag:s9] =	ssyncset.done $0x0  }
0x176: {  	s10 =	rddreg [dreg:$0x6];
	[sflag:s9] =	ssyncadd.s32 $0xFFFFC000  }
0x177: {  	[tilespmem:s13], [sflag:$0x1] =	stream.indirect.gather [hbm4b:s3+s12], $0x80, s10, s12, $0xb8;
	[tilespmem:$0x1CC00] =	vst v63  }
0x178: {  	_ =	swait.ge [sflag:s16], $0x4000  }
0x179: {  	[sflag:s16] =	ssyncset.done $0x0  }
0x17a: {  	s7 =	rddreg [dreg:$0x7];
	[sflag:s16] =	ssyncadd.s32 $0xFFFFC000  }
0x17b: {  	[spmem:s1] =	stream.indirect.scatter.add.f32 [tilespmem:s14], [sflag:$0x5], $0x80, s7, s12, $0xb8;
	[tilespmem:$0x1CC00] =	vst v63  }
0x17c: {  	_ =	swait.ge [sflag:s9], $0x4000  }
0x17d: {  	[sflag:s9] =	ssyncset.done $0x0  }
0x17e: {  	s8 =	rddreg [dreg:$0x8];
	[sflag:s9] =	ssyncadd.s32 $0xFFFFC000  }
0x17f: {  	[tilespmem:s14], [sflag:$0x2] =	stream.indirect.gather [hbm4b:s3+s12], $0x80, s8, s12, $0xb8;
	[tilespmem:$0x1CC00] =	vst v63  }
0x180: {  	_ =	swait.ge [sflag:s15], $0x4000  }
0x181: {  	[sflag:s15] =	ssyncset.done $0x0  }
0x182: {  	s10 =	rddreg [dreg:$0x9];
	[sflag:s15] =	ssyncadd.s32 $0xFFFFC000  }
0x183: {  	[spmem:s1] =	stream.indirect.scatter.add.f32 [tilespmem:s13], [sflag:$0x5], $0x80, s10, s12, $0xb8;
	[tilespmem:$0x1CC00] =	vst v63  }
0x184: {  	_ =	swait.ge [sflag:s9], $0x4000  }
0x185: {  	[sflag:s9] =	ssyncset.done $0x0  }
0x186: {  	s7 =	rddreg [dreg:$0xa];
	[sflag:s9] =	ssyncadd.s32 $0xFFFFC000  }
0x187: {  	[tilespmem:s13], [sflag:$0x1] =	stream.indirect.gather [hbm4b:s3+s12], $0x80, s7, s12, $0xb8;
	[tilespmem:$0x1CC00] =	vst v63  }
0x188: {  	_ =	swait.ge [sflag:s16], $0x4000  }
0x189: {  	[sflag:s16] =	ssyncset.done $0x0  }
0x18a: {  	s8 =	rddreg [dreg:$0xb];
	[sflag:s16] =	ssyncadd.s32 $0xFFFFC000  }
0x18b: {  	[spmem:s1] =	stream.indirect.scatter.add.f32 [tilespmem:s14], [sflag:$0x5], $0x80, s8, s12, $0xb8;
	[tilespmem:$0x1CC00] =	vst v63  }
0x18c: {  	_ =	swait.ge [sflag:s9], $0x4000  }
0x18d: {  	[sflag:s9] =	ssyncset.done $0x0  }
0x18e: {  	s10 =	rddreg [dreg:$0xc];
	[sflag:s9] =	ssyncadd.s32 $0xFFFFC000  }
0x18f: {  	[tilespmem:s14], [sflag:$0x2] =	stream.indirect.gather [hbm4b:s3+s12], $0x80, s10, s12, $0xb8;
	[tilespmem:$0x1CC00] =	vst v63  }
0x190: {  	_ =	swait.ge [sflag:s15], $0x4000  }
0x191: {  	[sflag:s15] =	ssyncset.done $0x0  }
0x192: {  	s7 =	rddreg [dreg:$0xd];
	[sflag:s15] =	ssyncadd.s32 $0xFFFFC000  }
0x193: {  	[spmem:s1] =	stream.indirect.scatter.add.f32 [tilespmem:s13], [sflag:$0x5], $0x80, s7, s12, $0xb8;
	[tilespmem:$0x1CC00] =	vst v63  }
0x194: {  	_ =	swait.ge [sflag:s9], $0x4000  }
0x195: {  	[sflag:s9] =	ssyncset.done $0x0  }
0x196: {  	s8 =	rddreg [dreg:$0xe];
	[sflag:s9] =	ssyncadd.s32 $0xFFFFC000  }
0x197: {  	[tilespmem:s13], [sflag:$0x1] =	stream.indirect.gather [hbm4b:s3+s12], $0x80, s8, s12, $0xb8;
	[tilespmem:$0x1CC00] =	vst v63  }
0x198: {  	_ =	swait.ge [sflag:s16], $0x4000  }
0x199: {  	[sflag:s16] =	ssyncset.done $0x0  }
0x19a: {  	s10 =	rddreg [dreg:$0xf];
	[sflag:s16] =	ssyncadd.s32 $0xFFFFC000  }
0x19b: {  	[spmem:s1] =	stream.indirect.scatter.add.f32 [tilespmem:s14], [sflag:$0x5], $0x80, s10, s12, $0xb8;
	[tilespmem:$0x1CC00] =	vst v63  }
0x19c: {  	_ =	swait.ge [sflag:s9], $0x4000  }
0x19d: {  	[sflag:s9] =	ssyncset.done $0x0  }
0x19e: {  	s7 =	rddreg [dreg:$0x10];
	[sflag:s9] =	ssyncadd.s32 $0xFFFFC000  }
0x19f: {  	[tilespmem:s14], [sflag:$0x2] =	stream.indirect.gather [hbm4b:s3+s12], $0x80, s7, s12, $0xb8;
	[tilespmem:$0x1CC00] =	vst v63  }
0x1a0: {  	_ =	swait.ge [sflag:s15], $0x4000  }
0x1a1: {  	[sflag:s15] =	ssyncset.done $0x0  }
0x1a2: {  	s8 =	rddreg [dreg:$0x11];
	[sflag:s15] =	ssyncadd.s32 $0xFFFFC000  }
0x1a3: {  	[spmem:s1] =	stream.indirect.scatter.add.f32 [tilespmem:s13], [sflag:$0x5], $0x80, s8, s12, $0xb8;
	[tilespmem:$0x1CC00] =	vst v63  }
0x1a4: {  	_ =	swait.ge [sflag:s9], $0x4000  }
0x1a5: {  	[sflag:s9] =	ssyncset.done $0x0  }
0x1a6: {  	[sflag:s9] =	ssyncadd.s32 $0xFFFFC000  }
0x1a7: {  	[tilespmem:s13], [sflag:$0x1] =	stream.indirect.gather [hbm4b:s3+s12], $0x80, s17, s12, $0xb8;
	[tilespmem:$0x1CC00] =	vst v63  }
0x1a8: {  	_ =	swait.ge [sflag:s16], $0x4000  }
0x1a9: {  	[sflag:s16] =	ssyncset.done $0x0  }
0x1aa: {  	[sflag:s16] =	ssyncadd.s32 $0xFFFFC000  }
0x1ab: {  	[spmem:s1] =	stream.indirect.scatter.add.f32 [tilespmem:s14], [sflag:$0x5], $0x80, s18, s12, $0xb8;
	[tilespmem:$0x1CC00] =	vst v63  }
0x1ac: {  	_ =	swait.ge [sflag:s9], $0x4000  }
0x1ad: {  	[sflag:s9] =	ssyncset.done $0x0  }
0x1ae: {  	[sflag:s9] =	ssyncadd.s32 $0xFFFFC000  }
0x1af: {  	[tilespmem:s14], [sflag:$0x2] =	stream.indirect.gather [hbm4b:s3+s12], $0x80, s19, s12, $0xb8;
	[tilespmem:$0x1CC00] =	vst v63  }
0x1b0: {  	_ =	swait.ge [sflag:s15], $0x4000  }
0x1b1: {  	[sflag:s15] =	ssyncset.done $0x0  }
0x1b2: {  	[sflag:s15] =	ssyncadd.s32 $0xFFFFC000  }
0x1b3: {  	[spmem:s1] =	stream.indirect.scatter.add.f32 [tilespmem:s13], [sflag:$0x5], $0x80, s20, s12, $0xb8;
	[tilespmem:$0x1CC00] =	vst v63  }
0x1b4: {  	_ =	swait.ge [sflag:s9], $0x4000  }
0x1b5: {  	[sflag:s9] =	ssyncset.done $0x0  }
0x1b6: {  	[sflag:s9] =	ssyncadd.s32 $0xFFFFC000  }
0x1b7: {  	[tilespmem:s13], [sflag:$0x1] =	stream.indirect.gather [hbm4b:s3+s12], $0x80, s21, s12, $0xb8;
	[tilespmem:$0x1CC00] =	vst v63  }
0x1b8: {  	_ =	swait.ge [sflag:s16], $0x4000  }
0x1b9: {  	[sflag:s16] =	ssyncset.done $0x0  }
0x1ba: {  	[sflag:s16] =	ssyncadd.s32 $0xFFFFC000  }
0x1bb: {  	[spmem:s1] =	stream.indirect.scatter.add.f32 [tilespmem:s14], [sflag:$0x5], $0x80, s22, s12, $0xb8;
	[tilespmem:$0x1CC00] =	vst v63  }
0x1bc: {  	_ =	swait.ge [sflag:s9], $0x4000  }
0x1bd: {  	[sflag:s9] =	ssyncset.done $0x0  }
0x1be: {  	[sflag:s9] =	ssyncadd.s32 $0xFFFFC000  }
0x1bf: {  	[tilespmem:s14], [sflag:$0x2] =	stream.indirect.gather [hbm4b:s3+s12], $0x80, s23, s12, $0xb8;
	[tilespmem:$0x1CC00] =	vst v63  }
0x1c0: {  	_ =	swait.ge [sflag:s15], $0x4000  }
0x1c1: {  	[sflag:s15] =	ssyncset.done $0x0  }
0x1c2: {  	[sflag:s15] =	ssyncadd.s32 $0xFFFFC000  }
0x1c3: {  	[spmem:s1] =	stream.indirect.scatter.add.f32 [tilespmem:s13], [sflag:$0x5], $0x80, s24, s12, $0xb8;
	[tilespmem:$0x1CC00] =	vst v63  }
0x1c4: {  	_ =	swait.ge [sflag:s9], $0x4000  }
0x1c5: {  	[sflag:s9] =	ssyncset.done $0x0  }
0x1c6: {  	[sflag:s9] =	ssyncadd.s32 $0xFFFFC000  }
0x1c7: {  	[tilespmem:s13], [sflag:$0x1] =	stream.indirect.gather [hbm4b:s3+s12], $0x80, s25, s12, $0xb8;
	[tilespmem:$0x1CC00] =	vst v63  }
0x1c8: {  	_ =	swait.ge [sflag:s16], $0x4000  }
0x1c9: {  	[sflag:s16] =	ssyncset.done $0x0  }
0x1ca: {  	[sflag:s16] =	ssyncadd.s32 $0xFFFFC000  }
0x1cb: {  	[spmem:s1] =	stream.indirect.scatter.add.f32 [tilespmem:s14], [sflag:$0x5], $0x80, s26, s12, $0xb8;
	[tilespmem:$0x1CC00] =	vst v63  }
0x1cc: {  	_ =	swait.ge [sflag:s9], $0x4000  }
0x1cd: {  	[sflag:s9] =	ssyncset.done $0x0  }
0x1ce: {  	[sflag:s9] =	ssyncadd.s32 $0xFFFFC000  }
0x1cf: {  	[tilespmem:s14], [sflag:$0x2] =	stream.indirect.gather [hbm4b:s3+s12], $0x80, s28, s12, $0xb8;
	[tilespmem:$0x1CC00] =	vst v63  }
0x1d0: {  	_ =	swait.ge [sflag:s15], $0x4000  }
0x1d1: {  	[sflag:s15] =	ssyncset.done $0x0  }
0x1d2: {  	[sflag:s15] =	ssyncadd.s32 $0xFFFFC000  }
0x1d3: {  	[spmem:s1] =	stream.indirect.scatter.add.f32 [tilespmem:s13], [sflag:$0x5], $0x80, s29, s12, $0xb8;
	[tilespmem:$0x1CC00] =	vst v63  }
0x1d4: {  	_ =	swait.ge [sflag:s9], $0x4000  }
0x1d5: {  	[sflag:s9] =	ssyncset.done $0x0  }
0x1d6: {  	[sflag:s9] =	ssyncadd.s32 $0xFFFFC000  }
0x1d7: {  	[tilespmem:s13], [sflag:$0x1] =	stream.indirect.gather [hbm4b:s3+s12], $0x80, s30, s12, $0xb8;
	[tilespmem:$0x1CC00] =	vst v63  }
0x1d8: {  	_ =	swait.ge [sflag:s16], $0x4000  }
0x1d9: {  	[sflag:s16] =	ssyncset.done $0x0  }
0x1da: {  	[sflag:s16] =	ssyncadd.s32 $0xFFFFC000  }
0x1db: {  	[spmem:s1] =	stream.indirect.scatter.add.f32 [tilespmem:s14], [sflag:$0x5], $0x80, s31, s12, $0xb8;
	[tilespmem:$0x1CC00] =	vst v63  }
0x1dc: {  	_ =	swait.ge [sflag:s9], $0x4000  }
0x1dd: {  	[sflag:s9] =	ssyncset.done $0x0  }
0x1de: {  	[sflag:s9] =	ssyncadd.s32 $0xFFFFC000  }
0x1df: {  	[tilespmem:s14], [sflag:$0x2] =	stream.indirect.gather [hbm4b:s3+s12], $0x80, s0, s12, $0xb8;
	[tilespmem:$0x1CC00] =	vst v63  }
0x1e0: {  	_ =	swait.ge [sflag:s15], $0x4000  }
0x1e1: {  	[sflag:s15] =	ssyncset.done $0x0  }
0x1e2: {  	[sflag:s15] =	ssyncadd.s32 $0xFFFFC000  }
0x1e3: {  	[spmem:s1] =	stream.indirect.scatter.add.f32 [tilespmem:s13], [sflag:$0x5], $0x80, s4, s12, $0xb8;
	[tilespmem:$0x1CC00] =	vst v63  }
0x1e4: {  	_ =	swait.ge [sflag:s9], $0x4000  }
0x1e5: {  	[sflag:s9] =	ssyncset.done $0x0  }
0x1e6: {  	[sflag:s9] =	ssyncadd.s32 $0xFFFFC000  }
0x1e7: {  	_ =	swait.ge [sflag:s16], $0x4000  }
0x1e8: {  	[sflag:s16] =	ssyncset.done $0x0  }
0x1e9: {  	[sflag:s16] =	ssyncadd.s32 $0xFFFFC000  }
0x1ea: {  	[spmem:s1] =	stream.indirect.scatter.add.f32 [tilespmem:s14], [sflag:$0x5], $0x80, s6, s12, $0xb8;
	[tilespmem:$0x1CC00] =	vst v63  }
0x1eb: {  	_ =	swait.ge [sflag:s9], $0x4000  }
0x1ec: {  	[sflag:s9] =	ssyncset.done $0x0  }
0x1ed: {  	[sflag:s9] =	ssyncadd.s32 $0xFFFFC000  }
0x1ee: {  	s10 =	simm.s32 $0x4;
	[bflag:$0x0] =	sbarrier.arrive $0xFFFF  }
0x1ef: {  	[sflag:s10] =	ssyncset.done $0x0  }
0x1f0: {  	[smem:s15], [sflag:$0x4] =	smem.add.s32 $0x1  }
0x1f1: {  	_ =	swait.done [sflag:s10]  }
0x1f2: {  	[sflag:s10] =	ssyncset.s32 $0x0  }
0x1f3: {  	s7 =	simm.s32 $0x0;
	[sflag:s10] =	ssyncset.done $0x0;
	s10 =	rddreg [dreg:$0x16]  }
0x1f4: {  	s8 =	simm.s32 $0x18F;
	[smem:$0x5] =	sst s7  }
.LBB2_8:
0x1f5: {  	p1 =	sne.s32 s7, $0x0  }
0x1f6: {  	s5 =	simm.s32 @!p1 $0x5  }
0x1f7: {  	[sflag:s5] =	ssyncset.done @!p1 $0x0  }
0x1f8: {  	[smem:s15], [sflag:$0x5] =	smem.add.s32 @!p1 $0x0  }
0x1f9: {  	_ =	swait.done @!p1 [sflag:s5]  }
0x1fa: {  	s7 =	ssyncread @!p1 [sflag:$0x5];
	_ =	sdelay $0x2  }
0x1fb: {  	[sflag:s5] =	ssyncset.s32 @!p1 $0x0;
	p2 =	slt.s32 @!p1 s7, $0x10  }
0x1fc: {  	[sflag:s5] =	ssyncset.done @!p1 $0x0;
	p2 =	por p2, p1;
	p1 =	sne.s32 s8, $0x0  }
.Ltmp5:
0x1fd: {  	_ = 	snop;
	(pc) =	sbr.rel @!p1 .LBB2_9-.Ltmp5, $3  }
0x1fe: {  	_ =	sdelay $0x1  }
0x1ff: {  	s5 =	simm.s32 @!p2 $0x1  }
0x200: {  	[smem:$0x5] =	sst @!p2 s5  }
.Ltmp6:
0x201: {  	(pc) =	sbr.rel .LBB2_8-.Ltmp6, $3  }
0x202: {  	_ = 	snop  }
0x203: {  	s7 =	sld [smem:$0x5];
	_ =	sdelay $0x1  }
0x204: {  	s8 =	sadd.s32 $0xFFFFFFFF, s8  }
.LBB2_10:
0x205: {  	_ =	sfence.sel $0x180000  }
0x206: {  	[bflag:$0x0] =	sbarrier.arrive $0xFFFF  }
0x207: {  	_ =	strace $0x9000004D  }
0x208: {  	[bflag:$0x2] =	sbarrier.arrive $0xFFFF  }
0x209: {  	s0 =	rddreg [dreg:$0x3]  }
0x20a: {  	s0 =	sadd.s32 @!p0 $0x100000, s0  }
0x20b: {  	[sflag:s0] =	ssyncadd.tile.s32 @!p0 $0x1;
	_ =	shalt  }
.Lfunc_end2:
_tile_overlayer_lowered:
.L_overlay_start_2:
0x20c: {  	(tag) =	ssettag $0x2  }
0x20d: {  	s0 =	rddreg [dreg:$0x0];
	s2 =	stileid.u32  }
0x20e: {  	s1 =	rddreg [dreg:$0x1];
	p0 =	sne.s32 s2, $0x0  }
0x20f: {  	s3 =	rddreg [dreg:$0x2];
	[bflag:$0x3] =	sbarrier.arrive $0xFFFF;
	s2 =	simm.s32 @!p0 $0x1C03  }
0x210: {  	[timem:s3], [sflag:s2] =	dma.local @!p0 [hbm:s0], s1  }
0x211: {  	s0 =	simm.s32 @!p0 $0x3  }
0x212: {  	_ =	swait.ge @!p0 [sflag:s0], s1  }
0x213: {  	s1 =	ssub.s32 @!p0 $0x0, s1;
	[sflag:s0] =	ssyncset.done @!p0 $0x0  }
0x214: {  	[sflag:s0] =	ssyncadd.s32 @!p0 s1  }
0x215: {  	[bflag:$0x3] =	sbarrier.arrive $0xFFFF  }
0x216: {  	_ =	shalt  }

// kernel: kernel.8.cloned.1.call-start
scs
__scs_entry_jumppad:
0x0: {  	(pc) =	sbr.rel $0x88, $3  }
0x1: {  	(tag) =	ssettag $0x0;
	lr =	simm.s32 $0x1  }
0x2: {  	[smem:$0x3F9B] =	sst lr;
	_ =	strace $0xD0000000  }
0x3: {  	_ = 	snop  }
0x4: {  	_ = 	snop  }
0x5: {  	_ = 	snop  }
0x6: {  	_ = 	snop  }
0x7: {  	_ = 	snop  }
__scs_overlays_trampoline_lowered:
0x8: {  	[smem:$0x3FAA] =	sst s0  }
0x9: {  	[smem:$0x3FAB] =	sst s1  }
0xa: {  	[smem:$0x3FAC] =	sst s2  }
0xb: {  	[smem:$0x3FAD] =	sst s3  }
0xc: {  	[smem:$0x3FAE] =	sst s4  }
0xd: {  	[smem:$0x3FAF] =	sst s5  }
0xe: {  	[smem:$0x3FB0] =	sst s6  }
0xf: {  	[smem:$0x3FB1] =	sst s7  }
0x10: {  	[smem:$0x3FB2] =	sst s8  }
0x11: {  	[smem:$0x3FB3] =	sst s9;
	s0 =	simm.s32 @!p0 $0x0  }
0x12: {  	s1 =	sld [smem:$0x3F99];
	s0 =	simm.s32 @p0 $0x1  }
0x13: {  	[smem:$0x3FB4] =	sst s0;
	s0 =	simm.s32 @!p1 $0x0  }
0x14: {  	s2 =	sld [smem:$0x3F98];
	s0 =	simm.s32 @p1 $0x1  }
0x15: {  	[smem:$0x3FB5] =	sst s0;
	s0 =	simm.s32 @!p2 $0x0  }
0x16: {  	s3 =	sld [smem:$0x3FDB];
	s0 =	simm.s32 @p2 $0x1  }
0x17: {  	s4 =	simm.s32 $0x1BF5;
	[smem:$0x3FB7] =	sst s0  }
0x18: {  	s0 =	sld [smem:$0x3F9A];
	_ =	swait.ge [sflag:s4], $0x0  }
0x19: {  	s7 =	sld [smem:$0x3F9B]  }
0x1a: {  	s8 =	sadd.s32 $0xFFFFE003, lr  }
0x1b: {  	s9 =	sadd.s32 $0xFFFFFEF7, lr;
	s5 =	simm.s32 $0xFFFFFFFF;
	p2 =	slt.u32 s8, $0xFFFFF086  }
0x1c: {  	p1 =	slt.u32 s9, $0xF7A;
	s5 =	simm.s32 @!p2 $0x0  }
0x1d: {  	s5 =	simm.s32 @p1 $0x1;
	p0 =	seq.s32 s7, s2  }
0x1e: {  	s7 =	smul.u32 @!p0 $0xF7A, s2;
	p2 =	seq.s32 @!p0 s5, $0x0  }
0x1f: {  	s9 =	smul.u32 $0xF7A, s1;
	s8 =	simm.s32 @!p0 $0x1BF5;
	p2 =	por !p2, p0  }
0x20: {  	[sflag:s8] =	ssyncset.s32 @!p0 $0xFFFFF086;
	s6 =	sadd.s32 @!p0 s3, s7;
	s7 =	simm.s32 @!p0 $0x108  }
0x21: {  	s3 =	sadd.s32 s3, s9;
	s6 =	sadd.s32 @!p0 $0x88, s6;
	s7 =	simm.s32 @p2 $0x1082  }
0x22: {  	[simem:s7], [sflag:s8] =	dma.local @!p0 [hbm:s6], $0xF7A  }
0x23: {  	s9 =	sor.u32 $0xD0000000, s2;
	s6 =	simm.s32 $0x108;
	_ =	swait.ge @!p0 [sflag:s8], $0x0  }
0x24: {  	s3 =	sadd.s32 $0x88, s3;
	s6 =	simm.s32 @!p1 $0x1082;
	[sflag:s4] =	ssyncset.s32 $0xFFFFF086  }
0x25: {  	[simem:s6], [sflag:s4] =	dma.local [hbm:s3], $0xF7A  }
0x26: {  	[smem:$0x3F9B] =	sst s1;
	(tag) =	ssettag s2;
	_ =	strace s9  }
0x27: {  	s1 =	sld [smem:$0x3FAB]  }
0x28: {  	s2 =	sld [smem:$0x3FAC]  }
0x29: {  	s4 =	sld [smem:$0x3FAE]  }
0x2a: {  	p0 =	seq.s32 s5, $0x0;
	s5 =	sld [smem:$0x3FAF]  }
0x2b: {  	s6 =	sld [smem:$0x3FB0]  }
0x2c: {  	s7 =	sld [smem:$0x3FB1]  }
0x2d: {  	s3 =	simm.s32 $0x108;
	s8 =	sld [smem:$0x3FB2]  }
0x2e: {  	s3 =	simm.s32 @!p0 $0x1082;
	s9 =	sld [smem:$0x3FB3]  }
0x2f: {  	lr =	sadd.s32 s0, s3;
	s0 =	sld [smem:$0x3FAA]  }
0x30: {  	s3 =	sld [smem:$0x3FAD]  }
0x31: {  	[smem:$0x3FB6] =	sst s10  }
0x32: {  	s10 =	sld [smem:$0x3FB4];
	_ =	sdelay $0x3  }
0x33: {  	p0 =	seq.s32 s10, $0x1;
	s10 =	sld [smem:$0x3FB6];
	_ =	sdelay $0x3  }
0x34: {  	[smem:$0x3FB6] =	sst s10  }
0x35: {  	s10 =	sld [smem:$0x3FB5];
	_ =	sdelay $0x3  }
0x36: {  	p1 =	seq.s32 s10, $0x1;
	s10 =	sld [smem:$0x3FB6];
	_ =	sdelay $0x3  }
0x37: {  	[smem:$0x3FB6] =	sst s10  }
0x38: {  	s10 =	sld [smem:$0x3FB7]  }
0x39: {  	_ = 	snop;
	(pc) =	sbr.ind lr, $3  }
0x3a: {  	_ = 	snop  }
0x3b: {  	_ = 	snop  }
0x3c: {  	p2 =	seq.s32 s10, $0x1;
	s10 =	sld [smem:$0x3FB6]  }
0x3d: {  	_ =	shalt  }
0x3e: {  	_ =	shalt  }
0x3f: {  	_ =	shalt  }
0x40: {  	_ =	shalt  }
0x41: {  	_ =	shalt  }
0x42: {  	_ =	shalt  }
0x43: {  	_ =	shalt  }
0x44: {  	_ =	shalt  }
0x45: {  	_ =	shalt  }
0x46: {  	_ =	shalt  }
0x47: {  	_ =	shalt  }
0x48: {  	_ =	shalt  }
0x49: {  	_ =	shalt  }
0x4a: {  	_ =	shalt  }
0x4b: {  	_ =	shalt  }
0x4c: {  	_ =	shalt  }
0x4d: {  	_ =	shalt  }
0x4e: {  	_ =	shalt  }
0x4f: {  	_ =	shalt  }
0x50: {  	_ =	shalt  }
0x51: {  	_ =	shalt  }
0x52: {  	_ =	shalt  }
0x53: {  	_ =	shalt  }
0x54: {  	_ =	shalt  }
0x55: {  	_ =	shalt  }
0x56: {  	_ =	shalt  }
0x57: {  	_ =	shalt  }
0x58: {  	_ =	shalt  }
0x59: {  	_ =	shalt  }
0x5a: {  	_ =	shalt  }
0x5b: {  	_ =	shalt  }
0x5c: {  	_ =	shalt  }
0x5d: {  	_ =	shalt  }
0x5e: {  	_ =	shalt  }
0x5f: {  	_ =	shalt  }
0x60: {  	_ =	shalt  }
0x61: {  	_ =	shalt  }
0x62: {  	_ =	shalt  }
0x63: {  	_ =	shalt  }
0x64: {  	_ =	shalt  }
0x65: {  	_ =	shalt  }
0x66: {  	_ =	shalt  }
0x67: {  	_ =	shalt  }
0x68: {  	_ =	shalt  }
0x69: {  	_ =	shalt  }
0x6a: {  	_ =	shalt  }
0x6b: {  	_ =	shalt  }
0x6c: {  	_ =	shalt  }
0x6d: {  	_ =	shalt  }
0x6e: {  	_ =	shalt  }
0x6f: {  	_ =	shalt  }
0x70: {  	_ =	shalt  }
0x71: {  	_ =	shalt  }
0x72: {  	_ =	shalt  }
0x73: {  	_ =	shalt  }
0x74: {  	_ =	shalt  }
0x75: {  	_ =	shalt  }
0x76: {  	_ =	shalt  }
0x77: {  	_ =	shalt  }
0x78: {  	_ =	shalt  }
0x79: {  	_ =	shalt  }
0x7a: {  	_ =	shalt  }
0x7b: {  	_ =	shalt  }
0x7c: {  	_ =	shalt  }
0x7d: {  	_ =	shalt  }
0x7e: {  	_ =	shalt  }
0x7f: {  	_ =	shalt  }
0x80: {  	_ =	shalt  }
0x81: {  	_ =	shalt  }
0x82: {  	_ =	shalt  }
0x83: {  	_ =	shalt  }
0x84: {  	_ =	shalt  }
0x85: {  	_ =	shalt  }
0x86: {  	_ =	shalt  }
0x87: {  	_ =	shalt  }
.Lfunc_end0:
.L_simem_size_0:
called_computation_lowered:
.L_overlay_start_0:
0x88: {  	s2 =	sld [smem:$0x3FD9]  }
0x89: {  	s3 =	sld [smem:$0x3FFE];
	_ =	sdelay $0x1  }
0x8a: {  	s1 =	srdreg.scid  }
0x8b: {  	s0 =	sand.u32 $0x1, s1  }
0x8c: {  	s14 =	sshll.u32 s0, $0xA;
	s2 =	sadd.s32 s3, s2  }
0x8d: {  	s2 =	sadd.s32 s2, s14  }
0x8e: {  	[smem:$0x3FC2] =	sst s2  }
0x8f: {  	_ = 	snop  }
0x90: {  	s2 =	sld [smem:$0x3FD0];
	_ =	sdelay $0x2  }
0x91: {  	s15 =	simm.s32 $0xA;
	s4 =	simm.s32 $0x10  }
0x92: {  	[smem:s4], [sflag:s15] =	dma.local [hbm:s2], $0x1  }
0x93: {  	_ =	swait.eq [sflag:s15], $0x1  }
0x94: {  	[sflag:s15] =	ssyncset.done $0x0  }
0x95: {  	s16 =	sld [smem:$0x10];
	[sflag:s15] =	ssyncadd.s32 $0xFFFFFFFF  }
0x96: {  	s17 =	sld [smem:$0x11];
	(tm) =	ssettm $0x1  }
0x97: {  	s18 =	sld [smem:$0x3FFB];
	_ =	sdelay $0x3  }
0x98: {  	_ =	strace s18  }
0x99: {  	s4 =	sld [smem:$0x3FFC];
	_ =	sdelay $0x3  }
0x9a: {  	_ =	strace s4  }
0x9b: {  	s4 =	sld [smem:$0x3FFD];
	_ =	sdelay $0x3  }
0x9c: {  	_ =	strace s4  }
0x9d: {  	_ =	strace $0x8FFFFFFF  }
0x9e: {  	s19 =	sld [smem:$0x3FDB];
	_ =	sdelay $0x1  }
0x9f: {  	s5 =	simm.s32 $_scs_section_size  }
0xa0: {  	s6 =	simm.s32 $_size__tile_overlayer_lowered;
	s7 =	simm.s32 $_tile_overlayer_lowered  }
0xa1: {  	s22 =	simm.s32 $0x1BFF;
	s21 =	sshll.u32 s7, $0x1;
	s4 =	sadd.s32 s5, s19  }
0xa2: {  	s8 =	simm.s32 $0x0;
	s20 =	sshll.u32 s6, $0x1;
	s6 =	sadd.s32 s21, s4  }
0xa3: {  	[timem:s8], [sflag:s22] =	dma.local [hbm:s6], s20  }
0xa4: {  	_ =	swait.ge [sflag:s22], s20  }
0xa5: {  	s5 =	ssub.s32 $0x0, s20;
	[sflag:s22] =	ssyncset.done $0x0  }
0xa6: {  	[sflag:s22] =	ssyncadd.s32 s5;
	_ =	sdelay $0x1  }
0xa7: {  	s23 =	simm.s32 $0x1B8B  }
0xa8: {  	_ =	swait.ge [sflag:s23], $0x1  }
0xa9: {  	[sflag:s23] =	ssyncset.done $0x0  }
0xaa: {  	s25 =	simm.s32 $0x1B8E;
	s24 =	sld [smem:$0x3FFE];
	[sflag:s23] =	ssyncadd.s32 $0xFFFFFFFF  }
0xab: {  	s26 =	simm.s32 $execute0_lowered;
	[smem:$0x3FD2] =	sst s25  }
0xac: {  	s6 =	sshll.u32 s26, $0x1;
	_ =	strace $0x80000046;
	[dreg:$0x1] =	wrdreg $0xFFFFFFFF  }
0xad: {  	s28 =	simm.s32 $_size_execute0_lowered;
	s4 =	sadd.s32 s4, s6;
	[dreg:$0x0] =	wrdreg $0x0  }
0xae: {  	s6 =	sshll.u32 s28, $0x1;
	[dreg:$0x2] =	wrdreg s4  }
0xaf: {  	[dreg:$0x3] =	wrdreg s6  }
0xb0: {  	[dreg:$0x4] =	wrdreg $0xC0  }
0xb1: {  	_ =	task [dreg:s8], $0x5FFFF  }
0xb2: {  	[dreg:$0x1] =	wrdreg $0xFFFFFFFF  }
0xb3: {  	[dreg:$0x0] =	wrdreg $0x60  }
0xb4: {  	[dreg:$0x2] =	wrdreg s16  }
0xb5: {  	[dreg:$0x3] =	wrdreg s24  }
0xb6: {  	[dreg:$0x4] =	wrdreg s17  }
0xb7: {  	[dreg:$0x5] =	wrdreg $0x68000  }
0xb8: {  	[dreg:$0x6] =	wrdreg $0x9  }
0xb9: {  	_ =	task.clear_ibuf [dreg:s8], $0x7FFFF;
	_ =	strace $0x90000046  }
0xba: {  	s29 =	simm.s32 $0x9;
	_ =	strace $0x80000048  }
0xbb: {  	_ =	swait.ge [sflag:s29], $0x1  }
0xbc: {  	[sflag:s29] =	ssyncadd.s32 $0xFFFFFFFF  }
0xbd: {  	_ =	strace $0x90000048  }
0xbe: {  	_ =	sfence  }
0xbf: {  	s30 =	sld [smem:$0x0];
	_ =	sdelay $0x2  }
0xc0: {  	s31 =	sshll.u32 s1, $0xD;
	s1 =	sshrl.u32 s1, $0x2  }
0xc1: {  	s3 =	sand.u32 $0x4000, s31;
	s1 =	sadd.s32 s1, s30  }
0xc2: {  	s0 =	sor.u32 s3, s0;
	s1 =	sshll.u32 s1, $0x11  }
0xc3: {  	s0 =	sor.u32 s1, s0  }
0xc4: {  	s0 =	sadd.s32 $0x8F2B, s0  }
0xc5: {  	[sflag:s0] =	ssyncadd.remote.s32 $0x1  }
0xc6: {  	_ =	sfence.sel $0xFFFF  }
0xc7: {  	[dreg:$0x0] =	wrdreg $0xFFFFFFFF;
	(pc) =	sbr.abs _section_cstart, $3  }
0xc8: {  	[dreg:$0x1] =	wrdreg $0xFFFFFFFF  }
0xc9: {  	_ =	task.clear_ibuf [dreg:s8], $0x2FFFF;
	_ =	strace $0x9FFFFFFF  }
0xca: {  	(tm) =	ssettm $0x7FFFFFFF  }
0xcb: {  	_ =	shalt  }
tec
execute0_lowered:
.L_overlay_start_1:
0x0: {  	(tag) =	ssettag $0x1  }
0x1: {  	s6 =	rddreg [dreg:$0x0]  }
0x2: {  	s4 =	rddreg [dreg:$0x1]  }
0x3: {  	s9 =	stileid.u32;
	s1 =	rddreg [dreg:$0x2]  }
0x4: {  	s0 =	srdreg.scid;
	s2 =	rddreg [dreg:$0x3]  }
0x5: {  	s3 =	simm.s32 $0x0;
	s13 =	simm.s32 $0x80;
	s14 =	simm.s32 $0x2  }
0x6: {  	s5 =	smul.u32 $0x13C00, s9;
	s7 =	sand.u32 $0x1, s0;
	s0 =	rddreg [dreg:$0x4]  }
0x7: {  	s15 =	simm.s32 $0x0;
	[smem:$0x7FF] =	sst s3;
	s11 =	smul.u32 $0x4F000, s9  }
0x8: {  	s31 =	sshll.u32 s9, $0x6;
	p0 =	sne.s32 s9, $0x0;
	s8 =	smul.u32 $0x13C000, s7  }
0x9: {  	_ =	strace $0x80000047;
	s26 =	ssub.s32 $0x2, s7;
	s7 =	sshll.u32 s7, $0x4  }
0xa: {  	s10 =	sshrl.u32 s5, $0x3;
	s28 =	sshrl.u32 s26, $0x1;
	s29 =	sor.u32 s9, s7  }
0xb: {  	s30 =	sshrl.u32 s11, $0x2;
	s5 =	sadd.s32 s5, s8;
	s7 =	smul.u32 $0x500, s29  }
.Ltmp0:
0xc: {  	s25 =	sadd.s32 s10, s4;
	s10 =	ssub.s32 s26, s28;
	(pc) =	sbr.rel .LBB2_1-.Ltmp0, $4  }
0xd: {  	s11 =	sadd.s32 s30, s2;
	s5 =	sshrl.u32 s5, $0x3;
	s8 =	smax.u32 s10, $0x1  }
0xe: {  	s9 =	sshrl.u32 s11, $0x3;
	s10 =	simm.s32 $0x3;
	s11 =	simm.s32 $0x2800  }
0xf: {  	s12 =	sadd.s32 s5, s4;
	s4 =	sadd.s32 $0x1E00, s25;
	s5 =	sor.u32 $0x1C03, s31  }
0x10: {  	s6 =	sadd.s32 s6, s7;
	s7 =	sadd.s32 $0x29600, s12;
	s12 =	simm.s32 $0x1  }
.LBB2_9:
0x11: {  	s15 =	sadd.s32 $0x1, s15  }
0x12: {  	p1 =	sne.s32 s15, s8  }
.Ltmp1:
0x13: {  	_ = 	snop;
	(pc) =	sbr.rel @!p1 .LBB2_10-.Ltmp1, $4  }
0x14: {  	[hbm:s7], [sflag:s5] =	dma.local [spmem:s9], $0x2780  }
0x15: {  	_ =	swait.ge [sflag:s10], $0x2780  }
0x16: {  	[sflag:s10] =	ssyncset.done $0x0  }
0x17: {  	[sflag:s10] =	ssyncadd.s32 $0xFFFFD880  }
.LBB2_1:
0x18: {  	s16 =	simm.s32 @!p0 $0x0  }
0x19: {  	[smem:$0x0] =	sst @!p0 s16  }
0x1a: {  	[smem:$0x1] =	sst @!p0 s16  }
0x1b: {  	[smem:$0x2] =	sst @!p0 s16  }
0x1c: {  	[smem:$0x3] =	sst @!p0 s16  }
0x1d: {  	[smem:$0x4] =	sst @!p0 s16  }
0x1e: {  	[smem:$0x5] =	sst @!p0 s16  }
0x1f: {  	[smem:$0x6] =	sst @!p0 s16  }
0x20: {  	[smem:$0x7] =	sst @!p0 s16  }
0x21: {  	[spmem:s9], [sflag:s5] =	dma.local [hbm:s4], $0x2780  }
0x22: {  	_ =	swait.ge [sflag:s10], $0x2780  }
0x23: {  	[sflag:s10] =	ssyncset.done $0x0  }
0x24: {  	[sflag:s10] =	ssyncadd.s32 $0xFFFFD880  }
0x25: {  	[tilespmem:s11], [sflag:$0x3] =	stream.linear.gather [hbm4b:s1+s3], $0x4000, $0x38;
	[tilespmem:$0x8F80] =	vst v63  }
0x26: {  	_ =	swait.ge [sflag:s10], $0x4000  }
0x27: {  	[sflag:s10] =	ssyncset.done $0x0  }
0x28: {  	[sflag:s10] =	ssyncadd.s32 $0xFFFFC000  }
0x29: {  	[tilespmem:s3], [sflag:$0x3] =	stream.linear.gather [hbm4b:s6+s3], $0x2800, $0x38;
	[tilespmem:$0x8F80] =	vst v63  }
0x2a: {  	_ =	swait.ge [sflag:s10], $0x2800  }
0x2b: {  	[sflag:s10] =	ssyncset.done $0x0  }
0x2c: {  	[sflag:s10] =	ssyncadd.s32 $0xFFFFD800  }
0x2d: {  	[bflag:$0x0] =	sbarrier.arrive $0xFFFF  }
0x2e: {  	[sflag:s12] =	ssyncset.done $0x0  }
0x2f: {  	[smem:s3], [sflag:$0x1] =	smem.add.s32 $0x1  }
0x30: {  	_ =	swait.done [sflag:s12]  }
0x31: {  	[sflag:s12] =	ssyncset.s32 $0x0  }
0x32: {  	[sflag:s12] =	ssyncset.done $0x0  }
0x33: {  	s17 =	simm.s32 $0x0;
	s16 =	simm.s32 $0x18F;
	[smem:$0x4] =	sst s3  }
.LBB2_3:
0x34: {  	p1 =	sne.s32 s17, $0x0  }
0x35: {  	s17 =	simm.s32 @!p1 $0x3  }
0x36: {  	s18 =	simm.s32 @!p1 $0x0;
	[sflag:s17] =	ssyncset.done @!p1 $0x0  }
0x37: {  	[smem:s18], [sflag:$0x3] =	smem.add.s32 @!p1 $0x0  }
0x38: {  	_ =	swait.done @!p1 [sflag:s17]  }
0x39: {  	s18 =	ssyncread @!p1 [sflag:$0x3];
	_ =	sdelay $0x2  }
0x3a: {  	[sflag:s17] =	ssyncset.s32 @!p1 $0x0;
	p2 =	slt.s32 @!p1 s18, $0x10  }
0x3b: {  	[sflag:s17] =	ssyncset.done @!p1 $0x0;
	p2 =	por p2, p1;
	p1 =	sne.s32 s16, $0x0  }
.Ltmp2:
0x3c: {  	_ = 	snop;
	(pc) =	sbr.rel @!p1 .LBB2_4-.Ltmp2, $3  }
0x3d: {  	_ =	sdelay $0x1  }
0x3e: {  	s17 =	simm.s32 @!p2 $0x1  }
0x3f: {  	[smem:$0x4] =	sst @!p2 s17  }
.Ltmp3:
0x40: {  	(pc) =	sbr.rel .LBB2_3-.Ltmp3, $3  }
0x41: {  	_ = 	snop  }
0x42: {  	s17 =	sld [smem:$0x4];
	_ =	sdelay $0x1  }
0x43: {  	s16 =	sadd.s32 $0xFFFFFFFF, s16  }
.LBB2_4:
0x44: {  	s16 =	simm.s32 $0x0  }
0x45: {  	[spmem:s2] =	stream.indirect.scatter.add.f32 [tilespmem:s11], [sflag:$0x3], $0x10, s16, s13, $0xb8;
	[tilespmem:$0x8F80] =	vst v63  }
0x46: {  	_ =	swait.ge [sflag:s10], $0x800  }
0x47: {  	s16 =	simm.s32 $0x200;
	[sflag:s10] =	ssyncset.done $0x0  }
.LBB2_5:
0x48: {  	s17 =	sshra.s32 s16, $0x2;
	[sflag:s10] =	ssyncadd.s32 $0xFFFFF800;
	p1 =	sne.s32 s16, $0x9E00  }
0x49: {  	[spmem:s2] =	stream.indirect.scatter.add.f32 [tilespmem:s11], [sflag:$0x3], $0x10, s17, s13, $0xb8;
	[tilespmem:$0x8F80] =	vst v63  }
.Ltmp4:
0x4a: {  	_ = 	snop;
	(pc) =	sbr.rel @p1 .LBB2_5-.Ltmp4, $4  }
0x4b: {  	_ = 	snop  }
0x4c: {  	s16 =	sadd.s32 $0x200, s16  }
0x4d: {  	_ =	swait.ge [sflag:s10], $0x800  }
0x4e: {  	[sflag:s10] =	ssyncset.done $0x0  }
0x4f: {  	[sflag:s10] =	ssyncadd.s32 $0xFFFFF800  }
0x50: {  	[bflag:$0x0] =	sbarrier.arrive $0xFFFF  }
0x51: {  	[sflag:s14] =	ssyncset.done $0x0  }
0x52: {  	[smem:s12], [sflag:$0x2] =	smem.add.s32 $0x1  }
0x53: {  	_ =	swait.done [sflag:s14]  }
0x54: {  	[sflag:s14] =	ssyncset.s32 $0x0  }
0x55: {  	s17 =	simm.s32 $0x0;
	[sflag:s14] =	ssyncset.done $0x0  }
0x56: {  	s16 =	simm.s32 $0x18F;
	[smem:$0x5] =	sst s17  }
.LBB2_8:
0x57: {  	p1 =	sne.s32 s17, $0x0  }
0x58: {  	s17 =	simm.s32 @!p1 $0x3  }
0x59: {  	[sflag:s17] =	ssyncset.done @!p1 $0x0  }
0x5a: {  	[smem:s12], [sflag:$0x3] =	smem.add.s32 @!p1 $0x0  }
0x5b: {  	_ =	swait.done @!p1 [sflag:s17]  }
0x5c: {  	s18 =	ssyncread @!p1 [sflag:$0x3];
	_ =	sdelay $0x2  }
0x5d: {  	[sflag:s17] =	ssyncset.s32 @!p1 $0x0;
	p2 =	slt.s32 @!p1 s18, $0x10  }
0x5e: {  	[sflag:s17] =	ssyncset.done @!p1 $0x0;
	p2 =	por p2, p1;
	p1 =	sne.s32 s16, $0x0  }
.Ltmp5:
0x5f: {  	_ = 	snop;
	(pc) =	sbr.rel @!p1 .LBB2_9-.Ltmp5, $3  }
0x60: {  	_ =	sdelay $0x1  }
0x61: {  	s17 =	simm.s32 @!p2 $0x1  }
0x62: {  	[smem:$0x5] =	sst @!p2 s17  }
.Ltmp6:
0x63: {  	(pc) =	sbr.rel .LBB2_8-.Ltmp6, $3  }
0x64: {  	_ = 	snop  }
0x65: {  	s17 =	sld [smem:$0x5];
	_ =	sdelay $0x1  }
0x66: {  	s16 =	sadd.s32 $0xFFFFFFFF, s16  }
.LBB2_10:
0x67: {  	_ =	sfence.sel $0x180000  }
0x68: {  	[bflag:$0x0] =	sbarrier.arrive $0xFFFF  }
0x69: {  	_ =	strace $0x90000047  }
0x6a: {  	s0 =	sadd.s32 @!p0 $0x100000, s0;
	[bflag:$0x2] =	sbarrier.arrive $0xFFFF  }
0x6b: {  	[sflag:s0] =	ssyncadd.tile.s32 @!p0 $0x1;
	_ =	shalt  }
.Lfunc_end2:
_tile_overlayer_lowered:
.L_overlay_start_2:
0x6c: {  	(tag) =	ssettag $0x2  }
0x6d: {  	s0 =	rddreg [dreg:$0x0];
	s2 =	stileid.u32  }
0x6e: {  	s1 =	rddreg [dreg:$0x1];
	p0 =	sne.s32 s2, $0x0  }
0x6f: {  	s3 =	rddreg [dreg:$0x2];
	[bflag:$0x3] =	sbarrier.arrive $0xFFFF;
	s2 =	simm.s32 @!p0 $0x1C01  }
0x70: {  	[timem:s3], [sflag:s2] =	dma.local @!p0 [hbm:s0], s1  }
0x71: {  	s0 =	simm.s32 @!p0 $0x1  }
0x72: {  	_ =	swait.ge @!p0 [sflag:s0], s1  }
0x73: {  	s1 =	ssub.s32 @!p0 $0x0, s1;
	[sflag:s0] =	ssyncset.done @!p0 $0x0  }
0x74: {  	[sflag:s0] =	ssyncadd.s32 @!p0 s1  }
0x75: {  	[bflag:$0x3] =	sbarrier.arrive $0xFFFF  }
0x76: {  	_ =	shalt  }

</sc_bundles>
